<compile_context>
chip_gen: v7x
topology: tpu7x:2x2x1
jax: 0.10.2.dev20260603
libtpu: 0.0.44.dev20260713+nightly
codegen_flags: <defaults>
</compile_context>

<pallas_src>
import functools
import math

import jax
import jax.numpy as jnp
from jax import lax
from jax.experimental import pallas as pl
from jax.experimental.pallas import tpu as pltpu
from jax.experimental.pallas import tpu_sc as plsc

D_MODEL = 64
SCALE = math.sqrt(D_MODEL)

_NC = 2
_NS = 16
_NW = _NC * _NS
CHUNK = 128
NBUF = 4


@functools.lru_cache(maxsize=None)
def _make_kernel(H: int, B: int):
    bt_total = B // CHUNK
    assert bt_total == _NW * NBUF
    phys_shape = (H, D_MODEL // 8, bt_total, 8, CHUNK)
    mesh = plsc.VectorSubcoreMesh(core_axis_name="c", subcore_axis_name="s")

    @functools.partial(
        pl.kernel,
        mesh=mesh,
        out_type=jax.ShapeDtypeStruct(phys_shape, jnp.float32),
        scratch_types=(
            [pltpu.VMEM((H, NBUF, CHUNK), jnp.int32),
             pltpu.VMEM((NBUF, CHUNK, 2 * D_MODEL), jnp.float32),
             pltpu.VMEM((NBUF, D_MODEL // 8, 8, CHUNK), jnp.float32)]
            + [pltpu.SemaphoreType.DMA] * (2 * NBUF)
        ),
        compiler_params=pltpu.CompilerParams(use_tc_tiling_on_sc=False,
                                             needs_layout_passes=False),
    )
    def k(xt_hbm, lut_hbm, phys_hbm, idx_v, gbuf, tbuf, *sems):
        gsem = sems[:NBUF]
        ssem = sems[NBUF:]
        wid = lax.axis_index("s") * _NC + lax.axis_index("c")
        for j in range(NBUF):
            pltpu.sync_copy(
                xt_hbm.at[:, pl.ds((NBUF * wid + j) * CHUNK, CHUNK)],
                idx_v.at[:, j])

        iota16 = lax.iota(jnp.int32, 16)
        lanevs = [iota16 + rb * 16 for rb in range(CHUNK // 16)]

        def start_gather(h, j):
            pltpu.async_copy(lut_hbm.at[idx_v.at[h, j]], gbuf.at[j], gsem[j])

        for j in range(NBUF):
            start_gather(0, j)

        def h_body(h, carry):
            for j in range(NBUF):
                bt = NBUF * wid + j
                pltpu.make_async_copy(lut_hbm.at[pl.ds(0, CHUNK)],
                                      gbuf.at[j], gsem[j]).wait()

                @pl.when(h > 0)
                def _():
                    pltpu.make_async_copy(tbuf.at[j],
                                          phys_hbm.at[0, :, 0],
                                          ssem[j]).wait()

                def t_body(t, carry2):
                    d0 = lax.shift_left(lax.shift_right_logical(t, 4), 4)
                    col = lax.bitwise_and(iota16 + t, 15) + d0
                    dtv = lax.shift_right_logical(col, 3)
                    dsv = lax.bitwise_and(col, 7)
                    for rb in range(CHUNK // 16):
                        v = plsc.load_gather(gbuf.at[j], [lanevs[rb], col])
                        plsc.store_scatter(tbuf.at[j], [dtv, dsv, lanevs[rb]],
                                           v)
                    return carry2

                lax.fori_loop(0, D_MODEL, t_body, 0, unroll=2)

                @pl.when(h + 1 < H)
                def _():
                    start_gather(h + 1, j)

                pltpu.async_copy(tbuf.at[j], phys_hbm.at[h, :, bt], ssem[j])
            return carry

        lax.fori_loop(0, H, h_body, 0)

        for j in range(NBUF):
            pltpu.make_async_copy(tbuf.at[j], phys_hbm.at[0, :, 0],
                                  ssem[j]).wait()

    return k


def kernel(x, lut):
    b0, b1 = x.shape
    xt = x.astype(jnp.int32).T
    lutp = jnp.pad(lut, ((0, 0), (0, 2 * D_MODEL - lut.shape[1]))) * SCALE
    phys = _make_kernel(b1, b0)(xt, lutp)
    return phys.transpose(2, 4, 0, 1, 3).reshape(b0, b1, D_MODEL)

# --- scband reference (transcript-rebuilt; emitter-appended) ---
"""Pipeline reference for scband-embeddings-10995116277850 (READ-ONLY COPY).

The authoritative reference and input builder live on the scoring server;
editing this copy changes nothing except your own understanding.
"""

import jax, jax.numpy as jnp
import numpy as np
import math

D_MODEL = 64
VOCAB = 1000000
BATCH = 16384
HIST = 50


def setup_inputs(seed: int = 0) -> dict:
    key = jax.random.key(seed)
    k1, k2 = jax.random.split(key)
    x = jax.random.randint(k1, (BATCH, HIST), 0, VOCAB, dtype=jnp.int64 if jax.config.jax_enable_x64 else jnp.int32)
    lut = jax.random.normal(k2, (VOCAB, D_MODEL), dtype=jnp.float32)
    return {"x": x, "lut": lut}


def reference(x, lut):
    # Faithful translation of Embeddings.forward: self.lut(x) * sqrt(d_model)
    emb = jnp.take(lut, x, axis=0)
    return emb * math.sqrt(D_MODEL)

if __name__ == "__main__":
    import jax
    _d = setup_inputs()
    print(jax.jit(kernel)(*tuple(_d.values())))

</pallas_src>

<mosaic_0001>
#map = affine_map<(d0, d1) -> (0, 0)>
#map1 = affine_map<(d0, d1) -> (0, 0, 0, 0, 0)>
module attributes {stable_mosaic.version = 14 : i64} {
  func.func @k(%arg0: i32, %arg1: i32, %arg2: memref<50x16384xi32, #tpu.memory_space<hbm>>, %arg3: memref<1000000x128xf32, #tpu.memory_space<hbm>>, %arg4: memref<50x8x128x8x128xf32, #tpu.memory_space<hbm>>, %arg5: memref<50x4x128xi32, #tpu.memory_space<vmem>>, %arg6: memref<4x128x128xf32, #tpu.memory_space<vmem>>, %arg7: memref<4x8x8x128xf32, #tpu.memory_space<vmem>>, %arg8: memref<!tpu.dma_semaphore, #tpu.memory_space<semaphore_mem>>, %arg9: memref<!tpu.dma_semaphore, #tpu.memory_space<semaphore_mem>>, %arg10: memref<!tpu.dma_semaphore, #tpu.memory_space<semaphore_mem>>, %arg11: memref<!tpu.dma_semaphore, #tpu.memory_space<semaphore_mem>>, %arg12: memref<!tpu.dma_semaphore, #tpu.memory_space<semaphore_mem>>, %arg13: memref<!tpu.dma_semaphore, #tpu.memory_space<semaphore_mem>>, %arg14: memref<!tpu.dma_semaphore, #tpu.memory_space<semaphore_mem>>, %arg15: memref<!tpu.dma_semaphore, #tpu.memory_space<semaphore_mem>>) attributes {dimension_semantics = [#tpu.dimension_semantics<core_parallel>, #tpu.dimension_semantics<subcore_parallel>], iteration_bounds = array<i64: 2, 16>, scalar_prefetch = 0 : i64, scratch_operands = 11 : i64, tpu.core_type = #tpu.core_type<sc_vector_subcore>, window_params = [{transform_indices = #map}, {transform_indices = #map}, {transform_indices = #map1}]} {
    %mul3A = arith.constant 2 : i32
    %mul3A_0 = arith.muli %arg1, %mul3A : i32
    %add3A = arith.addi %mul3A_0, %arg0 : i32
    %mul3A_1 = arith.constant 4 : i32
    %mul3A_2 = arith.muli %mul3A_1, %add3A : i32
    %add3A_3 = arith.constant 0 : i32
    %add3A_4 = arith.addi %mul3A_2, %add3A_3 : i32
    %mul3A_5 = arith.constant 128 : i32
    %mul3A_6 = arith.muli %add3A_4, %mul3A_5 : i32
    %run_scoped3A = arith.constant 0 : i32
    "tpu.region"() ({
      %run_scoped3A_199 = tpu.sem_alloc : memref<!tpu.dma_semaphore, #tpu.memory_space<semaphore_mem>>
      %dma_start3A_200 = arith.constant 0 : i32
      %dma_start3A_201 = arith.constant 0 : i32
      %dma_start3A_202 = tpu.memref_slice %arg5[%dma_start3A_200, %run_scoped3A, %dma_start3A_201] : memref<50x4x128xi32, #tpu.memory_space<vmem>> -> memref<50x1x128xi32, #tpu.memory_space<vmem>>
      %dma_start3A_203 = tpu.memref_squeeze %dma_start3A_202 : memref<50x1x128xi32, #tpu.memory_space<vmem>> -> memref<50x128xi32, #tpu.memory_space<vmem>>
      %dma_start3A_204 = arith.constant 0 : i32
      %dma_start3A_205 = tpu.memref_slice %arg2[%dma_start3A_204, %mul3A_6] : memref<50x16384xi32, #tpu.memory_space<hbm>> -> memref<50x128xi32, #tpu.memory_space<hbm>>
      %dma_start3A_206 = arith.constant 0 : i32
      %dma_start3A_207 = arith.constant 0 : i32
      %dma_start3A_208 = tpu.memref_slice %arg5[%dma_start3A_206, %run_scoped3A, %dma_start3A_207] : memref<50x4x128xi32, #tpu.memory_space<vmem>> -> memref<50x1x128xi32, #tpu.memory_space<vmem>>
      %dma_start3A_209 = tpu.memref_squeeze %dma_start3A_208 : memref<50x1x128xi32, #tpu.memory_space<vmem>> -> memref<50x128xi32, #tpu.memory_space<vmem>>
      %dma_start3A_210 = arith.constant 0 : i32
      %dma_start3A_211 = tpu.memref_slice %arg2[%dma_start3A_210, %mul3A_6] : memref<50x16384xi32, #tpu.memory_space<hbm>> -> memref<50x128xi32, #tpu.memory_space<hbm>>
      tpu.enqueue_dma source(%dma_start3A_211 : memref<50x128xi32, #tpu.memory_space<hbm>>) target(%dma_start3A_209 : memref<50x128xi32, #tpu.memory_space<vmem>>) target_semaphore(%run_scoped3A_199 : memref<!tpu.dma_semaphore, #tpu.memory_space<semaphore_mem>>)
      %dma_wait3A_212 = arith.constant 0 : i32
      %dma_wait3A_213 = arith.constant 0 : i32
      %dma_wait3A_214 = tpu.memref_slice %arg5[%dma_wait3A_212, %run_scoped3A, %dma_wait3A_213] : memref<50x4x128xi32, #tpu.memory_space<vmem>> -> memref<50x1x128xi32, #tpu.memory_space<vmem>>
      %dma_wait3A_215 = tpu.memref_squeeze %dma_wait3A_214 : memref<50x1x128xi32, #tpu.memory_space<vmem>> -> memref<50x128xi32, #tpu.memory_space<vmem>>
      %dma_wait3A_216 = arith.constant 0 : i32
      %dma_wait3A_217 = tpu.memref_slice %arg2[%dma_wait3A_216, %mul3A_6] : memref<50x16384xi32, #tpu.memory_space<hbm>> -> memref<50x128xi32, #tpu.memory_space<hbm>>
      %dma_wait3A_218 = arith.constant 0 : i32
      %dma_wait3A_219 = arith.constant 0 : i32
      %dma_wait3A_220 = tpu.memref_slice %arg5[%dma_wait3A_218, %run_scoped3A, %dma_wait3A_219] : memref<50x4x128xi32, #tpu.memory_space<vmem>> -> memref<50x1x128xi32, #tpu.memory_space<vmem>>
      %dma_wait3A_221 = tpu.memref_squeeze %dma_wait3A_220 : memref<50x1x128xi32, #tpu.memory_space<vmem>> -> memref<50x128xi32, #tpu.memory_space<vmem>>
      %dma_wait3A_222 = arith.constant 0 : i32
      %dma_wait3A_223 = tpu.memref_slice %arg2[%dma_wait3A_222, %mul3A_6] : memref<50x16384xi32, #tpu.memory_space<hbm>> -> memref<50x128xi32, #tpu.memory_space<hbm>>
      tpu.wait_dma2 semaphore(%run_scoped3A_199 : memref<!tpu.dma_semaphore, #tpu.memory_space<semaphore_mem>>) src(%dma_wait3A_223 : memref<50x128xi32, #tpu.memory_space<hbm>>) dst(%dma_wait3A_221 : memref<50x128xi32, #tpu.memory_space<vmem>>)
      tpu.yield
    }) : () -> ()
    %mul3A_7 = arith.constant 4 : i32
    %mul3A_8 = arith.muli %mul3A_7, %add3A : i32
    %add3A_9 = arith.constant 1 : i32
    %add3A_10 = arith.addi %mul3A_8, %add3A_9 : i32
    %mul3A_11 = arith.constant 128 : i32
    %mul3A_12 = arith.muli %add3A_10, %mul3A_11 : i32
    %run_scoped3A_13 = arith.constant 1 : i32
    "tpu.region"() ({
      %run_scoped3A_199 = tpu.sem_alloc : memref<!tpu.dma_semaphore, #tpu.memory_space<semaphore_mem>>
      %dma_start3A_200 = arith.constant 0 : i32
      %dma_start3A_201 = arith.constant 0 : i32
      %dma_start3A_202 = tpu.memref_slice %arg5[%dma_start3A_200, %run_scoped3A_13, %dma_start3A_201] : memref<50x4x128xi32, #tpu.memory_space<vmem>> -> memref<50x1x128xi32, #tpu.memory_space<vmem>>
      %dma_start3A_203 = tpu.memref_squeeze %dma_start3A_202 : memref<50x1x128xi32, #tpu.memory_space<vmem>> -> memref<50x128xi32, #tpu.memory_space<vmem>>
      %dma_start3A_204 = arith.constant 0 : i32
      %dma_start3A_205 = tpu.memref_slice %arg2[%dma_start3A_204, %mul3A_12] : memref<50x16384xi32, #tpu.memory_space<hbm>> -> memref<50x128xi32, #tpu.memory_space<hbm>>
      %dma_start3A_206 = arith.constant 0 : i32
      %dma_start3A_207 = arith.constant 0 : i32
      %dma_start3A_208 = tpu.memref_slice %arg5[%dma_start3A_206, %run_scoped3A_13, %dma_start3A_207] : memref<50x4x128xi32, #tpu.memory_space<vmem>> -> memref<50x1x128xi32, #tpu.memory_space<vmem>>
      %dma_start3A_209 = tpu.memref_squeeze %dma_start3A_208 : memref<50x1x128xi32, #tpu.memory_space<vmem>> -> memref<50x128xi32, #tpu.memory_space<vmem>>
      %dma_start3A_210 = arith.constant 0 : i32
      %dma_start3A_211 = tpu.memref_slice %arg2[%dma_start3A_210, %mul3A_12] : memref<50x16384xi32, #tpu.memory_space<hbm>> -> memref<50x128xi32, #tpu.memory_space<hbm>>
      tpu.enqueue_dma source(%dma_start3A_211 : memref<50x128xi32, #tpu.memory_space<hbm>>) target(%dma_start3A_209 : memref<50x128xi32, #tpu.memory_space<vmem>>) target_semaphore(%run_scoped3A_199 : memref<!tpu.dma_semaphore, #tpu.memory_space<semaphore_mem>>)
      %dma_wait3A_212 = arith.constant 0 : i32
      %dma_wait3A_213 = arith.constant 0 : i32
      %dma_wait3A_214 = tpu.memref_slice %arg5[%dma_wait3A_212, %run_scoped3A_13, %dma_wait3A_213] : memref<50x4x128xi32, #tpu.memory_space<vmem>> -> memref<50x1x128xi32, #tpu.memory_space<vmem>>
      %dma_wait3A_215 = tpu.memref_squeeze %dma_wait3A_214 : memref<50x1x128xi32, #tpu.memory_space<vmem>> -> memref<50x128xi32, #tpu.memory_space<vmem>>
      %dma_wait3A_216 = arith.constant 0 : i32
      %dma_wait3A_217 = tpu.memref_slice %arg2[%dma_wait3A_216, %mul3A_12] : memref<50x16384xi32, #tpu.memory_space<hbm>> -> memref<50x128xi32, #tpu.memory_space<hbm>>
      %dma_wait3A_218 = arith.constant 0 : i32
      %dma_wait3A_219 = arith.constant 0 : i32
      %dma_wait3A_220 = tpu.memref_slice %arg5[%dma_wait3A_218, %run_scoped3A_13, %dma_wait3A_219] : memref<50x4x128xi32, #tpu.memory_space<vmem>> -> memref<50x1x128xi32, #tpu.memory_space<vmem>>
      %dma_wait3A_221 = tpu.memref_squeeze %dma_wait3A_220 : memref<50x1x128xi32, #tpu.memory_space<vmem>> -> memref<50x128xi32, #tpu.memory_space<vmem>>
      %dma_wait3A_222 = arith.constant 0 : i32
      %dma_wait3A_223 = tpu.memref_slice %arg2[%dma_wait3A_222, %mul3A_12] : memref<50x16384xi32, #tpu.memory_space<hbm>> -> memref<50x128xi32, #tpu.memory_space<hbm>>
      tpu.wait_dma2 semaphore(%run_scoped3A_199 : memref<!tpu.dma_semaphore, #tpu.memory_space<semaphore_mem>>) src(%dma_wait3A_223 : memref<50x128xi32, #tpu.memory_space<hbm>>) dst(%dma_wait3A_221 : memref<50x128xi32, #tpu.memory_space<vmem>>)
      tpu.yield
    }) : () -> ()
    %mul3A_14 = arith.constant 4 : i32
    %mul3A_15 = arith.muli %mul3A_14, %add3A : i32
    %add3A_16 = arith.constant 2 : i32
    %add3A_17 = arith.addi %mul3A_15, %add3A_16 : i32
    %mul3A_18 = arith.constant 128 : i32
    %mul3A_19 = arith.muli %add3A_17, %mul3A_18 : i32
    %run_scoped3A_20 = arith.constant 2 : i32
    "tpu.region"() ({
      %run_scoped3A_199 = tpu.sem_alloc : memref<!tpu.dma_semaphore, #tpu.memory_space<semaphore_mem>>
      %dma_start3A_200 = arith.constant 0 : i32
      %dma_start3A_201 = arith.constant 0 : i32
      %dma_start3A_202 = tpu.memref_slice %arg5[%dma_start3A_200, %run_scoped3A_20, %dma_start3A_201] : memref<50x4x128xi32, #tpu.memory_space<vmem>> -> memref<50x1x128xi32, #tpu.memory_space<vmem>>
      %dma_start3A_203 = tpu.memref_squeeze %dma_start3A_202 : memref<50x1x128xi32, #tpu.memory_space<vmem>> -> memref<50x128xi32, #tpu.memory_space<vmem>>
      %dma_start3A_204 = arith.constant 0 : i32
      %dma_start3A_205 = tpu.memref_slice %arg2[%dma_start3A_204, %mul3A_19] : memref<50x16384xi32, #tpu.memory_space<hbm>> -> memref<50x128xi32, #tpu.memory_space<hbm>>
      %dma_start3A_206 = arith.constant 0 : i32
      %dma_start3A_207 = arith.constant 0 : i32
      %dma_start3A_208 = tpu.memref_slice %arg5[%dma_start3A_206, %run_scoped3A_20, %dma_start3A_207] : memref<50x4x128xi32, #tpu.memory_space<vmem>> -> memref<50x1x128xi32, #tpu.memory_space<vmem>>
      %dma_start3A_209 = tpu.memref_squeeze %dma_start3A_208 : memref<50x1x128xi32, #tpu.memory_space<vmem>> -> memref<50x128xi32, #tpu.memory_space<vmem>>
      %dma_start3A_210 = arith.constant 0 : i32
      %dma_start3A_211 = tpu.memref_slice %arg2[%dma_start3A_210, %mul3A_19] : memref<50x16384xi32, #tpu.memory_space<hbm>> -> memref<50x128xi32, #tpu.memory_space<hbm>>
      tpu.enqueue_dma source(%dma_start3A_211 : memref<50x128xi32, #tpu.memory_space<hbm>>) target(%dma_start3A_209 : memref<50x128xi32, #tpu.memory_space<vmem>>) target_semaphore(%run_scoped3A_199 : memref<!tpu.dma_semaphore, #tpu.memory_space<semaphore_mem>>)
      %dma_wait3A_212 = arith.constant 0 : i32
      %dma_wait3A_213 = arith.constant 0 : i32
      %dma_wait3A_214 = tpu.memref_slice %arg5[%dma_wait3A_212, %run_scoped3A_20, %dma_wait3A_213] : memref<50x4x128xi32, #tpu.memory_space<vmem>> -> memref<50x1x128xi32, #tpu.memory_space<vmem>>
      %dma_wait3A_215 = tpu.memref_squeeze %dma_wait3A_214 : memref<50x1x128xi32, #tpu.memory_space<vmem>> -> memref<50x128xi32, #tpu.memory_space<vmem>>
      %dma_wait3A_216 = arith.constant 0 : i32
      %dma_wait3A_217 = tpu.memref_slice %arg2[%dma_wait3A_216, %mul3A_19] : memref<50x16384xi32, #tpu.memory_space<hbm>> -> memref<50x128xi32, #tpu.memory_space<hbm>>
      %dma_wait3A_218 = arith.constant 0 : i32
      %dma_wait3A_219 = arith.constant 0 : i32
      %dma_wait3A_220 = tpu.memref_slice %arg5[%dma_wait3A_218, %run_scoped3A_20, %dma_wait3A_219] : memref<50x4x128xi32, #tpu.memory_space<vmem>> -> memref<50x1x128xi32, #tpu.memory_space<vmem>>
      %dma_wait3A_221 = tpu.memref_squeeze %dma_wait3A_220 : memref<50x1x128xi32, #tpu.memory_space<vmem>> -> memref<50x128xi32, #tpu.memory_space<vmem>>
      %dma_wait3A_222 = arith.constant 0 : i32
      %dma_wait3A_223 = tpu.memref_slice %arg2[%dma_wait3A_222, %mul3A_19] : memref<50x16384xi32, #tpu.memory_space<hbm>> -> memref<50x128xi32, #tpu.memory_space<hbm>>
      tpu.wait_dma2 semaphore(%run_scoped3A_199 : memref<!tpu.dma_semaphore, #tpu.memory_space<semaphore_mem>>) src(%dma_wait3A_223 : memref<50x128xi32, #tpu.memory_space<hbm>>) dst(%dma_wait3A_221 : memref<50x128xi32, #tpu.memory_space<vmem>>)
      tpu.yield
    }) : () -> ()
    %mul3A_21 = arith.constant 4 : i32
    %mul3A_22 = arith.muli %mul3A_21, %add3A : i32
    %add3A_23 = arith.constant 3 : i32
    %add3A_24 = arith.addi %mul3A_22, %add3A_23 : i32
    %mul3A_25 = arith.constant 128 : i32
    %mul3A_26 = arith.muli %add3A_24, %mul3A_25 : i32
    %run_scoped3A_27 = arith.constant 3 : i32
    "tpu.region"() ({
      %run_scoped3A_199 = tpu.sem_alloc : memref<!tpu.dma_semaphore, #tpu.memory_space<semaphore_mem>>
      %dma_start3A_200 = arith.constant 0 : i32
      %dma_start3A_201 = arith.constant 0 : i32
      %dma_start3A_202 = tpu.memref_slice %arg5[%dma_start3A_200, %run_scoped3A_27, %dma_start3A_201] : memref<50x4x128xi32, #tpu.memory_space<vmem>> -> memref<50x1x128xi32, #tpu.memory_space<vmem>>
      %dma_start3A_203 = tpu.memref_squeeze %dma_start3A_202 : memref<50x1x128xi32, #tpu.memory_space<vmem>> -> memref<50x128xi32, #tpu.memory_space<vmem>>
      %dma_start3A_204 = arith.constant 0 : i32
      %dma_start3A_205 = tpu.memref_slice %arg2[%dma_start3A_204, %mul3A_26] : memref<50x16384xi32, #tpu.memory_space<hbm>> -> memref<50x128xi32, #tpu.memory_space<hbm>>
      %dma_start3A_206 = arith.constant 0 : i32
      %dma_start3A_207 = arith.constant 0 : i32
      %dma_start3A_208 = tpu.memref_slice %arg5[%dma_start3A_206, %run_scoped3A_27, %dma_start3A_207] : memref<50x4x128xi32, #tpu.memory_space<vmem>> -> memref<50x1x128xi32, #tpu.memory_space<vmem>>
      %dma_start3A_209 = tpu.memref_squeeze %dma_start3A_208 : memref<50x1x128xi32, #tpu.memory_space<vmem>> -> memref<50x128xi32, #tpu.memory_space<vmem>>
      %dma_start3A_210 = arith.constant 0 : i32
      %dma_start3A_211 = tpu.memref_slice %arg2[%dma_start3A_210, %mul3A_26] : memref<50x16384xi32, #tpu.memory_space<hbm>> -> memref<50x128xi32, #tpu.memory_space<hbm>>
      tpu.enqueue_dma source(%dma_start3A_211 : memref<50x128xi32, #tpu.memory_space<hbm>>) target(%dma_start3A_209 : memref<50x128xi32, #tpu.memory_space<vmem>>) target_semaphore(%run_scoped3A_199 : memref<!tpu.dma_semaphore, #tpu.memory_space<semaphore_mem>>)
      %dma_wait3A_212 = arith.constant 0 : i32
      %dma_wait3A_213 = arith.constant 0 : i32
      %dma_wait3A_214 = tpu.memref_slice %arg5[%dma_wait3A_212, %run_scoped3A_27, %dma_wait3A_213] : memref<50x4x128xi32, #tpu.memory_space<vmem>> -> memref<50x1x128xi32, #tpu.memory_space<vmem>>
      %dma_wait3A_215 = tpu.memref_squeeze %dma_wait3A_214 : memref<50x1x128xi32, #tpu.memory_space<vmem>> -> memref<50x128xi32, #tpu.memory_space<vmem>>
      %dma_wait3A_216 = arith.constant 0 : i32
      %dma_wait3A_217 = tpu.memref_slice %arg2[%dma_wait3A_216, %mul3A_26] : memref<50x16384xi32, #tpu.memory_space<hbm>> -> memref<50x128xi32, #tpu.memory_space<hbm>>
      %dma_wait3A_218 = arith.constant 0 : i32
      %dma_wait3A_219 = arith.constant 0 : i32
      %dma_wait3A_220 = tpu.memref_slice %arg5[%dma_wait3A_218, %run_scoped3A_27, %dma_wait3A_219] : memref<50x4x128xi32, #tpu.memory_space<vmem>> -> memref<50x1x128xi32, #tpu.memory_space<vmem>>
      %dma_wait3A_221 = tpu.memref_squeeze %dma_wait3A_220 : memref<50x1x128xi32, #tpu.memory_space<vmem>> -> memref<50x128xi32, #tpu.memory_space<vmem>>
      %dma_wait3A_222 = arith.constant 0 : i32
      %dma_wait3A_223 = tpu.memref_slice %arg2[%dma_wait3A_222, %mul3A_26] : memref<50x16384xi32, #tpu.memory_space<hbm>> -> memref<50x128xi32, #tpu.memory_space<hbm>>
      tpu.wait_dma2 semaphore(%run_scoped3A_199 : memref<!tpu.dma_semaphore, #tpu.memory_space<semaphore_mem>>) src(%dma_wait3A_223 : memref<50x128xi32, #tpu.memory_space<hbm>>) dst(%dma_wait3A_221 : memref<50x128xi32, #tpu.memory_space<vmem>>)
      tpu.yield
    }) : () -> ()
    %iota3A = tpu.iota {dimensions = array<i32: 0>} : vector<16xi32>
    %add3A_28 = arith.constant 0 : i32
    %add3A_29 = vector.broadcast %add3A_28 : i32 to vector<16xi32>
    %add3A_30 = arith.addi %iota3A, %add3A_29 : vector<16xi32>
    %add3A_31 = arith.constant 16 : i32
    %add3A_32 = vector.broadcast %add3A_31 : i32 to vector<16xi32>
    %add3A_33 = arith.addi %iota3A, %add3A_32 : vector<16xi32>
    %add3A_34 = arith.constant 32 : i32
    %add3A_35 = vector.broadcast %add3A_34 : i32 to vector<16xi32>
    %add3A_36 = arith.addi %iota3A, %add3A_35 : vector<16xi32>
    %add3A_37 = arith.constant 48 : i32
    %add3A_38 = vector.broadcast %add3A_37 : i32 to vector<16xi32>
    %add3A_39 = arith.addi %iota3A, %add3A_38 : vector<16xi32>
    %add3A_40 = arith.constant 64 : i32
    %add3A_41 = vector.broadcast %add3A_40 : i32 to vector<16xi32>
    %add3A_42 = arith.addi %iota3A, %add3A_41 : vector<16xi32>
    %add3A_43 = arith.constant 80 : i32
    %add3A_44 = vector.broadcast %add3A_43 : i32 to vector<16xi32>
    %add3A_45 = arith.addi %iota3A, %add3A_44 : vector<16xi32>
    %add3A_46 = arith.constant 96 : i32
    %add3A_47 = vector.broadcast %add3A_46 : i32 to vector<16xi32>
    %add3A_48 = arith.addi %iota3A, %add3A_47 : vector<16xi32>
    %add3A_49 = arith.constant 112 : i32
    %add3A_50 = vector.broadcast %add3A_49 : i32 to vector<16xi32>
    %add3A_51 = arith.addi %iota3A, %add3A_50 : vector<16xi32>
    %dma_start3A = arith.constant 0 : i32
    %dma_start3A_52 = arith.constant 0 : i32
    %dma_start3A_53 = arith.constant 0 : i32
    %dma_start3A_54 = arith.constant 0 : i32
    %dma_start3A_55 = arith.constant 0 : i32
    %dma_start3A_56 = tpu.memref_slice %arg6[%dma_start3A_53, %dma_start3A_54, %dma_start3A_55] : memref<4x128x128xf32, #tpu.memory_space<vmem>> -> memref<1x128x128xf32, #tpu.memory_space<vmem>>
    %dma_start3A_57 = tpu.memref_squeeze %dma_start3A_56 : memref<1x128x128xf32, #tpu.memory_space<vmem>> -> memref<128x128xf32, #tpu.memory_space<vmem>>
    %dma_start3A_58 = arith.constant 0 : i32
    %dma_start3A_59 = tpu.memref_slice %arg5[%dma_start3A, %dma_start3A_52, %dma_start3A_58] : memref<50x4x128xi32, #tpu.memory_space<vmem>> -> memref<1x1x128xi32, #tpu.memory_space<vmem>>
    %dma_start3A_60 = tpu.memref_squeeze %dma_start3A_59 : memref<1x1x128xi32, #tpu.memory_space<vmem>> -> memref<128xi32, #tpu.memory_space<vmem>>
    %dma_start3A_61 = arith.constant 0 : i32
    %dma_start3A_62 = arith.constant 0 : i32
    %dma_start3A_63 = tpu.memref_slice %arg3[%dma_start3A_61, %dma_start3A_62] : memref<1000000x128xf32, #tpu.memory_space<hbm>> -> memref<1000000x128xf32, #tpu.memory_space<hbm>>
    tpu.enqueue_indirect_dma source(%dma_start3A_63 : memref<1000000x128xf32, #tpu.memory_space<hbm>>) target(%dma_start3A_57 : memref<128x128xf32, #tpu.memory_space<vmem>>) offsets(%dma_start3A_60 : memref<128xi32, #tpu.memory_space<vmem>>) semaphore(%arg8 : memref<!tpu.dma_semaphore, #tpu.memory_space<semaphore_mem>>)
    %dma_start3A_64 = arith.constant 0 : i32
    %dma_start3A_65 = arith.constant 1 : i32
    %dma_start3A_66 = arith.constant 1 : i32
    %dma_start3A_67 = arith.constant 0 : i32
    %dma_start3A_68 = arith.constant 0 : i32
    %dma_start3A_69 = tpu.memref_slice %arg6[%dma_start3A_66, %dma_start3A_67, %dma_start3A_68] : memref<4x128x128xf32, #tpu.memory_space<vmem>> -> memref<1x128x128xf32, #tpu.memory_space<vmem>>
    %dma_start3A_70 = tpu.memref_squeeze %dma_start3A_69 : memref<1x128x128xf32, #tpu.memory_space<vmem>> -> memref<128x128xf32, #tpu.memory_space<vmem>>
    %dma_start3A_71 = arith.constant 0 : i32
    %dma_start3A_72 = tpu.memref_slice %arg5[%dma_start3A_64, %dma_start3A_65, %dma_start3A_71] : memref<50x4x128xi32, #tpu.memory_space<vmem>> -> memref<1x1x128xi32, #tpu.memory_space<vmem>>
    %dma_start3A_73 = tpu.memref_squeeze %dma_start3A_72 : memref<1x1x128xi32, #tpu.memory_space<vmem>> -> memref<128xi32, #tpu.memory_space<vmem>>
    %dma_start3A_74 = arith.constant 0 : i32
    %dma_start3A_75 = arith.constant 0 : i32
    %dma_start3A_76 = tpu.memref_slice %arg3[%dma_start3A_74, %dma_start3A_75] : memref<1000000x128xf32, #tpu.memory_space<hbm>> -> memref<1000000x128xf32, #tpu.memory_space<hbm>>
    tpu.enqueue_indirect_dma source(%dma_start3A_76 : memref<1000000x128xf32, #tpu.memory_space<hbm>>) target(%dma_start3A_70 : memref<128x128xf32, #tpu.memory_space<vmem>>) offsets(%dma_start3A_73 : memref<128xi32, #tpu.memory_space<vmem>>) semaphore(%arg9 : memref<!tpu.dma_semaphore, #tpu.memory_space<semaphore_mem>>)
    %dma_start3A_77 = arith.constant 0 : i32
    %dma_start3A_78 = arith.constant 2 : i32
    %dma_start3A_79 = arith.constant 2 : i32
    %dma_start3A_80 = arith.constant 0 : i32
    %dma_start3A_81 = arith.constant 0 : i32
    %dma_start3A_82 = tpu.memref_slice %arg6[%dma_start3A_79, %dma_start3A_80, %dma_start3A_81] : memref<4x128x128xf32, #tpu.memory_space<vmem>> -> memref<1x128x128xf32, #tpu.memory_space<vmem>>
    %dma_start3A_83 = tpu.memref_squeeze %dma_start3A_82 : memref<1x128x128xf32, #tpu.memory_space<vmem>> -> memref<128x128xf32, #tpu.memory_space<vmem>>
    %dma_start3A_84 = arith.constant 0 : i32
    %dma_start3A_85 = tpu.memref_slice %arg5[%dma_start3A_77, %dma_start3A_78, %dma_start3A_84] : memref<50x4x128xi32, #tpu.memory_space<vmem>> -> memref<1x1x128xi32, #tpu.memory_space<vmem>>
    %dma_start3A_86 = tpu.memref_squeeze %dma_start3A_85 : memref<1x1x128xi32, #tpu.memory_space<vmem>> -> memref<128xi32, #tpu.memory_space<vmem>>
    %dma_start3A_87 = arith.constant 0 : i32
    %dma_start3A_88 = arith.constant 0 : i32
    %dma_start3A_89 = tpu.memref_slice %arg3[%dma_start3A_87, %dma_start3A_88] : memref<1000000x128xf32, #tpu.memory_space<hbm>> -> memref<1000000x128xf32, #tpu.memory_space<hbm>>
    tpu.enqueue_indirect_dma source(%dma_start3A_89 : memref<1000000x128xf32, #tpu.memory_space<hbm>>) target(%dma_start3A_83 : memref<128x128xf32, #tpu.memory_space<vmem>>) offsets(%dma_start3A_86 : memref<128xi32, #tpu.memory_space<vmem>>) semaphore(%arg10 : memref<!tpu.dma_semaphore, #tpu.memory_space<semaphore_mem>>)
    %dma_start3A_90 = arith.constant 0 : i32
    %dma_start3A_91 = arith.constant 3 : i32
    %dma_start3A_92 = arith.constant 3 : i32
    %dma_start3A_93 = arith.constant 0 : i32
    %dma_start3A_94 = arith.constant 0 : i32
    %dma_start3A_95 = tpu.memref_slice %arg6[%dma_start3A_92, %dma_start3A_93, %dma_start3A_94] : memref<4x128x128xf32, #tpu.memory_space<vmem>> -> memref<1x128x128xf32, #tpu.memory_space<vmem>>
    %dma_start3A_96 = tpu.memref_squeeze %dma_start3A_95 : memref<1x128x128xf32, #tpu.memory_space<vmem>> -> memref<128x128xf32, #tpu.memory_space<vmem>>
    %dma_start3A_97 = arith.constant 0 : i32
    %dma_start3A_98 = tpu.memref_slice %arg5[%dma_start3A_90, %dma_start3A_91, %dma_start3A_97] : memref<50x4x128xi32, #tpu.memory_space<vmem>> -> memref<1x1x128xi32, #tpu.memory_space<vmem>>
    %dma_start3A_99 = tpu.memref_squeeze %dma_start3A_98 : memref<1x1x128xi32, #tpu.memory_space<vmem>> -> memref<128xi32, #tpu.memory_space<vmem>>
    %dma_start3A_100 = arith.constant 0 : i32
    %dma_start3A_101 = arith.constant 0 : i32
    %dma_start3A_102 = tpu.memref_slice %arg3[%dma_start3A_100, %dma_start3A_101] : memref<1000000x128xf32, #tpu.memory_space<hbm>> -> memref<1000000x128xf32, #tpu.memory_space<hbm>>
    tpu.enqueue_indirect_dma source(%dma_start3A_102 : memref<1000000x128xf32, #tpu.memory_space<hbm>>) target(%dma_start3A_96 : memref<128x128xf32, #tpu.memory_space<vmem>>) offsets(%dma_start3A_99 : memref<128xi32, #tpu.memory_space<vmem>>) semaphore(%arg11 : memref<!tpu.dma_semaphore, #tpu.memory_space<semaphore_mem>>)
    %scan3A = arith.constant 0 : i32
    %scan3A_103 = arith.constant 0 : i32
    %scan3A_104 = arith.constant 50 : i32
    %scan3A_105 = arith.addi %scan3A_103, %scan3A_104 : i32
    %scan3A_106 = arith.constant 1 : i32
    scf.for %scan3A_199 = %scan3A_103 to %scan3A_105 step %scan3A_106  : i32 {
      %mul3A_200 = arith.constant 4 : i32
      %mul3A_201 = arith.muli %mul3A_200, %add3A : i32
      %add3A_202 = arith.constant 0 : i32
      %add3A_203 = arith.addi %mul3A_201, %add3A_202 : i32
      %dma_wait3A_204 = arith.constant 0 : i32
      %dma_wait3A_205 = arith.constant 0 : i32
      %dma_wait3A_206 = arith.constant 0 : i32
      %dma_wait3A_207 = tpu.memref_slice %arg6[%dma_wait3A_204, %dma_wait3A_205, %dma_wait3A_206] : memref<4x128x128xf32, #tpu.memory_space<vmem>> -> memref<1x128x128xf32, #tpu.memory_space<vmem>>
      %dma_wait3A_208 = tpu.memref_squeeze %dma_wait3A_207 : memref<1x128x128xf32, #tpu.memory_space<vmem>> -> memref<128x128xf32, #tpu.memory_space<vmem>>
      %dma_wait3A_209 = arith.constant 0 : i32
      %dma_wait3A_210 = arith.constant 0 : i32
      %dma_wait3A_211 = tpu.memref_slice %arg3[%dma_wait3A_209, %dma_wait3A_210] : memref<1000000x128xf32, #tpu.memory_space<hbm>> -> memref<128x128xf32, #tpu.memory_space<hbm>>
      %dma_wait3A_212 = arith.constant 0 : i32
      %dma_wait3A_213 = arith.constant 0 : i32
      %dma_wait3A_214 = tpu.memref_slice %arg6[%dma_wait3A_204, %dma_wait3A_212, %dma_wait3A_213] : memref<4x128x128xf32, #tpu.memory_space<vmem>> -> memref<1x128x128xf32, #tpu.memory_space<vmem>>
      %dma_wait3A_215 = tpu.memref_squeeze %dma_wait3A_214 : memref<1x128x128xf32, #tpu.memory_space<vmem>> -> memref<128x128xf32, #tpu.memory_space<vmem>>
      %dma_wait3A_216 = arith.constant 0 : i32
      %dma_wait3A_217 = arith.constant 0 : i32
      %dma_wait3A_218 = tpu.memref_slice %arg3[%dma_wait3A_216, %dma_wait3A_217] : memref<1000000x128xf32, #tpu.memory_space<hbm>> -> memref<128x128xf32, #tpu.memory_space<hbm>>
      tpu.wait_dma2 semaphore(%arg8 : memref<!tpu.dma_semaphore, #tpu.memory_space<semaphore_mem>>) src(%dma_wait3A_218 : memref<128x128xf32, #tpu.memory_space<hbm>>) dst(%dma_wait3A_215 : memref<128x128xf32, #tpu.memory_space<vmem>>)
      %gt3A = arith.constant 0 : i32
      %gt3A_219 = arith.cmpi sgt, %scan3A_199, %gt3A : i32
      %convert_element_type3A = arith.extui %gt3A_219 : i1 to i32
      %cond3A = arith.constant 0 : i32
      %cond3A_220 = arith.cmpi ne, %convert_element_type3A, %cond3A : i32
      scf.if %cond3A_220 {
        %dma_wait3A_428 = arith.constant 0 : i32
        %dma_wait3A_429 = arith.constant 0 : i32
        %dma_wait3A_430 = arith.constant 0 : i32
        %dma_wait3A_431 = arith.constant 0 : i32
        %dma_wait3A_432 = arith.constant 0 : i32
        %dma_wait3A_433 = arith.constant 0 : i32
        %dma_wait3A_434 = tpu.memref_slice %arg7[%dma_wait3A_428, %dma_wait3A_431, %dma_wait3A_432, %dma_wait3A_433] : memref<4x8x8x128xf32, #tpu.memory_space<vmem>> -> memref<1x8x8x128xf32, #tpu.memory_space<vmem>>
        %dma_wait3A_435 = tpu.memref_squeeze %dma_wait3A_434 : memref<1x8x8x128xf32, #tpu.memory_space<vmem>> -> memref<8x8x128xf32, #tpu.memory_space<vmem>>
        %dma_wait3A_436 = arith.constant 0 : i32
        %dma_wait3A_437 = arith.constant 0 : i32
        %dma_wait3A_438 = arith.constant 0 : i32
        %dma_wait3A_439 = tpu.memref_slice %arg4[%dma_wait3A_429, %dma_wait3A_436, %dma_wait3A_430, %dma_wait3A_437, %dma_wait3A_438] : memref<50x8x128x8x128xf32, #tpu.memory_space<hbm>> -> memref<1x8x1x8x128xf32, #tpu.memory_space<hbm>>
        %dma_wait3A_440 = tpu.memref_squeeze %dma_wait3A_439 : memref<1x8x1x8x128xf32, #tpu.memory_space<hbm>> -> memref<8x8x128xf32, #tpu.memory_space<hbm>>
        %dma_wait3A_441 = arith.constant 0 : i32
        %dma_wait3A_442 = arith.constant 0 : i32
        %dma_wait3A_443 = arith.constant 0 : i32
        %dma_wait3A_444 = tpu.memref_slice %arg4[%dma_wait3A_429, %dma_wait3A_441, %dma_wait3A_430, %dma_wait3A_442, %dma_wait3A_443] : memref<50x8x128x8x128xf32, #tpu.memory_space<hbm>> -> memref<1x8x1x8x128xf32, #tpu.memory_space<hbm>>
        %dma_wait3A_445 = tpu.memref_squeeze %dma_wait3A_444 : memref<1x8x1x8x128xf32, #tpu.memory_space<hbm>> -> memref<8x8x128xf32, #tpu.memory_space<hbm>>
        %dma_wait3A_446 = arith.constant 0 : i32
        %dma_wait3A_447 = arith.constant 0 : i32
        %dma_wait3A_448 = arith.constant 0 : i32
        %dma_wait3A_449 = tpu.memref_slice %arg7[%dma_wait3A_428, %dma_wait3A_446, %dma_wait3A_447, %dma_wait3A_448] : memref<4x8x8x128xf32, #tpu.memory_space<vmem>> -> memref<1x8x8x128xf32, #tpu.memory_space<vmem>>
        %dma_wait3A_450 = tpu.memref_squeeze %dma_wait3A_449 : memref<1x8x8x128xf32, #tpu.memory_space<vmem>> -> memref<8x8x128xf32, #tpu.memory_space<vmem>>
        tpu.wait_dma2 semaphore(%arg12 : memref<!tpu.dma_semaphore, #tpu.memory_space<semaphore_mem>>) src(%dma_wait3A_450 : memref<8x8x128xf32, #tpu.memory_space<vmem>>) dst(%dma_wait3A_445 : memref<8x8x128xf32, #tpu.memory_space<hbm>>)
      } else {
      }
      %scan3A_221 = arith.constant 0 : i32
      %scan3A_222 = arith.constant 0 : i32
      %scan3A_223 = arith.constant 64 : i32
      %scan3A_224 = arith.addi %scan3A_222, %scan3A_223 : i32
      %scan3A_225 = arith.constant 2 : i32
      scf.for %scan3A_428 = %scan3A_222 to %scan3A_224 step %scan3A_225  : i32 {
        %shift_right_logical3A = arith.constant 4 : i32
        %shift_right_logical3A_429 = arith.shrui %scan3A_428, %shift_right_logical3A : i32
        %shift_left3A = arith.constant 4 : i32
        %shift_left3A_430 = arith.shli %shift_right_logical3A_429, %shift_left3A : i32
        %add3A_431 = vector.broadcast %scan3A_428 : i32 to vector<16xi32>
        %add3A_432 = arith.addi %iota3A, %add3A_431 : vector<16xi32>
        %and3A = arith.constant 15 : i32
        %and3A_433 = vector.broadcast %and3A : i32 to vector<16xi32>
        %and3A_434 = arith.andi %add3A_432, %and3A_433 : vector<16xi32>
        %add3A_435 = vector.broadcast %shift_left3A_430 : i32 to vector<16xi32>
        %add3A_436 = arith.addi %and3A_434, %add3A_435 : vector<16xi32>
        %shift_right_logical3A_437 = arith.constant 3 : i32
        %shift_right_logical3A_438 = vector.broadcast %shift_right_logical3A_437 : i32 to vector<16xi32>
        %shift_right_logical3A_439 = arith.shrui %add3A_436, %shift_right_logical3A_438 : vector<16xi32>
        %and3A_440 = arith.constant 7 : i32
        %and3A_441 = vector.broadcast %and3A_440 : i32 to vector<16xi32>
        %and3A_442 = arith.andi %add3A_436, %and3A_441 : vector<16xi32>
        %gather3A = arith.constant 0 : i32
        %gather3A_443 = arith.constant 0 : i32
        %gather3A_444 = arith.constant 0 : i32
        %gather3A_445 = tpu.memref_slice %arg6[%gather3A, %gather3A_443, %gather3A_444] : memref<4x128x128xf32, #tpu.memory_space<vmem>> -> memref<1x128x128xf32, #tpu.memory_space<vmem>>
        %gather3A_446 = tpu.memref_squeeze %gather3A_445 : memref<1x128x128xf32, #tpu.memory_space<vmem>> -> memref<128x128xf32, #tpu.memory_space<vmem>>
        %gather3A_447 = tpu.vector_load_idx %gather3A_446[%add3A_30, %add3A_436] : memref<128x128xf32, #tpu.memory_space<vmem>>[vector<16xi32>, vector<16xi32>], vector<16xf32>,
        %scatter3A = arith.constant 0 : i32
        %scatter3A_448 = arith.constant 0 : i32
        %scatter3A_449 = arith.constant 0 : i32
        %scatter3A_450 = arith.constant 0 : i32
        %scatter3A_451 = tpu.memref_slice %arg7[%scatter3A, %scatter3A_448, %scatter3A_449, %scatter3A_450] : memref<4x8x8x128xf32, #tpu.memory_space<vmem>> -> memref<1x8x8x128xf32, #tpu.memory_space<vmem>>
        %scatter3A_452 = tpu.memref_squeeze %scatter3A_451 : memref<1x8x8x128xf32, #tpu.memory_space<vmem>> -> memref<8x8x128xf32, #tpu.memory_space<vmem>>
        tpu.vector_store_idx %scatter3A_452[%shift_right_logical3A_439, %and3A_442, %add3A_30], %gather3A_447 : memref<8x8x128xf32, #tpu.memory_space<vmem>>[vector<16xi32>, vector<16xi32>, vector<16xi32>], vector<16xf32>,
        %gather3A_453 = arith.constant 0 : i32
        %gather3A_454 = arith.constant 0 : i32
        %gather3A_455 = arith.constant 0 : i32
        %gather3A_456 = tpu.memref_slice %arg6[%gather3A_453, %gather3A_454, %gather3A_455] : memref<4x128x128xf32, #tpu.memory_space<vmem>> -> memref<1x128x128xf32, #tpu.memory_space<vmem>>
        %gather3A_457 = tpu.memref_squeeze %gather3A_456 : memref<1x128x128xf32, #tpu.memory_space<vmem>> -> memref<128x128xf32, #tpu.memory_space<vmem>>
        %gather3A_458 = tpu.vector_load_idx %gather3A_457[%add3A_33, %add3A_436] : memref<128x128xf32, #tpu.memory_space<vmem>>[vector<16xi32>, vector<16xi32>], vector<16xf32>,
        %scatter3A_459 = arith.constant 0 : i32
        %scatter3A_460 = arith.constant 0 : i32
        %scatter3A_461 = arith.constant 0 : i32
        %scatter3A_462 = arith.constant 0 : i32
        %scatter3A_463 = tpu.memref_slice %arg7[%scatter3A_459, %scatter3A_460, %scatter3A_461, %scatter3A_462] : memref<4x8x8x128xf32, #tpu.memory_space<vmem>> -> memref<1x8x8x128xf32, #tpu.memory_space<vmem>>
        %scatter3A_464 = tpu.memref_squeeze %scatter3A_463 : memref<1x8x8x128xf32, #tpu.memory_space<vmem>> -> memref<8x8x128xf32, #tpu.memory_space<vmem>>
        tpu.vector_store_idx %scatter3A_464[%shift_right_logical3A_439, %and3A_442, %add3A_33], %gather3A_458 : memref<8x8x128xf32, #tpu.memory_space<vmem>>[vector<16xi32>, vector<16xi32>, vector<16xi32>], vector<16xf32>,
        %gather3A_465 = arith.constant 0 : i32
        %gather3A_466 = arith.constant 0 : i32
        %gather3A_467 = arith.constant 0 : i32
        %gather3A_468 = tpu.memref_slice %arg6[%gather3A_465, %gather3A_466, %gather3A_467] : memref<4x128x128xf32, #tpu.memory_space<vmem>> -> memref<1x128x128xf32, #tpu.memory_space<vmem>>
        %gather3A_469 = tpu.memref_squeeze %gather3A_468 : memref<1x128x128xf32, #tpu.memory_space<vmem>> -> memref<128x128xf32, #tpu.memory_space<vmem>>
        %gather3A_470 = tpu.vector_load_idx %gather3A_469[%add3A_36, %add3A_436] : memref<128x128xf32, #tpu.memory_space<vmem>>[vector<16xi32>, vector<16xi32>], vector<16xf32>,
        %scatter3A_471 = arith.constant 0 : i32
        %scatter3A_472 = arith.constant 0 : i32
        %scatter3A_473 = arith.constant 0 : i32
        %scatter3A_474 = arith.constant 0 : i32
        %scatter3A_475 = tpu.memref_slice %arg7[%scatter3A_471, %scatter3A_472, %scatter3A_473, %scatter3A_474] : memref<4x8x8x128xf32, #tpu.memory_space<vmem>> -> memref<1x8x8x128xf32, #tpu.memory_space<vmem>>
        %scatter3A_476 = tpu.memref_squeeze %scatter3A_475 : memref<1x8x8x128xf32, #tpu.memory_space<vmem>> -> memref<8x8x128xf32, #tpu.memory_space<vmem>>
        tpu.vector_store_idx %scatter3A_476[%shift_right_logical3A_439, %and3A_442, %add3A_36], %gather3A_470 : memref<8x8x128xf32, #tpu.memory_space<vmem>>[vector<16xi32>, vector<16xi32>, vector<16xi32>], vector<16xf32>,
        %gather3A_477 = arith.constant 0 : i32
        %gather3A_478 = arith.constant 0 : i32
        %gather3A_479 = arith.constant 0 : i32
        %gather3A_480 = tpu.memref_slice %arg6[%gather3A_477, %gather3A_478, %gather3A_479] : memref<4x128x128xf32, #tpu.memory_space<vmem>> -> memref<1x128x128xf32, #tpu.memory_space<vmem>>
        %gather3A_481 = tpu.memref_squeeze %gather3A_480 : memref<1x128x128xf32, #tpu.memory_space<vmem>> -> memref<128x128xf32, #tpu.memory_space<vmem>>
        %gather3A_482 = tpu.vector_load_idx %gather3A_481[%add3A_39, %add3A_436] : memref<128x128xf32, #tpu.memory_space<vmem>>[vector<16xi32>, vector<16xi32>], vector<16xf32>,
        %scatter3A_483 = arith.constant 0 : i32
        %scatter3A_484 = arith.constant 0 : i32
        %scatter3A_485 = arith.constant 0 : i32
        %scatter3A_486 = arith.constant 0 : i32
        %scatter3A_487 = tpu.memref_slice %arg7[%scatter3A_483, %scatter3A_484, %scatter3A_485, %scatter3A_486] : memref<4x8x8x128xf32, #tpu.memory_space<vmem>> -> memref<1x8x8x128xf32, #tpu.memory_space<vmem>>
        %scatter3A_488 = tpu.memref_squeeze %scatter3A_487 : memref<1x8x8x128xf32, #tpu.memory_space<vmem>> -> memref<8x8x128xf32, #tpu.memory_space<vmem>>
        tpu.vector_store_idx %scatter3A_488[%shift_right_logical3A_439, %and3A_442, %add3A_39], %gather3A_482 : memref<8x8x128xf32, #tpu.memory_space<vmem>>[vector<16xi32>, vector<16xi32>, vector<16xi32>], vector<16xf32>,
        %gather3A_489 = arith.constant 0 : i32
        %gather3A_490 = arith.constant 0 : i32
        %gather3A_491 = arith.constant 0 : i32
        %gather3A_492 = tpu.memref_slice %arg6[%gather3A_489, %gather3A_490, %gather3A_491] : memref<4x128x128xf32, #tpu.memory_space<vmem>> -> memref<1x128x128xf32, #tpu.memory_space<vmem>>
        %gather3A_493 = tpu.memref_squeeze %gather3A_492 : memref<1x128x128xf32, #tpu.memory_space<vmem>> -> memref<128x128xf32, #tpu.memory_space<vmem>>
        %gather3A_494 = tpu.vector_load_idx %gather3A_493[%add3A_42, %add3A_436] : memref<128x128xf32, #tpu.memory_space<vmem>>[vector<16xi32>, vector<16xi32>], vector<16xf32>,
        %scatter3A_495 = arith.constant 0 : i32
        %scatter3A_496 = arith.constant 0 : i32
        %scatter3A_497 = arith.constant 0 : i32
        %scatter3A_498 = arith.constant 0 : i32
        %scatter3A_499 = tpu.memref_slice %arg7[%scatter3A_495, %scatter3A_496, %scatter3A_497, %scatter3A_498] : memref<4x8x8x128xf32, #tpu.memory_space<vmem>> -> memref<1x8x8x128xf32, #tpu.memory_space<vmem>>
        %scatter3A_500 = tpu.memref_squeeze %scatter3A_499 : memref<1x8x8x128xf32, #tpu.memory_space<vmem>> -> memref<8x8x128xf32, #tpu.memory_space<vmem>>
        tpu.vector_store_idx %scatter3A_500[%shift_right_logical3A_439, %and3A_442, %add3A_42], %gather3A_494 : memref<8x8x128xf32, #tpu.memory_space<vmem>>[vector<16xi32>, vector<16xi32>, vector<16xi32>], vector<16xf32>,
        %gather3A_501 = arith.constant 0 : i32
        %gather3A_502 = arith.constant 0 : i32
        %gather3A_503 = arith.constant 0 : i32
        %gather3A_504 = tpu.memref_slice %arg6[%gather3A_501, %gather3A_502, %gather3A_503] : memref<4x128x128xf32, #tpu.memory_space<vmem>> -> memref<1x128x128xf32, #tpu.memory_space<vmem>>
        %gather3A_505 = tpu.memref_squeeze %gather3A_504 : memref<1x128x128xf32, #tpu.memory_space<vmem>> -> memref<128x128xf32, #tpu.memory_space<vmem>>
        %gather3A_506 = tpu.vector_load_idx %gather3A_505[%add3A_45, %add3A_436] : memref<128x128xf32, #tpu.memory_space<vmem>>[vector<16xi32>, vector<16xi32>], vector<16xf32>,
        %scatter3A_507 = arith.constant 0 : i32
        %scatter3A_508 = arith.constant 0 : i32
        %scatter3A_509 = arith.constant 0 : i32
        %scatter3A_510 = arith.constant 0 : i32
        %scatter3A_511 = tpu.memref_slice %arg7[%scatter3A_507, %scatter3A_508, %scatter3A_509, %scatter3A_510] : memref<4x8x8x128xf32, #tpu.memory_space<vmem>> -> memref<1x8x8x128xf32, #tpu.memory_space<vmem>>
        %scatter3A_512 = tpu.memref_squeeze %scatter3A_511 : memref<1x8x8x128xf32, #tpu.memory_space<vmem>> -> memref<8x8x128xf32, #tpu.memory_space<vmem>>
        tpu.vector_store_idx %scatter3A_512[%shift_right_logical3A_439, %and3A_442, %add3A_45], %gather3A_506 : memref<8x8x128xf32, #tpu.memory_space<vmem>>[vector<16xi32>, vector<16xi32>, vector<16xi32>], vector<16xf32>,
        %gather3A_513 = arith.constant 0 : i32
        %gather3A_514 = arith.constant 0 : i32
        %gather3A_515 = arith.constant 0 : i32
        %gather3A_516 = tpu.memref_slice %arg6[%gather3A_513, %gather3A_514, %gather3A_515] : memref<4x128x128xf32, #tpu.memory_space<vmem>> -> memref<1x128x128xf32, #tpu.memory_space<vmem>>
        %gather3A_517 = tpu.memref_squeeze %gather3A_516 : memref<1x128x128xf32, #tpu.memory_space<vmem>> -> memref<128x128xf32, #tpu.memory_space<vmem>>
        %gather3A_518 = tpu.vector_load_idx %gather3A_517[%add3A_48, %add3A_436] : memref<128x128xf32, #tpu.memory_space<vmem>>[vector<16xi32>, vector<16xi32>], vector<16xf32>,
        %scatter3A_519 = arith.constant 0 : i32
        %scatter3A_520 = arith.constant 0 : i32
        %scatter3A_521 = arith.constant 0 : i32
        %scatter3A_522 = arith.constant 0 : i32
        %scatter3A_523 = tpu.memref_slice %arg7[%scatter3A_519, %scatter3A_520, %scatter3A_521, %scatter3A_522] : memref<4x8x8x128xf32, #tpu.memory_space<vmem>> -> memref<1x8x8x128xf32, #tpu.memory_space<vmem>>
        %scatter3A_524 = tpu.memref_squeeze %scatter3A_523 : memref<1x8x8x128xf32, #tpu.memory_space<vmem>> -> memref<8x8x128xf32, #tpu.memory_space<vmem>>
        tpu.vector_store_idx %scatter3A_524[%shift_right_logical3A_439, %and3A_442, %add3A_48], %gather3A_518 : memref<8x8x128xf32, #tpu.memory_space<vmem>>[vector<16xi32>, vector<16xi32>, vector<16xi32>], vector<16xf32>,
        %gather3A_525 = arith.constant 0 : i32
        %gather3A_526 = arith.constant 0 : i32
        %gather3A_527 = arith.constant 0 : i32
        %gather3A_528 = tpu.memref_slice %arg6[%gather3A_525, %gather3A_526, %gather3A_527] : memref<4x128x128xf32, #tpu.memory_space<vmem>> -> memref<1x128x128xf32, #tpu.memory_space<vmem>>
        %gather3A_529 = tpu.memref_squeeze %gather3A_528 : memref<1x128x128xf32, #tpu.memory_space<vmem>> -> memref<128x128xf32, #tpu.memory_space<vmem>>
        %gather3A_530 = tpu.vector_load_idx %gather3A_529[%add3A_51, %add3A_436] : memref<128x128xf32, #tpu.memory_space<vmem>>[vector<16xi32>, vector<16xi32>], vector<16xf32>,
        %scatter3A_531 = arith.constant 0 : i32
        %scatter3A_532 = arith.constant 0 : i32
        %scatter3A_533 = arith.constant 0 : i32
        %scatter3A_534 = arith.constant 0 : i32
        %scatter3A_535 = tpu.memref_slice %arg7[%scatter3A_531, %scatter3A_532, %scatter3A_533, %scatter3A_534] : memref<4x8x8x128xf32, #tpu.memory_space<vmem>> -> memref<1x8x8x128xf32, #tpu.memory_space<vmem>>
        %scatter3A_536 = tpu.memref_squeeze %scatter3A_535 : memref<1x8x8x128xf32, #tpu.memory_space<vmem>> -> memref<8x8x128xf32, #tpu.memory_space<vmem>>
        tpu.vector_store_idx %scatter3A_536[%shift_right_logical3A_439, %and3A_442, %add3A_51], %gather3A_530 : memref<8x8x128xf32, #tpu.memory_space<vmem>>[vector<16xi32>, vector<16xi32>, vector<16xi32>], vector<16xf32>,
        %scan3A_537 = arith.constant 1 : i32
        %scan3A_538 = arith.addi %scan3A_428, %scan3A_537 : i32
        %shift_right_logical3A_539 = arith.constant 4 : i32
        %shift_right_logical3A_540 = arith.shrui %scan3A_538, %shift_right_logical3A_539 : i32
        %shift_left3A_541 = arith.constant 4 : i32
        %shift_left3A_542 = arith.shli %shift_right_logical3A_540, %shift_left3A_541 : i32
        %add3A_543 = vector.broadcast %scan3A_538 : i32 to vector<16xi32>
        %add3A_544 = arith.addi %iota3A, %add3A_543 : vector<16xi32>
        %and3A_545 = arith.constant 15 : i32
        %and3A_546 = vector.broadcast %and3A_545 : i32 to vector<16xi32>
        %and3A_547 = arith.andi %add3A_544, %and3A_546 : vector<16xi32>
        %add3A_548 = vector.broadcast %shift_left3A_542 : i32 to vector<16xi32>
        %add3A_549 = arith.addi %and3A_547, %add3A_548 : vector<16xi32>
        %shift_right_logical3A_550 = arith.constant 3 : i32
        %shift_right_logical3A_551 = vector.broadcast %shift_right_logical3A_550 : i32 to vector<16xi32>
        %shift_right_logical3A_552 = arith.shrui %add3A_549, %shift_right_logical3A_551 : vector<16xi32>
        %and3A_553 = arith.constant 7 : i32
        %and3A_554 = vector.broadcast %and3A_553 : i32 to vector<16xi32>
        %and3A_555 = arith.andi %add3A_549, %and3A_554 : vector<16xi32>
        %gather3A_556 = arith.constant 0 : i32
        %gather3A_557 = arith.constant 0 : i32
        %gather3A_558 = arith.constant 0 : i32
        %gather3A_559 = tpu.memref_slice %arg6[%gather3A_556, %gather3A_557, %gather3A_558] : memref<4x128x128xf32, #tpu.memory_space<vmem>> -> memref<1x128x128xf32, #tpu.memory_space<vmem>>
        %gather3A_560 = tpu.memref_squeeze %gather3A_559 : memref<1x128x128xf32, #tpu.memory_space<vmem>> -> memref<128x128xf32, #tpu.memory_space<vmem>>
        %gather3A_561 = tpu.vector_load_idx %gather3A_560[%add3A_30, %add3A_549] : memref<128x128xf32, #tpu.memory_space<vmem>>[vector<16xi32>, vector<16xi32>], vector<16xf32>,
        %scatter3A_562 = arith.constant 0 : i32
        %scatter3A_563 = arith.constant 0 : i32
        %scatter3A_564 = arith.constant 0 : i32
        %scatter3A_565 = arith.constant 0 : i32
        %scatter3A_566 = tpu.memref_slice %arg7[%scatter3A_562, %scatter3A_563, %scatter3A_564, %scatter3A_565] : memref<4x8x8x128xf32, #tpu.memory_space<vmem>> -> memref<1x8x8x128xf32, #tpu.memory_space<vmem>>
        %scatter3A_567 = tpu.memref_squeeze %scatter3A_566 : memref<1x8x8x128xf32, #tpu.memory_space<vmem>> -> memref<8x8x128xf32, #tpu.memory_space<vmem>>
        tpu.vector_store_idx %scatter3A_567[%shift_right_logical3A_552, %and3A_555, %add3A_30], %gather3A_561 : memref<8x8x128xf32, #tpu.memory_space<vmem>>[vector<16xi32>, vector<16xi32>, vector<16xi32>], vector<16xf32>,
        %gather3A_568 = arith.constant 0 : i32
        %gather3A_569 = arith.constant 0 : i32
        %gather3A_570 = arith.constant 0 : i32
        %gather3A_571 = tpu.memref_slice %arg6[%gather3A_568, %gather3A_569, %gather3A_570] : memref<4x128x128xf32, #tpu.memory_space<vmem>> -> memref<1x128x128xf32, #tpu.memory_space<vmem>>
        %gather3A_572 = tpu.memref_squeeze %gather3A_571 : memref<1x128x128xf32, #tpu.memory_space<vmem>> -> memref<128x128xf32, #tpu.memory_space<vmem>>
        %gather3A_573 = tpu.vector_load_idx %gather3A_572[%add3A_33, %add3A_549] : memref<128x128xf32, #tpu.memory_space<vmem>>[vector<16xi32>, vector<16xi32>], vector<16xf32>,
        %scatter3A_574 = arith.constant 0 : i32
        %scatter3A_575 = arith.constant 0 : i32
        %scatter3A_576 = arith.constant 0 : i32
        %scatter3A_577 = arith.constant 0 : i32
        %scatter3A_578 = tpu.memref_slice %arg7[%scatter3A_574, %scatter3A_575, %scatter3A_576, %scatter3A_577] : memref<4x8x8x128xf32, #tpu.memory_space<vmem>> -> memref<1x8x8x128xf32, #tpu.memory_space<vmem>>
        %scatter3A_579 = tpu.memref_squeeze %scatter3A_578 : memref<1x8x8x128xf32, #tpu.memory_space<vmem>> -> memref<8x8x128xf32, #tpu.memory_space<vmem>>
        tpu.vector_store_idx %scatter3A_579[%shift_right_logical3A_552, %and3A_555, %add3A_33], %gather3A_573 : memref<8x8x128xf32, #tpu.memory_space<vmem>>[vector<16xi32>, vector<16xi32>, vector<16xi32>], vector<16xf32>,
        %gather3A_580 = arith.constant 0 : i32
        %gather3A_581 = arith.constant 0 : i32
        %gather3A_582 = arith.constant 0 : i32
        %gather3A_583 = tpu.memref_slice %arg6[%gather3A_580, %gather3A_581, %gather3A_582] : memref<4x128x128xf32, #tpu.memory_space<vmem>> -> memref<1x128x128xf32, #tpu.memory_space<vmem>>
        %gather3A_584 = tpu.memref_squeeze %gather3A_583 : memref<1x128x128xf32, #tpu.memory_space<vmem>> -> memref<128x128xf32, #tpu.memory_space<vmem>>
        %gather3A_585 = tpu.vector_load_idx %gather3A_584[%add3A_36, %add3A_549] : memref<128x128xf32, #tpu.memory_space<vmem>>[vector<16xi32>, vector<16xi32>], vector<16xf32>,
        %scatter3A_586 = arith.constant 0 : i32
        %scatter3A_587 = arith.constant 0 : i32
        %scatter3A_588 = arith.constant 0 : i32
        %scatter3A_589 = arith.constant 0 : i32
        %scatter3A_590 = tpu.memref_slice %arg7[%scatter3A_586, %scatter3A_587, %scatter3A_588, %scatter3A_589] : memref<4x8x8x128xf32, #tpu.memory_space<vmem>> -> memref<1x8x8x128xf32, #tpu.memory_space<vmem>>
        %scatter3A_591 = tpu.memref_squeeze %scatter3A_590 : memref<1x8x8x128xf32, #tpu.memory_space<vmem>> -> memref<8x8x128xf32, #tpu.memory_space<vmem>>
        tpu.vector_store_idx %scatter3A_591[%shift_right_logical3A_552, %and3A_555, %add3A_36], %gather3A_585 : memref<8x8x128xf32, #tpu.memory_space<vmem>>[vector<16xi32>, vector<16xi32>, vector<16xi32>], vector<16xf32>,
        %gather3A_592 = arith.constant 0 : i32
        %gather3A_593 = arith.constant 0 : i32
        %gather3A_594 = arith.constant 0 : i32
        %gather3A_595 = tpu.memref_slice %arg6[%gather3A_592, %gather3A_593, %gather3A_594] : memref<4x128x128xf32, #tpu.memory_space<vmem>> -> memref<1x128x128xf32, #tpu.memory_space<vmem>>
        %gather3A_596 = tpu.memref_squeeze %gather3A_595 : memref<1x128x128xf32, #tpu.memory_space<vmem>> -> memref<128x128xf32, #tpu.memory_space<vmem>>
        %gather3A_597 = tpu.vector_load_idx %gather3A_596[%add3A_39, %add3A_549] : memref<128x128xf32, #tpu.memory_space<vmem>>[vector<16xi32>, vector<16xi32>], vector<16xf32>,
        %scatter3A_598 = arith.constant 0 : i32
        %scatter3A_599 = arith.constant 0 : i32
        %scatter3A_600 = arith.constant 0 : i32
        %scatter3A_601 = arith.constant 0 : i32
        %scatter3A_602 = tpu.memref_slice %arg7[%scatter3A_598, %scatter3A_599, %scatter3A_600, %scatter3A_601] : memref<4x8x8x128xf32, #tpu.memory_space<vmem>> -> memref<1x8x8x128xf32, #tpu.memory_space<vmem>>
        %scatter3A_603 = tpu.memref_squeeze %scatter3A_602 : memref<1x8x8x128xf32, #tpu.memory_space<vmem>> -> memref<8x8x128xf32, #tpu.memory_space<vmem>>
        tpu.vector_store_idx %scatter3A_603[%shift_right_logical3A_552, %and3A_555, %add3A_39], %gather3A_597 : memref<8x8x128xf32, #tpu.memory_space<vmem>>[vector<16xi32>, vector<16xi32>, vector<16xi32>], vector<16xf32>,
        %gather3A_604 = arith.constant 0 : i32
        %gather3A_605 = arith.constant 0 : i32
        %gather3A_606 = arith.constant 0 : i32
        %gather3A_607 = tpu.memref_slice %arg6[%gather3A_604, %gather3A_605, %gather3A_606] : memref<4x128x128xf32, #tpu.memory_space<vmem>> -> memref<1x128x128xf32, #tpu.memory_space<vmem>>
        %gather3A_608 = tpu.memref_squeeze %gather3A_607 : memref<1x128x128xf32, #tpu.memory_space<vmem>> -> memref<128x128xf32, #tpu.memory_space<vmem>>
        %gather3A_609 = tpu.vector_load_idx %gather3A_608[%add3A_42, %add3A_549] : memref<128x128xf32, #tpu.memory_space<vmem>>[vector<16xi32>, vector<16xi32>], vector<16xf32>,
        %scatter3A_610 = arith.constant 0 : i32
        %scatter3A_611 = arith.constant 0 : i32
        %scatter3A_612 = arith.constant 0 : i32
        %scatter3A_613 = arith.constant 0 : i32
        %scatter3A_614 = tpu.memref_slice %arg7[%scatter3A_610, %scatter3A_611, %scatter3A_612, %scatter3A_613] : memref<4x8x8x128xf32, #tpu.memory_space<vmem>> -> memref<1x8x8x128xf32, #tpu.memory_space<vmem>>
        %scatter3A_615 = tpu.memref_squeeze %scatter3A_614 : memref<1x8x8x128xf32, #tpu.memory_space<vmem>> -> memref<8x8x128xf32, #tpu.memory_space<vmem>>
        tpu.vector_store_idx %scatter3A_615[%shift_right_logical3A_552, %and3A_555, %add3A_42], %gather3A_609 : memref<8x8x128xf32, #tpu.memory_space<vmem>>[vector<16xi32>, vector<16xi32>, vector<16xi32>], vector<16xf32>,
        %gather3A_616 = arith.constant 0 : i32
        %gather3A_617 = arith.constant 0 : i32
        %gather3A_618 = arith.constant 0 : i32
        %gather3A_619 = tpu.memref_slice %arg6[%gather3A_616, %gather3A_617, %gather3A_618] : memref<4x128x128xf32, #tpu.memory_space<vmem>> -> memref<1x128x128xf32, #tpu.memory_space<vmem>>
        %gather3A_620 = tpu.memref_squeeze %gather3A_619 : memref<1x128x128xf32, #tpu.memory_space<vmem>> -> memref<128x128xf32, #tpu.memory_space<vmem>>
        %gather3A_621 = tpu.vector_load_idx %gather3A_620[%add3A_45, %add3A_549] : memref<128x128xf32, #tpu.memory_space<vmem>>[vector<16xi32>, vector<16xi32>], vector<16xf32>,
        %scatter3A_622 = arith.constant 0 : i32
        %scatter3A_623 = arith.constant 0 : i32
        %scatter3A_624 = arith.constant 0 : i32
        %scatter3A_625 = arith.constant 0 : i32
        %scatter3A_626 = tpu.memref_slice %arg7[%scatter3A_622, %scatter3A_623, %scatter3A_624, %scatter3A_625] : memref<4x8x8x128xf32, #tpu.memory_space<vmem>> -> memref<1x8x8x128xf32, #tpu.memory_space<vmem>>
        %scatter3A_627 = tpu.memref_squeeze %scatter3A_626 : memref<1x8x8x128xf32, #tpu.memory_space<vmem>> -> memref<8x8x128xf32, #tpu.memory_space<vmem>>
        tpu.vector_store_idx %scatter3A_627[%shift_right_logical3A_552, %and3A_555, %add3A_45], %gather3A_621 : memref<8x8x128xf32, #tpu.memory_space<vmem>>[vector<16xi32>, vector<16xi32>, vector<16xi32>], vector<16xf32>,
        %gather3A_628 = arith.constant 0 : i32
        %gather3A_629 = arith.constant 0 : i32
        %gather3A_630 = arith.constant 0 : i32
        %gather3A_631 = tpu.memref_slice %arg6[%gather3A_628, %gather3A_629, %gather3A_630] : memref<4x128x128xf32, #tpu.memory_space<vmem>> -> memref<1x128x128xf32, #tpu.memory_space<vmem>>
        %gather3A_632 = tpu.memref_squeeze %gather3A_631 : memref<1x128x128xf32, #tpu.memory_space<vmem>> -> memref<128x128xf32, #tpu.memory_space<vmem>>
        %gather3A_633 = tpu.vector_load_idx %gather3A_632[%add3A_48, %add3A_549] : memref<128x128xf32, #tpu.memory_space<vmem>>[vector<16xi32>, vector<16xi32>], vector<16xf32>,
        %scatter3A_634 = arith.constant 0 : i32
        %scatter3A_635 = arith.constant 0 : i32
        %scatter3A_636 = arith.constant 0 : i32
        %scatter3A_637 = arith.constant 0 : i32
        %scatter3A_638 = tpu.memref_slice %arg7[%scatter3A_634, %scatter3A_635, %scatter3A_636, %scatter3A_637] : memref<4x8x8x128xf32, #tpu.memory_space<vmem>> -> memref<1x8x8x128xf32, #tpu.memory_space<vmem>>
        %scatter3A_639 = tpu.memref_squeeze %scatter3A_638 : memref<1x8x8x128xf32, #tpu.memory_space<vmem>> -> memref<8x8x128xf32, #tpu.memory_space<vmem>>
        tpu.vector_store_idx %scatter3A_639[%shift_right_logical3A_552, %and3A_555, %add3A_48], %gather3A_633 : memref<8x8x128xf32, #tpu.memory_space<vmem>>[vector<16xi32>, vector<16xi32>, vector<16xi32>], vector<16xf32>,
        %gather3A_640 = arith.constant 0 : i32
        %gather3A_641 = arith.constant 0 : i32
        %gather3A_642 = arith.constant 0 : i32
        %gather3A_643 = tpu.memref_slice %arg6[%gather3A_640, %gather3A_641, %gather3A_642] : memref<4x128x128xf32, #tpu.memory_space<vmem>> -> memref<1x128x128xf32, #tpu.memory_space<vmem>>
        %gather3A_644 = tpu.memref_squeeze %gather3A_643 : memref<1x128x128xf32, #tpu.memory_space<vmem>> -> memref<128x128xf32, #tpu.memory_space<vmem>>
        %gather3A_645 = tpu.vector_load_idx %gather3A_644[%add3A_51, %add3A_549] : memref<128x128xf32, #tpu.memory_space<vmem>>[vector<16xi32>, vector<16xi32>], vector<16xf32>,
        %scatter3A_646 = arith.constant 0 : i32
        %scatter3A_647 = arith.constant 0 : i32
        %scatter3A_648 = arith.constant 0 : i32
        %scatter3A_649 = arith.constant 0 : i32
        %scatter3A_650 = tpu.memref_slice %arg7[%scatter3A_646, %scatter3A_647, %scatter3A_648, %scatter3A_649] : memref<4x8x8x128xf32, #tpu.memory_space<vmem>> -> memref<1x8x8x128xf32, #tpu.memory_space<vmem>>
        %scatter3A_651 = tpu.memref_squeeze %scatter3A_650 : memref<1x8x8x128xf32, #tpu.memory_space<vmem>> -> memref<8x8x128xf32, #tpu.memory_space<vmem>>
        tpu.vector_store_idx %scatter3A_651[%shift_right_logical3A_552, %and3A_555, %add3A_51], %gather3A_645 : memref<8x8x128xf32, #tpu.memory_space<vmem>>[vector<16xi32>, vector<16xi32>, vector<16xi32>], vector<16xf32>,
      }
      %scan3A_226 = arith.constant 64 : i32
      %add3A_227 = arith.constant 1 : i32
      %add3A_228 = arith.addi %scan3A_199, %add3A_227 : i32
      %lt3A = arith.constant 50 : i32
      %lt3A_229 = arith.cmpi slt, %add3A_228, %lt3A : i32
      %convert_element_type3A_230 = arith.extui %lt3A_229 : i1 to i32
      %cond3A_231 = arith.constant 0 : i32
      %cond3A_232 = arith.cmpi ne, %convert_element_type3A_230, %cond3A_231 : i32
      scf.if %cond3A_232 {
        %add3A_428 = arith.constant 1 : i32
        %add3A_429 = arith.addi %scan3A_199, %add3A_428 : i32
        %dma_start3A_430 = arith.constant 0 : i32
        %dma_start3A_431 = arith.constant 0 : i32
        %dma_start3A_432 = arith.constant 0 : i32
        %dma_start3A_433 = arith.constant 0 : i32
        %dma_start3A_434 = tpu.memref_slice %arg6[%dma_start3A_431, %dma_start3A_432, %dma_start3A_433] : memref<4x128x128xf32, #tpu.memory_space<vmem>> -> memref<1x128x128xf32, #tpu.memory_space<vmem>>
        %dma_start3A_435 = tpu.memref_squeeze %dma_start3A_434 : memref<1x128x128xf32, #tpu.memory_space<vmem>> -> memref<128x128xf32, #tpu.memory_space<vmem>>
        %dma_start3A_436 = arith.constant 0 : i32
        %dma_start3A_437 = tpu.memref_slice %arg5[%add3A_429, %dma_start3A_430, %dma_start3A_436] : memref<50x4x128xi32, #tpu.memory_space<vmem>> -> memref<1x1x128xi32, #tpu.memory_space<vmem>>
        %dma_start3A_438 = tpu.memref_squeeze %dma_start3A_437 : memref<1x1x128xi32, #tpu.memory_space<vmem>> -> memref<128xi32, #tpu.memory_space<vmem>>
        %dma_start3A_439 = arith.constant 0 : i32
        %dma_start3A_440 = arith.constant 0 : i32
        %dma_start3A_441 = tpu.memref_slice %arg3[%dma_start3A_439, %dma_start3A_440] : memref<1000000x128xf32, #tpu.memory_space<hbm>> -> memref<1000000x128xf32, #tpu.memory_space<hbm>>
        tpu.enqueue_indirect_dma source(%dma_start3A_441 : memref<1000000x128xf32, #tpu.memory_space<hbm>>) target(%dma_start3A_435 : memref<128x128xf32, #tpu.memory_space<vmem>>) offsets(%dma_start3A_438 : memref<128xi32, #tpu.memory_space<vmem>>) semaphore(%arg8 : memref<!tpu.dma_semaphore, #tpu.memory_space<semaphore_mem>>)
      } else {
      }
      %dma_start3A_233 = arith.constant 0 : i32
      %dma_start3A_234 = arith.constant 0 : i32
      %dma_start3A_235 = arith.constant 0 : i32
      %dma_start3A_236 = arith.constant 0 : i32
      %dma_start3A_237 = tpu.memref_slice %arg7[%dma_start3A_233, %dma_start3A_234, %dma_start3A_235, %dma_start3A_236] : memref<4x8x8x128xf32, #tpu.memory_space<vmem>> -> memref<1x8x8x128xf32, #tpu.memory_space<vmem>>
      %dma_start3A_238 = tpu.memref_squeeze %dma_start3A_237 : memref<1x8x8x128xf32, #tpu.memory_space<vmem>> -> memref<8x8x128xf32, #tpu.memory_space<vmem>>
      %dma_start3A_239 = arith.constant 0 : i32
      %dma_start3A_240 = arith.constant 0 : i32
      %dma_start3A_241 = arith.constant 0 : i32
      %dma_start3A_242 = tpu.memref_slice %arg4[%scan3A_199, %dma_start3A_239, %add3A_203, %dma_start3A_240, %dma_start3A_241] : memref<50x8x128x8x128xf32, #tpu.memory_space<hbm>> -> memref<1x8x1x8x128xf32, #tpu.memory_space<hbm>>
      %dma_start3A_243 = tpu.memref_squeeze %dma_start3A_242 : memref<1x8x1x8x128xf32, #tpu.memory_space<hbm>> -> memref<8x8x128xf32, #tpu.memory_space<hbm>>
      %dma_start3A_244 = arith.constant 0 : i32
      %dma_start3A_245 = arith.constant 0 : i32
      %dma_start3A_246 = arith.constant 0 : i32
      %dma_start3A_247 = tpu.memref_slice %arg4[%scan3A_199, %dma_start3A_244, %add3A_203, %dma_start3A_245, %dma_start3A_246] : memref<50x8x128x8x128xf32, #tpu.memory_space<hbm>> -> memref<1x8x1x8x128xf32, #tpu.memory_space<hbm>>
      %dma_start3A_248 = tpu.memref_squeeze %dma_start3A_247 : memref<1x8x1x8x128xf32, #tpu.memory_space<hbm>> -> memref<8x8x128xf32, #tpu.memory_space<hbm>>
      %dma_start3A_249 = arith.constant 0 : i32
      %dma_start3A_250 = arith.constant 0 : i32
      %dma_start3A_251 = arith.constant 0 : i32
      %dma_start3A_252 = tpu.memref_slice %arg7[%dma_start3A_233, %dma_start3A_249, %dma_start3A_250, %dma_start3A_251] : memref<4x8x8x128xf32, #tpu.memory_space<vmem>> -> memref<1x8x8x128xf32, #tpu.memory_space<vmem>>
      %dma_start3A_253 = tpu.memref_squeeze %dma_start3A_252 : memref<1x8x8x128xf32, #tpu.memory_space<vmem>> -> memref<8x8x128xf32, #tpu.memory_space<vmem>>
      tpu.enqueue_dma source(%dma_start3A_253 : memref<8x8x128xf32, #tpu.memory_space<vmem>>) target(%dma_start3A_248 : memref<8x8x128xf32, #tpu.memory_space<hbm>>) target_semaphore(%arg12 : memref<!tpu.dma_semaphore, #tpu.memory_space<semaphore_mem>>)
      %mul3A_254 = arith.constant 4 : i32
      %mul3A_255 = arith.muli %mul3A_254, %add3A : i32
      %add3A_256 = arith.constant 1 : i32
      %add3A_257 = arith.addi %mul3A_255, %add3A_256 : i32
      %dma_wait3A_258 = arith.constant 1 : i32
      %dma_wait3A_259 = arith.constant 0 : i32
      %dma_wait3A_260 = arith.constant 0 : i32
      %dma_wait3A_261 = tpu.memref_slice %arg6[%dma_wait3A_258, %dma_wait3A_259, %dma_wait3A_260] : memref<4x128x128xf32, #tpu.memory_space<vmem>> -> memref<1x128x128xf32, #tpu.memory_space<vmem>>
      %dma_wait3A_262 = tpu.memref_squeeze %dma_wait3A_261 : memref<1x128x128xf32, #tpu.memory_space<vmem>> -> memref<128x128xf32, #tpu.memory_space<vmem>>
      %dma_wait3A_263 = arith.constant 0 : i32
      %dma_wait3A_264 = arith.constant 0 : i32
      %dma_wait3A_265 = tpu.memref_slice %arg3[%dma_wait3A_263, %dma_wait3A_264] : memref<1000000x128xf32, #tpu.memory_space<hbm>> -> memref<128x128xf32, #tpu.memory_space<hbm>>
      %dma_wait3A_266 = arith.constant 0 : i32
      %dma_wait3A_267 = arith.constant 0 : i32
      %dma_wait3A_268 = tpu.memref_slice %arg6[%dma_wait3A_258, %dma_wait3A_266, %dma_wait3A_267] : memref<4x128x128xf32, #tpu.memory_space<vmem>> -> memref<1x128x128xf32, #tpu.memory_space<vmem>>
      %dma_wait3A_269 = tpu.memref_squeeze %dma_wait3A_268 : memref<1x128x128xf32, #tpu.memory_space<vmem>> -> memref<128x128xf32, #tpu.memory_space<vmem>>
      %dma_wait3A_270 = arith.constant 0 : i32
      %dma_wait3A_271 = arith.constant 0 : i32
      %dma_wait3A_272 = tpu.memref_slice %arg3[%dma_wait3A_270, %dma_wait3A_271] : memref<1000000x128xf32, #tpu.memory_space<hbm>> -> memref<128x128xf32, #tpu.memory_space<hbm>>
      tpu.wait_dma2 semaphore(%arg9 : memref<!tpu.dma_semaphore, #tpu.memory_space<semaphore_mem>>) src(%dma_wait3A_272 : memref<128x128xf32, #tpu.memory_space<hbm>>) dst(%dma_wait3A_269 : memref<128x128xf32, #tpu.memory_space<vmem>>)
      %gt3A_273 = arith.constant 0 : i32
      %gt3A_274 = arith.cmpi sgt, %scan3A_199, %gt3A_273 : i32
      %convert_element_type3A_275 = arith.extui %gt3A_274 : i1 to i32
      %cond3A_276 = arith.constant 0 : i32
      %cond3A_277 = arith.cmpi ne, %convert_element_type3A_275, %cond3A_276 : i32
      scf.if %cond3A_277 {
        %dma_wait3A_428 = arith.constant 1 : i32
        %dma_wait3A_429 = arith.constant 0 : i32
        %dma_wait3A_430 = arith.constant 0 : i32
        %dma_wait3A_431 = arith.constant 0 : i32
        %dma_wait3A_432 = arith.constant 0 : i32
        %dma_wait3A_433 = arith.constant 0 : i32
        %dma_wait3A_434 = tpu.memref_slice %arg7[%dma_wait3A_428, %dma_wait3A_431, %dma_wait3A_432, %dma_wait3A_433] : memref<4x8x8x128xf32, #tpu.memory_space<vmem>> -> memref<1x8x8x128xf32, #tpu.memory_space<vmem>>
        %dma_wait3A_435 = tpu.memref_squeeze %dma_wait3A_434 : memref<1x8x8x128xf32, #tpu.memory_space<vmem>> -> memref<8x8x128xf32, #tpu.memory_space<vmem>>
        %dma_wait3A_436 = arith.constant 0 : i32
        %dma_wait3A_437 = arith.constant 0 : i32
        %dma_wait3A_438 = arith.constant 0 : i32
        %dma_wait3A_439 = tpu.memref_slice %arg4[%dma_wait3A_429, %dma_wait3A_436, %dma_wait3A_430, %dma_wait3A_437, %dma_wait3A_438] : memref<50x8x128x8x128xf32, #tpu.memory_space<hbm>> -> memref<1x8x1x8x128xf32, #tpu.memory_space<hbm>>
        %dma_wait3A_440 = tpu.memref_squeeze %dma_wait3A_439 : memref<1x8x1x8x128xf32, #tpu.memory_space<hbm>> -> memref<8x8x128xf32, #tpu.memory_space<hbm>>
        %dma_wait3A_441 = arith.constant 0 : i32
        %dma_wait3A_442 = arith.constant 0 : i32
        %dma_wait3A_443 = arith.constant 0 : i32
        %dma_wait3A_444 = tpu.memref_slice %arg4[%dma_wait3A_429, %dma_wait3A_441, %dma_wait3A_430, %dma_wait3A_442, %dma_wait3A_443] : memref<50x8x128x8x128xf32, #tpu.memory_space<hbm>> -> memref<1x8x1x8x128xf32, #tpu.memory_space<hbm>>
        %dma_wait3A_445 = tpu.memref_squeeze %dma_wait3A_444 : memref<1x8x1x8x128xf32, #tpu.memory_space<hbm>> -> memref<8x8x128xf32, #tpu.memory_space<hbm>>
        %dma_wait3A_446 = arith.constant 0 : i32
        %dma_wait3A_447 = arith.constant 0 : i32
        %dma_wait3A_448 = arith.constant 0 : i32
        %dma_wait3A_449 = tpu.memref_slice %arg7[%dma_wait3A_428, %dma_wait3A_446, %dma_wait3A_447, %dma_wait3A_448] : memref<4x8x8x128xf32, #tpu.memory_space<vmem>> -> memref<1x8x8x128xf32, #tpu.memory_space<vmem>>
        %dma_wait3A_450 = tpu.memref_squeeze %dma_wait3A_449 : memref<1x8x8x128xf32, #tpu.memory_space<vmem>> -> memref<8x8x128xf32, #tpu.memory_space<vmem>>
        tpu.wait_dma2 semaphore(%arg13 : memref<!tpu.dma_semaphore, #tpu.memory_space<semaphore_mem>>) src(%dma_wait3A_450 : memref<8x8x128xf32, #tpu.memory_space<vmem>>) dst(%dma_wait3A_445 : memref<8x8x128xf32, #tpu.memory_space<hbm>>)
      } else {
      }
      %scan3A_278 = arith.constant 0 : i32
      %scan3A_279 = arith.constant 0 : i32
      %scan3A_280 = arith.constant 64 : i32
      %scan3A_281 = arith.addi %scan3A_279, %scan3A_280 : i32
      %scan3A_282 = arith.constant 2 : i32
      scf.for %scan3A_428 = %scan3A_279 to %scan3A_281 step %scan3A_282  : i32 {
        %shift_right_logical3A = arith.constant 4 : i32
        %shift_right_logical3A_429 = arith.shrui %scan3A_428, %shift_right_logical3A : i32
        %shift_left3A = arith.constant 4 : i32
        %shift_left3A_430 = arith.shli %shift_right_logical3A_429, %shift_left3A : i32
        %add3A_431 = vector.broadcast %scan3A_428 : i32 to vector<16xi32>
        %add3A_432 = arith.addi %iota3A, %add3A_431 : vector<16xi32>
        %and3A = arith.constant 15 : i32
        %and3A_433 = vector.broadcast %and3A : i32 to vector<16xi32>
        %and3A_434 = arith.andi %add3A_432, %and3A_433 : vector<16xi32>
        %add3A_435 = vector.broadcast %shift_left3A_430 : i32 to vector<16xi32>
        %add3A_436 = arith.addi %and3A_434, %add3A_435 : vector<16xi32>
        %shift_right_logical3A_437 = arith.constant 3 : i32
        %shift_right_logical3A_438 = vector.broadcast %shift_right_logical3A_437 : i32 to vector<16xi32>
        %shift_right_logical3A_439 = arith.shrui %add3A_436, %shift_right_logical3A_438 : vector<16xi32>
        %and3A_440 = arith.constant 7 : i32
        %and3A_441 = vector.broadcast %and3A_440 : i32 to vector<16xi32>
        %and3A_442 = arith.andi %add3A_436, %and3A_441 : vector<16xi32>
        %gather3A = arith.constant 1 : i32
        %gather3A_443 = arith.constant 0 : i32
        %gather3A_444 = arith.constant 0 : i32
        %gather3A_445 = tpu.memref_slice %arg6[%gather3A, %gather3A_443, %gather3A_444] : memref<4x128x128xf32, #tpu.memory_space<vmem>> -> memref<1x128x128xf32, #tpu.memory_space<vmem>>
        %gather3A_446 = tpu.memref_squeeze %gather3A_445 : memref<1x128x128xf32, #tpu.memory_space<vmem>> -> memref<128x128xf32, #tpu.memory_space<vmem>>
        %gather3A_447 = tpu.vector_load_idx %gather3A_446[%add3A_30, %add3A_436] : memref<128x128xf32, #tpu.memory_space<vmem>>[vector<16xi32>, vector<16xi32>], vector<16xf32>,
        %scatter3A = arith.constant 1 : i32
        %scatter3A_448 = arith.constant 0 : i32
        %scatter3A_449 = arith.constant 0 : i32
        %scatter3A_450 = arith.constant 0 : i32
        %scatter3A_451 = tpu.memref_slice %arg7[%scatter3A, %scatter3A_448, %scatter3A_449, %scatter3A_450] : memref<4x8x8x128xf32, #tpu.memory_space<vmem>> -> memref<1x8x8x128xf32, #tpu.memory_space<vmem>>
        %scatter3A_452 = tpu.memref_squeeze %scatter3A_451 : memref<1x8x8x128xf32, #tpu.memory_space<vmem>> -> memref<8x8x128xf32, #tpu.memory_space<vmem>>
        tpu.vector_store_idx %scatter3A_452[%shift_right_logical3A_439, %and3A_442, %add3A_30], %gather3A_447 : memref<8x8x128xf32, #tpu.memory_space<vmem>>[vector<16xi32>, vector<16xi32>, vector<16xi32>], vector<16xf32>,
        %gather3A_453 = arith.constant 1 : i32
        %gather3A_454 = arith.constant 0 : i32
        %gather3A_455 = arith.constant 0 : i32
        %gather3A_456 = tpu.memref_slice %arg6[%gather3A_453, %gather3A_454, %gather3A_455] : memref<4x128x128xf32, #tpu.memory_space<vmem>> -> memref<1x128x128xf32, #tpu.memory_space<vmem>>
        %gather3A_457 = tpu.memref_squeeze %gather3A_456 : memref<1x128x128xf32, #tpu.memory_space<vmem>> -> memref<128x128xf32, #tpu.memory_space<vmem>>
        %gather3A_458 = tpu.vector_load_idx %gather3A_457[%add3A_33, %add3A_436] : memref<128x128xf32, #tpu.memory_space<vmem>>[vector<16xi32>, vector<16xi32>], vector<16xf32>,
        %scatter3A_459 = arith.constant 1 : i32
        %scatter3A_460 = arith.constant 0 : i32
        %scatter3A_461 = arith.constant 0 : i32
        %scatter3A_462 = arith.constant 0 : i32
        %scatter3A_463 = tpu.memref_slice %arg7[%scatter3A_459, %scatter3A_460, %scatter3A_461, %scatter3A_462] : memref<4x8x8x128xf32, #tpu.memory_space<vmem>> -> memref<1x8x8x128xf32, #tpu.memory_space<vmem>>
        %scatter3A_464 = tpu.memref_squeeze %scatter3A_463 : memref<1x8x8x128xf32, #tpu.memory_space<vmem>> -> memref<8x8x128xf32, #tpu.memory_space<vmem>>
        tpu.vector_store_idx %scatter3A_464[%shift_right_logical3A_439, %and3A_442, %add3A_33], %gather3A_458 : memref<8x8x128xf32, #tpu.memory_space<vmem>>[vector<16xi32>, vector<16xi32>, vector<16xi32>], vector<16xf32>,
        %gather3A_465 = arith.constant 1 : i32
        %gather3A_466 = arith.constant 0 : i32
        %gather3A_467 = arith.constant 0 : i32
        %gather3A_468 = tpu.memref_slice %arg6[%gather3A_465, %gather3A_466, %gather3A_467] : memref<4x128x128xf32, #tpu.memory_space<vmem>> -> memref<1x128x128xf32, #tpu.memory_space<vmem>>
        %gather3A_469 = tpu.memref_squeeze %gather3A_468 : memref<1x128x128xf32, #tpu.memory_space<vmem>> -> memref<128x128xf32, #tpu.memory_space<vmem>>
        %gather3A_470 = tpu.vector_load_idx %gather3A_469[%add3A_36, %add3A_436] : memref<128x128xf32, #tpu.memory_space<vmem>>[vector<16xi32>, vector<16xi32>], vector<16xf32>,
        %scatter3A_471 = arith.constant 1 : i32
        %scatter3A_472 = arith.constant 0 : i32
        %scatter3A_473 = arith.constant 0 : i32
        %scatter3A_474 = arith.constant 0 : i32
        %scatter3A_475 = tpu.memref_slice %arg7[%scatter3A_471, %scatter3A_472, %scatter3A_473, %scatter3A_474] : memref<4x8x8x128xf32, #tpu.memory_space<vmem>> -> memref<1x8x8x128xf32, #tpu.memory_space<vmem>>
        %scatter3A_476 = tpu.memref_squeeze %scatter3A_475 : memref<1x8x8x128xf32, #tpu.memory_space<vmem>> -> memref<8x8x128xf32, #tpu.memory_space<vmem>>
        tpu.vector_store_idx %scatter3A_476[%shift_right_logical3A_439, %and3A_442, %add3A_36], %gather3A_470 : memref<8x8x128xf32, #tpu.memory_space<vmem>>[vector<16xi32>, vector<16xi32>, vector<16xi32>], vector<16xf32>,
        %gather3A_477 = arith.constant 1 : i32
        %gather3A_478 = arith.constant 0 : i32
        %gather3A_479 = arith.constant 0 : i32
        %gather3A_480 = tpu.memref_slice %arg6[%gather3A_477, %gather3A_478, %gather3A_479] : memref<4x128x128xf32, #tpu.memory_space<vmem>> -> memref<1x128x128xf32, #tpu.memory_space<vmem>>
        %gather3A_481 = tpu.memref_squeeze %gather3A_480 : memref<1x128x128xf32, #tpu.memory_space<vmem>> -> memref<128x128xf32, #tpu.memory_space<vmem>>
        %gather3A_482 = tpu.vector_load_idx %gather3A_481[%add3A_39, %add3A_436] : memref<128x128xf32, #tpu.memory_space<vmem>>[vector<16xi32>, vector<16xi32>], vector<16xf32>,
        %scatter3A_483 = arith.constant 1 : i32
        %scatter3A_484 = arith.constant 0 : i32
        %scatter3A_485 = arith.constant 0 : i32
        %scatter3A_486 = arith.constant 0 : i32
        %scatter3A_487 = tpu.memref_slice %arg7[%scatter3A_483, %scatter3A_484, %scatter3A_485, %scatter3A_486] : memref<4x8x8x128xf32, #tpu.memory_space<vmem>> -> memref<1x8x8x128xf32, #tpu.memory_space<vmem>>
        %scatter3A_488 = tpu.memref_squeeze %scatter3A_487 : memref<1x8x8x128xf32, #tpu.memory_space<vmem>> -> memref<8x8x128xf32, #tpu.memory_space<vmem>>
        tpu.vector_store_idx %scatter3A_488[%shift_right_logical3A_439, %and3A_442, %add3A_39], %gather3A_482 : memref<8x8x128xf32, #tpu.memory_space<vmem>>[vector<16xi32>, vector<16xi32>, vector<16xi32>], vector<16xf32>,
        %gather3A_489 = arith.constant 1 : i32
        %gather3A_490 = arith.constant 0 : i32
        %gather3A_491 = arith.constant 0 : i32
        %gather3A_492 = tpu.memref_slice %arg6[%gather3A_489, %gather3A_490, %gather3A_491] : memref<4x128x128xf32, #tpu.memory_space<vmem>> -> memref<1x128x128xf32, #tpu.memory_space<vmem>>
        %gather3A_493 = tpu.memref_squeeze %gather3A_492 : memref<1x128x128xf32, #tpu.memory_space<vmem>> -> memref<128x128xf32, #tpu.memory_space<vmem>>
        %gather3A_494 = tpu.vector_load_idx %gather3A_493[%add3A_42, %add3A_436] : memref<128x128xf32, #tpu.memory_space<vmem>>[vector<16xi32>, vector<16xi32>], vector<16xf32>,
        %scatter3A_495 = arith.constant 1 : i32
        %scatter3A_496 = arith.constant 0 : i32
        %scatter3A_497 = arith.constant 0 : i32
        %scatter3A_498 = arith.constant 0 : i32
        %scatter3A_499 = tpu.memref_slice %arg7[%scatter3A_495, %scatter3A_496, %scatter3A_497, %scatter3A_498] : memref<4x8x8x128xf32, #tpu.memory_space<vmem>> -> memref<1x8x8x128xf32, #tpu.memory_space<vmem>>
        %scatter3A_500 = tpu.memref_squeeze %scatter3A_499 : memref<1x8x8x128xf32, #tpu.memory_space<vmem>> -> memref<8x8x128xf32, #tpu.memory_space<vmem>>
        tpu.vector_store_idx %scatter3A_500[%shift_right_logical3A_439, %and3A_442, %add3A_42], %gather3A_494 : memref<8x8x128xf32, #tpu.memory_space<vmem>>[vector<16xi32>, vector<16xi32>, vector<16xi32>], vector<16xf32>,
        %gather3A_501 = arith.constant 1 : i32
        %gather3A_502 = arith.constant 0 : i32
        %gather3A_503 = arith.constant 0 : i32
        %gather3A_504 = tpu.memref_slice %arg6[%gather3A_501, %gather3A_502, %gather3A_503] : memref<4x128x128xf32, #tpu.memory_space<vmem>> -> memref<1x128x128xf32, #tpu.memory_space<vmem>>
        %gather3A_505 = tpu.memref_squeeze %gather3A_504 : memref<1x128x128xf32, #tpu.memory_space<vmem>> -> memref<128x128xf32, #tpu.memory_space<vmem>>
        %gather3A_506 = tpu.vector_load_idx %gather3A_505[%add3A_45, %add3A_436] : memref<128x128xf32, #tpu.memory_space<vmem>>[vector<16xi32>, vector<16xi32>], vector<16xf32>,
        %scatter3A_507 = arith.constant 1 : i32
        %scatter3A_508 = arith.constant 0 : i32
        %scatter3A_509 = arith.constant 0 : i32
        %scatter3A_510 = arith.constant 0 : i32
        %scatter3A_511 = tpu.memref_slice %arg7[%scatter3A_507, %scatter3A_508, %scatter3A_509, %scatter3A_510] : memref<4x8x8x128xf32, #tpu.memory_space<vmem>> -> memref<1x8x8x128xf32, #tpu.memory_space<vmem>>
        %scatter3A_512 = tpu.memref_squeeze %scatter3A_511 : memref<1x8x8x128xf32, #tpu.memory_space<vmem>> -> memref<8x8x128xf32, #tpu.memory_space<vmem>>
        tpu.vector_store_idx %scatter3A_512[%shift_right_logical3A_439, %and3A_442, %add3A_45], %gather3A_506 : memref<8x8x128xf32, #tpu.memory_space<vmem>>[vector<16xi32>, vector<16xi32>, vector<16xi32>], vector<16xf32>,
        %gather3A_513 = arith.constant 1 : i32
        %gather3A_514 = arith.constant 0 : i32
        %gather3A_515 = arith.constant 0 : i32
        %gather3A_516 = tpu.memref_slice %arg6[%gather3A_513, %gather3A_514, %gather3A_515] : memref<4x128x128xf32, #tpu.memory_space<vmem>> -> memref<1x128x128xf32, #tpu.memory_space<vmem>>
        %gather3A_517 = tpu.memref_squeeze %gather3A_516 : memref<1x128x128xf32, #tpu.memory_space<vmem>> -> memref<128x128xf32, #tpu.memory_space<vmem>>
        %gather3A_518 = tpu.vector_load_idx %gather3A_517[%add3A_48, %add3A_436] : memref<128x128xf32, #tpu.memory_space<vmem>>[vector<16xi32>, vector<16xi32>], vector<16xf32>,
        %scatter3A_519 = arith.constant 1 : i32
        %scatter3A_520 = arith.constant 0 : i32
        %scatter3A_521 = arith.constant 0 : i32
        %scatter3A_522 = arith.constant 0 : i32
        %scatter3A_523 = tpu.memref_slice %arg7[%scatter3A_519, %scatter3A_520, %scatter3A_521, %scatter3A_522] : memref<4x8x8x128xf32, #tpu.memory_space<vmem>> -> memref<1x8x8x128xf32, #tpu.memory_space<vmem>>
        %scatter3A_524 = tpu.memref_squeeze %scatter3A_523 : memref<1x8x8x128xf32, #tpu.memory_space<vmem>> -> memref<8x8x128xf32, #tpu.memory_space<vmem>>
        tpu.vector_store_idx %scatter3A_524[%shift_right_logical3A_439, %and3A_442, %add3A_48], %gather3A_518 : memref<8x8x128xf32, #tpu.memory_space<vmem>>[vector<16xi32>, vector<16xi32>, vector<16xi32>], vector<16xf32>,
        %gather3A_525 = arith.constant 1 : i32
        %gather3A_526 = arith.constant 0 : i32
        %gather3A_527 = arith.constant 0 : i32
        %gather3A_528 = tpu.memref_slice %arg6[%gather3A_525, %gather3A_526, %gather3A_527] : memref<4x128x128xf32, #tpu.memory_space<vmem>> -> memref<1x128x128xf32, #tpu.memory_space<vmem>>
        %gather3A_529 = tpu.memref_squeeze %gather3A_528 : memref<1x128x128xf32, #tpu.memory_space<vmem>> -> memref<128x128xf32, #tpu.memory_space<vmem>>
        %gather3A_530 = tpu.vector_load_idx %gather3A_529[%add3A_51, %add3A_436] : memref<128x128xf32, #tpu.memory_space<vmem>>[vector<16xi32>, vector<16xi32>], vector<16xf32>,
        %scatter3A_531 = arith.constant 1 : i32
        %scatter3A_532 = arith.constant 0 : i32
        %scatter3A_533 = arith.constant 0 : i32
        %scatter3A_534 = arith.constant 0 : i32
        %scatter3A_535 = tpu.memref_slice %arg7[%scatter3A_531, %scatter3A_532, %scatter3A_533, %scatter3A_534] : memref<4x8x8x128xf32, #tpu.memory_space<vmem>> -> memref<1x8x8x128xf32, #tpu.memory_space<vmem>>
        %scatter3A_536 = tpu.memref_squeeze %scatter3A_535 : memref<1x8x8x128xf32, #tpu.memory_space<vmem>> -> memref<8x8x128xf32, #tpu.memory_space<vmem>>
        tpu.vector_store_idx %scatter3A_536[%shift_right_logical3A_439, %and3A_442, %add3A_51], %gather3A_530 : memref<8x8x128xf32, #tpu.memory_space<vmem>>[vector<16xi32>, vector<16xi32>, vector<16xi32>], vector<16xf32>,
        %scan3A_537 = arith.constant 1 : i32
        %scan3A_538 = arith.addi %scan3A_428, %scan3A_537 : i32
        %shift_right_logical3A_539 = arith.constant 4 : i32
        %shift_right_logical3A_540 = arith.shrui %scan3A_538, %shift_right_logical3A_539 : i32
        %shift_left3A_541 = arith.constant 4 : i32
        %shift_left3A_542 = arith.shli %shift_right_logical3A_540, %shift_left3A_541 : i32
        %add3A_543 = vector.broadcast %scan3A_538 : i32 to vector<16xi32>
        %add3A_544 = arith.addi %iota3A, %add3A_543 : vector<16xi32>
        %and3A_545 = arith.constant 15 : i32
        %and3A_546 = vector.broadcast %and3A_545 : i32 to vector<16xi32>
        %and3A_547 = arith.andi %add3A_544, %and3A_546 : vector<16xi32>
        %add3A_548 = vector.broadcast %shift_left3A_542 : i32 to vector<16xi32>
        %add3A_549 = arith.addi %and3A_547, %add3A_548 : vector<16xi32>
        %shift_right_logical3A_550 = arith.constant 3 : i32
        %shift_right_logical3A_551 = vector.broadcast %shift_right_logical3A_550 : i32 to vector<16xi32>
        %shift_right_logical3A_552 = arith.shrui %add3A_549, %shift_right_logical3A_551 : vector<16xi32>
        %and3A_553 = arith.constant 7 : i32
        %and3A_554 = vector.broadcast %and3A_553 : i32 to vector<16xi32>
        %and3A_555 = arith.andi %add3A_549, %and3A_554 : vector<16xi32>
        %gather3A_556 = arith.constant 1 : i32
        %gather3A_557 = arith.constant 0 : i32
        %gather3A_558 = arith.constant 0 : i32
        %gather3A_559 = tpu.memref_slice %arg6[%gather3A_556, %gather3A_557, %gather3A_558] : memref<4x128x128xf32, #tpu.memory_space<vmem>> -> memref<1x128x128xf32, #tpu.memory_space<vmem>>
        %gather3A_560 = tpu.memref_squeeze %gather3A_559 : memref<1x128x128xf32, #tpu.memory_space<vmem>> -> memref<128x128xf32, #tpu.memory_space<vmem>>
        %gather3A_561 = tpu.vector_load_idx %gather3A_560[%add3A_30, %add3A_549] : memref<128x128xf32, #tpu.memory_space<vmem>>[vector<16xi32>, vector<16xi32>], vector<16xf32>,
        %scatter3A_562 = arith.constant 1 : i32
        %scatter3A_563 = arith.constant 0 : i32
        %scatter3A_564 = arith.constant 0 : i32
        %scatter3A_565 = arith.constant 0 : i32
        %scatter3A_566 = tpu.memref_slice %arg7[%scatter3A_562, %scatter3A_563, %scatter3A_564, %scatter3A_565] : memref<4x8x8x128xf32, #tpu.memory_space<vmem>> -> memref<1x8x8x128xf32, #tpu.memory_space<vmem>>
        %scatter3A_567 = tpu.memref_squeeze %scatter3A_566 : memref<1x8x8x128xf32, #tpu.memory_space<vmem>> -> memref<8x8x128xf32, #tpu.memory_space<vmem>>
        tpu.vector_store_idx %scatter3A_567[%shift_right_logical3A_552, %and3A_555, %add3A_30], %gather3A_561 : memref<8x8x128xf32, #tpu.memory_space<vmem>>[vector<16xi32>, vector<16xi32>, vector<16xi32>], vector<16xf32>,
        %gather3A_568 = arith.constant 1 : i32
        %gather3A_569 = arith.constant 0 : i32
        %gather3A_570 = arith.constant 0 : i32
        %gather3A_571 = tpu.memref_slice %arg6[%gather3A_568, %gather3A_569, %gather3A_570] : memref<4x128x128xf32, #tpu.memory_space<vmem>> -> memref<1x128x128xf32, #tpu.memory_space<vmem>>
        %gather3A_572 = tpu.memref_squeeze %gather3A_571 : memref<1x128x128xf32, #tpu.memory_space<vmem>> -> memref<128x128xf32, #tpu.memory_space<vmem>>
        %gather3A_573 = tpu.vector_load_idx %gather3A_572[%add3A_33, %add3A_549] : memref<128x128xf32, #tpu.memory_space<vmem>>[vector<16xi32>, vector<16xi32>], vector<16xf32>,
        %scatter3A_574 = arith.constant 1 : i32
        %scatter3A_575 = arith.constant 0 : i32
        %scatter3A_576 = arith.constant 0 : i32
        %scatter3A_577 = arith.constant 0 : i32
        %scatter3A_578 = tpu.memref_slice %arg7[%scatter3A_574, %scatter3A_575, %scatter3A_576, %scatter3A_577] : memref<4x8x8x128xf32, #tpu.memory_space<vmem>> -> memref<1x8x8x128xf32, #tpu.memory_space<vmem>>
        %scatter3A_579 = tpu.memref_squeeze %scatter3A_578 : memref<1x8x8x128xf32, #tpu.memory_space<vmem>> -> memref<8x8x128xf32, #tpu.memory_space<vmem>>
        tpu.vector_store_idx %scatter3A_579[%shift_right_logical3A_552, %and3A_555, %add3A_33], %gather3A_573 : memref<8x8x128xf32, #tpu.memory_space<vmem>>[vector<16xi32>, vector<16xi32>, vector<16xi32>], vector<16xf32>,
        %gather3A_580 = arith.constant 1 : i32
        %gather3A_581 = arith.constant 0 : i32
        %gather3A_582 = arith.constant 0 : i32
        %gather3A_583 = tpu.memref_slice %arg6[%gather3A_580, %gather3A_581, %gather3A_582] : memref<4x128x128xf32, #tpu.memory_space<vmem>> -> memref<1x128x128xf32, #tpu.memory_space<vmem>>
        %gather3A_584 = tpu.memref_squeeze %gather3A_583 : memref<1x128x128xf32, #tpu.memory_space<vmem>> -> memref<128x128xf32, #tpu.memory_space<vmem>>
        %gather3A_585 = tpu.vector_load_idx %gather3A_584[%add3A_36, %add3A_549] : memref<128x128xf32, #tpu.memory_space<vmem>>[vector<16xi32>, vector<16xi32>], vector<16xf32>,
        %scatter3A_586 = arith.constant 1 : i32
        %scatter3A_587 = arith.constant 0 : i32
        %scatter3A_588 = arith.constant 0 : i32
        %scatter3A_589 = arith.constant 0 : i32
        %scatter3A_590 = tpu.memref_slice %arg7[%scatter3A_586, %scatter3A_587, %scatter3A_588, %scatter3A_589] : memref<4x8x8x128xf32, #tpu.memory_space<vmem>> -> memref<1x8x8x128xf32, #tpu.memory_space<vmem>>
        %scatter3A_591 = tpu.memref_squeeze %scatter3A_590 : memref<1x8x8x128xf32, #tpu.memory_space<vmem>> -> memref<8x8x128xf32, #tpu.memory_space<vmem>>
        tpu.vector_store_idx %scatter3A_591[%shift_right_logical3A_552, %and3A_555, %add3A_36], %gather3A_585 : memref<8x8x128xf32, #tpu.memory_space<vmem>>[vector<16xi32>, vector<16xi32>, vector<16xi32>], vector<16xf32>,
        %gather3A_592 = arith.constant 1 : i32
        %gather3A_593 = arith.constant 0 : i32
        %gather3A_594 = arith.constant 0 : i32
        %gather3A_595 = tpu.memref_slice %arg6[%gather3A_592, %gather3A_593, %gather3A_594] : memref<4x128x128xf32, #tpu.memory_space<vmem>> -> memref<1x128x128xf32, #tpu.memory_space<vmem>>
        %gather3A_596 = tpu.memref_squeeze %gather3A_595 : memref<1x128x128xf32, #tpu.memory_space<vmem>> -> memref<128x128xf32, #tpu.memory_space<vmem>>
        %gather3A_597 = tpu.vector_load_idx %gather3A_596[%add3A_39, %add3A_549] : memref<128x128xf32, #tpu.memory_space<vmem>>[vector<16xi32>, vector<16xi32>], vector<16xf32>,
        %scatter3A_598 = arith.constant 1 : i32
        %scatter3A_599 = arith.constant 0 : i32
        %scatter3A_600 = arith.constant 0 : i32
        %scatter3A_601 = arith.constant 0 : i32
        %scatter3A_602 = tpu.memref_slice %arg7[%scatter3A_598, %scatter3A_599, %scatter3A_600, %scatter3A_601] : memref<4x8x8x128xf32, #tpu.memory_space<vmem>> -> memref<1x8x8x128xf32, #tpu.memory_space<vmem>>
        %scatter3A_603 = tpu.memref_squeeze %scatter3A_602 : memref<1x8x8x128xf32, #tpu.memory_space<vmem>> -> memref<8x8x128xf32, #tpu.memory_space<vmem>>
        tpu.vector_store_idx %scatter3A_603[%shift_right_logical3A_552, %and3A_555, %add3A_39], %gather3A_597 : memref<8x8x128xf32, #tpu.memory_space<vmem>>[vector<16xi32>, vector<16xi32>, vector<16xi32>], vector<16xf32>,
        %gather3A_604 = arith.constant 1 : i32
        %gather3A_605 = arith.constant 0 : i32
        %gather3A_606 = arith.constant 0 : i32
        %gather3A_607 = tpu.memref_slice %arg6[%gather3A_604, %gather3A_605, %gather3A_606] : memref<4x128x128xf32, #tpu.memory_space<vmem>> -> memref<1x128x128xf32, #tpu.memory_space<vmem>>
        %gather3A_608 = tpu.memref_squeeze %gather3A_607 : memref<1x128x128xf32, #tpu.memory_space<vmem>> -> memref<128x128xf32, #tpu.memory_space<vmem>>
        %gather3A_609 = tpu.vector_load_idx %gather3A_608[%add3A_42, %add3A_549] : memref<128x128xf32, #tpu.memory_space<vmem>>[vector<16xi32>, vector<16xi32>], vector<16xf32>,
        %scatter3A_610 = arith.constant 1 : i32
        %scatter3A_611 = arith.constant 0 : i32
        %scatter3A_612 = arith.constant 0 : i32
        %scatter3A_613 = arith.constant 0 : i32
        %scatter3A_614 = tpu.memref_slice %arg7[%scatter3A_610, %scatter3A_611, %scatter3A_612, %scatter3A_613] : memref<4x8x8x128xf32, #tpu.memory_space<vmem>> -> memref<1x8x8x128xf32, #tpu.memory_space<vmem>>
        %scatter3A_615 = tpu.memref_squeeze %scatter3A_614 : memref<1x8x8x128xf32, #tpu.memory_space<vmem>> -> memref<8x8x128xf32, #tpu.memory_space<vmem>>
        tpu.vector_store_idx %scatter3A_615[%shift_right_logical3A_552, %and3A_555, %add3A_42], %gather3A_609 : memref<8x8x128xf32, #tpu.memory_space<vmem>>[vector<16xi32>, vector<16xi32>, vector<16xi32>], vector<16xf32>,
        %gather3A_616 = arith.constant 1 : i32
        %gather3A_617 = arith.constant 0 : i32
        %gather3A_618 = arith.constant 0 : i32
        %gather3A_619 = tpu.memref_slice %arg6[%gather3A_616, %gather3A_617, %gather3A_618] : memref<4x128x128xf32, #tpu.memory_space<vmem>> -> memref<1x128x128xf32, #tpu.memory_space<vmem>>
        %gather3A_620 = tpu.memref_squeeze %gather3A_619 : memref<1x128x128xf32, #tpu.memory_space<vmem>> -> memref<128x128xf32, #tpu.memory_space<vmem>>
        %gather3A_621 = tpu.vector_load_idx %gather3A_620[%add3A_45, %add3A_549] : memref<128x128xf32, #tpu.memory_space<vmem>>[vector<16xi32>, vector<16xi32>], vector<16xf32>,
        %scatter3A_622 = arith.constant 1 : i32
        %scatter3A_623 = arith.constant 0 : i32
        %scatter3A_624 = arith.constant 0 : i32
        %scatter3A_625 = arith.constant 0 : i32
        %scatter3A_626 = tpu.memref_slice %arg7[%scatter3A_622, %scatter3A_623, %scatter3A_624, %scatter3A_625] : memref<4x8x8x128xf32, #tpu.memory_space<vmem>> -> memref<1x8x8x128xf32, #tpu.memory_space<vmem>>
        %scatter3A_627 = tpu.memref_squeeze %scatter3A_626 : memref<1x8x8x128xf32, #tpu.memory_space<vmem>> -> memref<8x8x128xf32, #tpu.memory_space<vmem>>
        tpu.vector_store_idx %scatter3A_627[%shift_right_logical3A_552, %and3A_555, %add3A_45], %gather3A_621 : memref<8x8x128xf32, #tpu.memory_space<vmem>>[vector<16xi32>, vector<16xi32>, vector<16xi32>], vector<16xf32>,
        %gather3A_628 = arith.constant 1 : i32
        %gather3A_629 = arith.constant 0 : i32
        %gather3A_630 = arith.constant 0 : i32
        %gather3A_631 = tpu.memref_slice %arg6[%gather3A_628, %gather3A_629, %gather3A_630] : memref<4x128x128xf32, #tpu.memory_space<vmem>> -> memref<1x128x128xf32, #tpu.memory_space<vmem>>
        %gather3A_632 = tpu.memref_squeeze %gather3A_631 : memref<1x128x128xf32, #tpu.memory_space<vmem>> -> memref<128x128xf32, #tpu.memory_space<vmem>>
        %gather3A_633 = tpu.vector_load_idx %gather3A_632[%add3A_48, %add3A_549] : memref<128x128xf32, #tpu.memory_space<vmem>>[vector<16xi32>, vector<16xi32>], vector<16xf32>,
        %scatter3A_634 = arith.constant 1 : i32
        %scatter3A_635 = arith.constant 0 : i32
        %scatter3A_636 = arith.constant 0 : i32
        %scatter3A_637 = arith.constant 0 : i32
        %scatter3A_638 = tpu.memref_slice %arg7[%scatter3A_634, %scatter3A_635, %scatter3A_636, %scatter3A_637] : memref<4x8x8x128xf32, #tpu.memory_space<vmem>> -> memref<1x8x8x128xf32, #tpu.memory_space<vmem>>
        %scatter3A_639 = tpu.memref_squeeze %scatter3A_638 : memref<1x8x8x128xf32, #tpu.memory_space<vmem>> -> memref<8x8x128xf32, #tpu.memory_space<vmem>>
        tpu.vector_store_idx %scatter3A_639[%shift_right_logical3A_552, %and3A_555, %add3A_48], %gather3A_633 : memref<8x8x128xf32, #tpu.memory_space<vmem>>[vector<16xi32>, vector<16xi32>, vector<16xi32>], vector<16xf32>,
        %gather3A_640 = arith.constant 1 : i32
        %gather3A_641 = arith.constant 0 : i32
        %gather3A_642 = arith.constant 0 : i32
        %gather3A_643 = tpu.memref_slice %arg6[%gather3A_640, %gather3A_641, %gather3A_642] : memref<4x128x128xf32, #tpu.memory_space<vmem>> -> memref<1x128x128xf32, #tpu.memory_space<vmem>>
        %gather3A_644 = tpu.memref_squeeze %gather3A_643 : memref<1x128x128xf32, #tpu.memory_space<vmem>> -> memref<128x128xf32, #tpu.memory_space<vmem>>
        %gather3A_645 = tpu.vector_load_idx %gather3A_644[%add3A_51, %add3A_549] : memref<128x128xf32, #tpu.memory_space<vmem>>[vector<16xi32>, vector<16xi32>], vector<16xf32>,
        %scatter3A_646 = arith.constant 1 : i32
        %scatter3A_647 = arith.constant 0 : i32
        %scatter3A_648 = arith.constant 0 : i32
        %scatter3A_649 = arith.constant 0 : i32
        %scatter3A_650 = tpu.memref_slice %arg7[%scatter3A_646, %scatter3A_647, %scatter3A_648, %scatter3A_649] : memref<4x8x8x128xf32, #tpu.memory_space<vmem>> -> memref<1x8x8x128xf32, #tpu.memory_space<vmem>>
        %scatter3A_651 = tpu.memref_squeeze %scatter3A_650 : memref<1x8x8x128xf32, #tpu.memory_space<vmem>> -> memref<8x8x128xf32, #tpu.memory_space<vmem>>
        tpu.vector_store_idx %scatter3A_651[%shift_right_logical3A_552, %and3A_555, %add3A_51], %gather3A_645 : memref<8x8x128xf32, #tpu.memory_space<vmem>>[vector<16xi32>, vector<16xi32>, vector<16xi32>], vector<16xf32>,
      }
      %scan3A_283 = arith.constant 64 : i32
      %add3A_284 = arith.constant 1 : i32
      %add3A_285 = arith.addi %scan3A_199, %add3A_284 : i32
      %lt3A_286 = arith.constant 50 : i32
      %lt3A_287 = arith.cmpi slt, %add3A_285, %lt3A_286 : i32
      %convert_element_type3A_288 = arith.extui %lt3A_287 : i1 to i32
      %cond3A_289 = arith.constant 0 : i32
      %cond3A_290 = arith.cmpi ne, %convert_element_type3A_288, %cond3A_289 : i32
      scf.if %cond3A_290 {
        %add3A_428 = arith.constant 1 : i32
        %add3A_429 = arith.addi %scan3A_199, %add3A_428 : i32
        %dma_start3A_430 = arith.constant 1 : i32
        %dma_start3A_431 = arith.constant 1 : i32
        %dma_start3A_432 = arith.constant 0 : i32
        %dma_start3A_433 = arith.constant 0 : i32
        %dma_start3A_434 = tpu.memref_slice %arg6[%dma_start3A_431, %dma_start3A_432, %dma_start3A_433] : memref<4x128x128xf32, #tpu.memory_space<vmem>> -> memref<1x128x128xf32, #tpu.memory_space<vmem>>
        %dma_start3A_435 = tpu.memref_squeeze %dma_start3A_434 : memref<1x128x128xf32, #tpu.memory_space<vmem>> -> memref<128x128xf32, #tpu.memory_space<vmem>>
        %dma_start3A_436 = arith.constant 0 : i32
        %dma_start3A_437 = tpu.memref_slice %arg5[%add3A_429, %dma_start3A_430, %dma_start3A_436] : memref<50x4x128xi32, #tpu.memory_space<vmem>> -> memref<1x1x128xi32, #tpu.memory_space<vmem>>
        %dma_start3A_438 = tpu.memref_squeeze %dma_start3A_437 : memref<1x1x128xi32, #tpu.memory_space<vmem>> -> memref<128xi32, #tpu.memory_space<vmem>>
        %dma_start3A_439 = arith.constant 0 : i32
        %dma_start3A_440 = arith.constant 0 : i32
        %dma_start3A_441 = tpu.memref_slice %arg3[%dma_start3A_439, %dma_start3A_440] : memref<1000000x128xf32, #tpu.memory_space<hbm>> -> memref<1000000x128xf32, #tpu.memory_space<hbm>>
        tpu.enqueue_indirect_dma source(%dma_start3A_441 : memref<1000000x128xf32, #tpu.memory_space<hbm>>) target(%dma_start3A_435 : memref<128x128xf32, #tpu.memory_space<vmem>>) offsets(%dma_start3A_438 : memref<128xi32, #tpu.memory_space<vmem>>) semaphore(%arg9 : memref<!tpu.dma_semaphore, #tpu.memory_space<semaphore_mem>>)
      } else {
      }
      %dma_start3A_291 = arith.constant 1 : i32
      %dma_start3A_292 = arith.constant 0 : i32
      %dma_start3A_293 = arith.constant 0 : i32
      %dma_start3A_294 = arith.constant 0 : i32
      %dma_start3A_295 = tpu.memref_slice %arg7[%dma_start3A_291, %dma_start3A_292, %dma_start3A_293, %dma_start3A_294] : memref<4x8x8x128xf32, #tpu.memory_space<vmem>> -> memref<1x8x8x128xf32, #tpu.memory_space<vmem>>
      %dma_start3A_296 = tpu.memref_squeeze %dma_start3A_295 : memref<1x8x8x128xf32, #tpu.memory_space<vmem>> -> memref<8x8x128xf32, #tpu.memory_space<vmem>>
      %dma_start3A_297 = arith.constant 0 : i32
      %dma_start3A_298 = arith.constant 0 : i32
      %dma_start3A_299 = arith.constant 0 : i32
      %dma_start3A_300 = tpu.memref_slice %arg4[%scan3A_199, %dma_start3A_297, %add3A_257, %dma_start3A_298, %dma_start3A_299] : memref<50x8x128x8x128xf32, #tpu.memory_space<hbm>> -> memref<1x8x1x8x128xf32, #tpu.memory_space<hbm>>
      %dma_start3A_301 = tpu.memref_squeeze %dma_start3A_300 : memref<1x8x1x8x128xf32, #tpu.memory_space<hbm>> -> memref<8x8x128xf32, #tpu.memory_space<hbm>>
      %dma_start3A_302 = arith.constant 0 : i32
      %dma_start3A_303 = arith.constant 0 : i32
      %dma_start3A_304 = arith.constant 0 : i32
      %dma_start3A_305 = tpu.memref_slice %arg4[%scan3A_199, %dma_start3A_302, %add3A_257, %dma_start3A_303, %dma_start3A_304] : memref<50x8x128x8x128xf32, #tpu.memory_space<hbm>> -> memref<1x8x1x8x128xf32, #tpu.memory_space<hbm>>
      %dma_start3A_306 = tpu.memref_squeeze %dma_start3A_305 : memref<1x8x1x8x128xf32, #tpu.memory_space<hbm>> -> memref<8x8x128xf32, #tpu.memory_space<hbm>>
      %dma_start3A_307 = arith.constant 0 : i32
      %dma_start3A_308 = arith.constant 0 : i32
      %dma_start3A_309 = arith.constant 0 : i32
      %dma_start3A_310 = tpu.memref_slice %arg7[%dma_start3A_291, %dma_start3A_307, %dma_start3A_308, %dma_start3A_309] : memref<4x8x8x128xf32, #tpu.memory_space<vmem>> -> memref<1x8x8x128xf32, #tpu.memory_space<vmem>>
      %dma_start3A_311 = tpu.memref_squeeze %dma_start3A_310 : memref<1x8x8x128xf32, #tpu.memory_space<vmem>> -> memref<8x8x128xf32, #tpu.memory_space<vmem>>
      tpu.enqueue_dma source(%dma_start3A_311 : memref<8x8x128xf32, #tpu.memory_space<vmem>>) target(%dma_start3A_306 : memref<8x8x128xf32, #tpu.memory_space<hbm>>) target_semaphore(%arg13 : memref<!tpu.dma_semaphore, #tpu.memory_space<semaphore_mem>>)
      %mul3A_312 = arith.constant 4 : i32
      %mul3A_313 = arith.muli %mul3A_312, %add3A : i32
      %add3A_314 = arith.constant 2 : i32
      %add3A_315 = arith.addi %mul3A_313, %add3A_314 : i32
      %dma_wait3A_316 = arith.constant 2 : i32
      %dma_wait3A_317 = arith.constant 0 : i32
      %dma_wait3A_318 = arith.constant 0 : i32
      %dma_wait3A_319 = tpu.memref_slice %arg6[%dma_wait3A_316, %dma_wait3A_317, %dma_wait3A_318] : memref<4x128x128xf32, #tpu.memory_space<vmem>> -> memref<1x128x128xf32, #tpu.memory_space<vmem>>
      %dma_wait3A_320 = tpu.memref_squeeze %dma_wait3A_319 : memref<1x128x128xf32, #tpu.memory_space<vmem>> -> memref<128x128xf32, #tpu.memory_space<vmem>>
      %dma_wait3A_321 = arith.constant 0 : i32
      %dma_wait3A_322 = arith.constant 0 : i32
      %dma_wait3A_323 = tpu.memref_slice %arg3[%dma_wait3A_321, %dma_wait3A_322] : memref<1000000x128xf32, #tpu.memory_space<hbm>> -> memref<128x128xf32, #tpu.memory_space<hbm>>
      %dma_wait3A_324 = arith.constant 0 : i32
      %dma_wait3A_325 = arith.constant 0 : i32
      %dma_wait3A_326 = tpu.memref_slice %arg6[%dma_wait3A_316, %dma_wait3A_324, %dma_wait3A_325] : memref<4x128x128xf32, #tpu.memory_space<vmem>> -> memref<1x128x128xf32, #tpu.memory_space<vmem>>
      %dma_wait3A_327 = tpu.memref_squeeze %dma_wait3A_326 : memref<1x128x128xf32, #tpu.memory_space<vmem>> -> memref<128x128xf32, #tpu.memory_space<vmem>>
      %dma_wait3A_328 = arith.constant 0 : i32
      %dma_wait3A_329 = arith.constant 0 : i32
      %dma_wait3A_330 = tpu.memref_slice %arg3[%dma_wait3A_328, %dma_wait3A_329] : memref<1000000x128xf32, #tpu.memory_space<hbm>> -> memref<128x128xf32, #tpu.memory_space<hbm>>
      tpu.wait_dma2 semaphore(%arg10 : memref<!tpu.dma_semaphore, #tpu.memory_space<semaphore_mem>>) src(%dma_wait3A_330 : memref<128x128xf32, #tpu.memory_space<hbm>>) dst(%dma_wait3A_327 : memref<128x128xf32, #tpu.memory_space<vmem>>)
      %gt3A_331 = arith.constant 0 : i32
      %gt3A_332 = arith.cmpi sgt, %scan3A_199, %gt3A_331 : i32
      %convert_element_type3A_333 = arith.extui %gt3A_332 : i1 to i32
      %cond3A_334 = arith.constant 0 : i32
      %cond3A_335 = arith.cmpi ne, %convert_element_type3A_333, %cond3A_334 : i32
      scf.if %cond3A_335 {
        %dma_wait3A_428 = arith.constant 2 : i32
        %dma_wait3A_429 = arith.constant 0 : i32
        %dma_wait3A_430 = arith.constant 0 : i32
        %dma_wait3A_431 = arith.constant 0 : i32
        %dma_wait3A_432 = arith.constant 0 : i32
        %dma_wait3A_433 = arith.constant 0 : i32
        %dma_wait3A_434 = tpu.memref_slice %arg7[%dma_wait3A_428, %dma_wait3A_431, %dma_wait3A_432, %dma_wait3A_433] : memref<4x8x8x128xf32, #tpu.memory_space<vmem>> -> memref<1x8x8x128xf32, #tpu.memory_space<vmem>>
        %dma_wait3A_435 = tpu.memref_squeeze %dma_wait3A_434 : memref<1x8x8x128xf32, #tpu.memory_space<vmem>> -> memref<8x8x128xf32, #tpu.memory_space<vmem>>
        %dma_wait3A_436 = arith.constant 0 : i32
        %dma_wait3A_437 = arith.constant 0 : i32
        %dma_wait3A_438 = arith.constant 0 : i32
        %dma_wait3A_439 = tpu.memref_slice %arg4[%dma_wait3A_429, %dma_wait3A_436, %dma_wait3A_430, %dma_wait3A_437, %dma_wait3A_438] : memref<50x8x128x8x128xf32, #tpu.memory_space<hbm>> -> memref<1x8x1x8x128xf32, #tpu.memory_space<hbm>>
        %dma_wait3A_440 = tpu.memref_squeeze %dma_wait3A_439 : memref<1x8x1x8x128xf32, #tpu.memory_space<hbm>> -> memref<8x8x128xf32, #tpu.memory_space<hbm>>
        %dma_wait3A_441 = arith.constant 0 : i32
        %dma_wait3A_442 = arith.constant 0 : i32
        %dma_wait3A_443 = arith.constant 0 : i32
        %dma_wait3A_444 = tpu.memref_slice %arg4[%dma_wait3A_429, %dma_wait3A_441, %dma_wait3A_430, %dma_wait3A_442, %dma_wait3A_443] : memref<50x8x128x8x128xf32, #tpu.memory_space<hbm>> -> memref<1x8x1x8x128xf32, #tpu.memory_space<hbm>>
        %dma_wait3A_445 = tpu.memref_squeeze %dma_wait3A_444 : memref<1x8x1x8x128xf32, #tpu.memory_space<hbm>> -> memref<8x8x128xf32, #tpu.memory_space<hbm>>
        %dma_wait3A_446 = arith.constant 0 : i32
        %dma_wait3A_447 = arith.constant 0 : i32
        %dma_wait3A_448 = arith.constant 0 : i32
        %dma_wait3A_449 = tpu.memref_slice %arg7[%dma_wait3A_428, %dma_wait3A_446, %dma_wait3A_447, %dma_wait3A_448] : memref<4x8x8x128xf32, #tpu.memory_space<vmem>> -> memref<1x8x8x128xf32, #tpu.memory_space<vmem>>
        %dma_wait3A_450 = tpu.memref_squeeze %dma_wait3A_449 : memref<1x8x8x128xf32, #tpu.memory_space<vmem>> -> memref<8x8x128xf32, #tpu.memory_space<vmem>>
        tpu.wait_dma2 semaphore(%arg14 : memref<!tpu.dma_semaphore, #tpu.memory_space<semaphore_mem>>) src(%dma_wait3A_450 : memref<8x8x128xf32, #tpu.memory_space<vmem>>) dst(%dma_wait3A_445 : memref<8x8x128xf32, #tpu.memory_space<hbm>>)
      } else {
      }
      %scan3A_336 = arith.constant 0 : i32
      %scan3A_337 = arith.constant 0 : i32
      %scan3A_338 = arith.constant 64 : i32
      %scan3A_339 = arith.addi %scan3A_337, %scan3A_338 : i32
      %scan3A_340 = arith.constant 2 : i32
      scf.for %scan3A_428 = %scan3A_337 to %scan3A_339 step %scan3A_340  : i32 {
        %shift_right_logical3A = arith.constant 4 : i32
        %shift_right_logical3A_429 = arith.shrui %scan3A_428, %shift_right_logical3A : i32
        %shift_left3A = arith.constant 4 : i32
        %shift_left3A_430 = arith.shli %shift_right_logical3A_429, %shift_left3A : i32
        %add3A_431 = vector.broadcast %scan3A_428 : i32 to vector<16xi32>
        %add3A_432 = arith.addi %iota3A, %add3A_431 : vector<16xi32>
        %and3A = arith.constant 15 : i32
        %and3A_433 = vector.broadcast %and3A : i32 to vector<16xi32>
        %and3A_434 = arith.andi %add3A_432, %and3A_433 : vector<16xi32>
        %add3A_435 = vector.broadcast %shift_left3A_430 : i32 to vector<16xi32>
        %add3A_436 = arith.addi %and3A_434, %add3A_435 : vector<16xi32>
        %shift_right_logical3A_437 = arith.constant 3 : i32
        %shift_right_logical3A_438 = vector.broadcast %shift_right_logical3A_437 : i32 to vector<16xi32>
        %shift_right_logical3A_439 = arith.shrui %add3A_436, %shift_right_logical3A_438 : vector<16xi32>
        %and3A_440 = arith.constant 7 : i32
        %and3A_441 = vector.broadcast %and3A_440 : i32 to vector<16xi32>
        %and3A_442 = arith.andi %add3A_436, %and3A_441 : vector<16xi32>
        %gather3A = arith.constant 2 : i32
        %gather3A_443 = arith.constant 0 : i32
        %gather3A_444 = arith.constant 0 : i32
        %gather3A_445 = tpu.memref_slice %arg6[%gather3A, %gather3A_443, %gather3A_444] : memref<4x128x128xf32, #tpu.memory_space<vmem>> -> memref<1x128x128xf32, #tpu.memory_space<vmem>>
        %gather3A_446 = tpu.memref_squeeze %gather3A_445 : memref<1x128x128xf32, #tpu.memory_space<vmem>> -> memref<128x128xf32, #tpu.memory_space<vmem>>
        %gather3A_447 = tpu.vector_load_idx %gather3A_446[%add3A_30, %add3A_436] : memref<128x128xf32, #tpu.memory_space<vmem>>[vector<16xi32>, vector<16xi32>], vector<16xf32>,
        %scatter3A = arith.constant 2 : i32
        %scatter3A_448 = arith.constant 0 : i32
        %scatter3A_449 = arith.constant 0 : i32
        %scatter3A_450 = arith.constant 0 : i32
        %scatter3A_451 = tpu.memref_slice %arg7[%scatter3A, %scatter3A_448, %scatter3A_449, %scatter3A_450] : memref<4x8x8x128xf32, #tpu.memory_space<vmem>> -> memref<1x8x8x128xf32, #tpu.memory_space<vmem>>
        %scatter3A_452 = tpu.memref_squeeze %scatter3A_451 : memref<1x8x8x128xf32, #tpu.memory_space<vmem>> -> memref<8x8x128xf32, #tpu.memory_space<vmem>>
        tpu.vector_store_idx %scatter3A_452[%shift_right_logical3A_439, %and3A_442, %add3A_30], %gather3A_447 : memref<8x8x128xf32, #tpu.memory_space<vmem>>[vector<16xi32>, vector<16xi32>, vector<16xi32>], vector<16xf32>,
        %gather3A_453 = arith.constant 2 : i32
        %gather3A_454 = arith.constant 0 : i32
        %gather3A_455 = arith.constant 0 : i32
        %gather3A_456 = tpu.memref_slice %arg6[%gather3A_453, %gather3A_454, %gather3A_455] : memref<4x128x128xf32, #tpu.memory_space<vmem>> -> memref<1x128x128xf32, #tpu.memory_space<vmem>>
        %gather3A_457 = tpu.memref_squeeze %gather3A_456 : memref<1x128x128xf32, #tpu.memory_space<vmem>> -> memref<128x128xf32, #tpu.memory_space<vmem>>
        %gather3A_458 = tpu.vector_load_idx %gather3A_457[%add3A_33, %add3A_436] : memref<128x128xf32, #tpu.memory_space<vmem>>[vector<16xi32>, vector<16xi32>], vector<16xf32>,
        %scatter3A_459 = arith.constant 2 : i32
        %scatter3A_460 = arith.constant 0 : i32
        %scatter3A_461 = arith.constant 0 : i32
        %scatter3A_462 = arith.constant 0 : i32
        %scatter3A_463 = tpu.memref_slice %arg7[%scatter3A_459, %scatter3A_460, %scatter3A_461, %scatter3A_462] : memref<4x8x8x128xf32, #tpu.memory_space<vmem>> -> memref<1x8x8x128xf32, #tpu.memory_space<vmem>>
        %scatter3A_464 = tpu.memref_squeeze %scatter3A_463 : memref<1x8x8x128xf32, #tpu.memory_space<vmem>> -> memref<8x8x128xf32, #tpu.memory_space<vmem>>
        tpu.vector_store_idx %scatter3A_464[%shift_right_logical3A_439, %and3A_442, %add3A_33], %gather3A_458 : memref<8x8x128xf32, #tpu.memory_space<vmem>>[vector<16xi32>, vector<16xi32>, vector<16xi32>], vector<16xf32>,
        %gather3A_465 = arith.constant 2 : i32
        %gather3A_466 = arith.constant 0 : i32
        %gather3A_467 = arith.constant 0 : i32
        %gather3A_468 = tpu.memref_slice %arg6[%gather3A_465, %gather3A_466, %gather3A_467] : memref<4x128x128xf32, #tpu.memory_space<vmem>> -> memref<1x128x128xf32, #tpu.memory_space<vmem>>
        %gather3A_469 = tpu.memref_squeeze %gather3A_468 : memref<1x128x128xf32, #tpu.memory_space<vmem>> -> memref<128x128xf32, #tpu.memory_space<vmem>>
        %gather3A_470 = tpu.vector_load_idx %gather3A_469[%add3A_36, %add3A_436] : memref<128x128xf32, #tpu.memory_space<vmem>>[vector<16xi32>, vector<16xi32>], vector<16xf32>,
        %scatter3A_471 = arith.constant 2 : i32
        %scatter3A_472 = arith.constant 0 : i32
        %scatter3A_473 = arith.constant 0 : i32
        %scatter3A_474 = arith.constant 0 : i32
        %scatter3A_475 = tpu.memref_slice %arg7[%scatter3A_471, %scatter3A_472, %scatter3A_473, %scatter3A_474] : memref<4x8x8x128xf32, #tpu.memory_space<vmem>> -> memref<1x8x8x128xf32, #tpu.memory_space<vmem>>
        %scatter3A_476 = tpu.memref_squeeze %scatter3A_475 : memref<1x8x8x128xf32, #tpu.memory_space<vmem>> -> memref<8x8x128xf32, #tpu.memory_space<vmem>>
        tpu.vector_store_idx %scatter3A_476[%shift_right_logical3A_439, %and3A_442, %add3A_36], %gather3A_470 : memref<8x8x128xf32, #tpu.memory_space<vmem>>[vector<16xi32>, vector<16xi32>, vector<16xi32>], vector<16xf32>,
        %gather3A_477 = arith.constant 2 : i32
        %gather3A_478 = arith.constant 0 : i32
        %gather3A_479 = arith.constant 0 : i32
        %gather3A_480 = tpu.memref_slice %arg6[%gather3A_477, %gather3A_478, %gather3A_479] : memref<4x128x128xf32, #tpu.memory_space<vmem>> -> memref<1x128x128xf32, #tpu.memory_space<vmem>>
        %gather3A_481 = tpu.memref_squeeze %gather3A_480 : memref<1x128x128xf32, #tpu.memory_space<vmem>> -> memref<128x128xf32, #tpu.memory_space<vmem>>
        %gather3A_482 = tpu.vector_load_idx %gather3A_481[%add3A_39, %add3A_436] : memref<128x128xf32, #tpu.memory_space<vmem>>[vector<16xi32>, vector<16xi32>], vector<16xf32>,
        %scatter3A_483 = arith.constant 2 : i32
        %scatter3A_484 = arith.constant 0 : i32
        %scatter3A_485 = arith.constant 0 : i32
        %scatter3A_486 = arith.constant 0 : i32
        %scatter3A_487 = tpu.memref_slice %arg7[%scatter3A_483, %scatter3A_484, %scatter3A_485, %scatter3A_486] : memref<4x8x8x128xf32, #tpu.memory_space<vmem>> -> memref<1x8x8x128xf32, #tpu.memory_space<vmem>>
        %scatter3A_488 = tpu.memref_squeeze %scatter3A_487 : memref<1x8x8x128xf32, #tpu.memory_space<vmem>> -> memref<8x8x128xf32, #tpu.memory_space<vmem>>
        tpu.vector_store_idx %scatter3A_488[%shift_right_logical3A_439, %and3A_442, %add3A_39], %gather3A_482 : memref<8x8x128xf32, #tpu.memory_space<vmem>>[vector<16xi32>, vector<16xi32>, vector<16xi32>], vector<16xf32>,
        %gather3A_489 = arith.constant 2 : i32
        %gather3A_490 = arith.constant 0 : i32
        %gather3A_491 = arith.constant 0 : i32
        %gather3A_492 = tpu.memref_slice %arg6[%gather3A_489, %gather3A_490, %gather3A_491] : memref<4x128x128xf32, #tpu.memory_space<vmem>> -> memref<1x128x128xf32, #tpu.memory_space<vmem>>
        %gather3A_493 = tpu.memref_squeeze %gather3A_492 : memref<1x128x128xf32, #tpu.memory_space<vmem>> -> memref<128x128xf32, #tpu.memory_space<vmem>>
        %gather3A_494 = tpu.vector_load_idx %gather3A_493[%add3A_42, %add3A_436] : memref<128x128xf32, #tpu.memory_space<vmem>>[vector<16xi32>, vector<16xi32>], vector<16xf32>,
        %scatter3A_495 = arith.constant 2 : i32
        %scatter3A_496 = arith.constant 0 : i32
        %scatter3A_497 = arith.constant 0 : i32
        %scatter3A_498 = arith.constant 0 : i32
        %scatter3A_499 = tpu.memref_slice %arg7[%scatter3A_495, %scatter3A_496, %scatter3A_497, %scatter3A_498] : memref<4x8x8x128xf32, #tpu.memory_space<vmem>> -> memref<1x8x8x128xf32, #tpu.memory_space<vmem>>
        %scatter3A_500 = tpu.memref_squeeze %scatter3A_499 : memref<1x8x8x128xf32, #tpu.memory_space<vmem>> -> memref<8x8x128xf32, #tpu.memory_space<vmem>>
        tpu.vector_store_idx %scatter3A_500[%shift_right_logical3A_439, %and3A_442, %add3A_42], %gather3A_494 : memref<8x8x128xf32, #tpu.memory_space<vmem>>[vector<16xi32>, vector<16xi32>, vector<16xi32>], vector<16xf32>,
        %gather3A_501 = arith.constant 2 : i32
        %gather3A_502 = arith.constant 0 : i32
        %gather3A_503 = arith.constant 0 : i32
        %gather3A_504 = tpu.memref_slice %arg6[%gather3A_501, %gather3A_502, %gather3A_503] : memref<4x128x128xf32, #tpu.memory_space<vmem>> -> memref<1x128x128xf32, #tpu.memory_space<vmem>>
        %gather3A_505 = tpu.memref_squeeze %gather3A_504 : memref<1x128x128xf32, #tpu.memory_space<vmem>> -> memref<128x128xf32, #tpu.memory_space<vmem>>
        %gather3A_506 = tpu.vector_load_idx %gather3A_505[%add3A_45, %add3A_436] : memref<128x128xf32, #tpu.memory_space<vmem>>[vector<16xi32>, vector<16xi32>], vector<16xf32>,
        %scatter3A_507 = arith.constant 2 : i32
        %scatter3A_508 = arith.constant 0 : i32
        %scatter3A_509 = arith.constant 0 : i32
        %scatter3A_510 = arith.constant 0 : i32
        %scatter3A_511 = tpu.memref_slice %arg7[%scatter3A_507, %scatter3A_508, %scatter3A_509, %scatter3A_510] : memref<4x8x8x128xf32, #tpu.memory_space<vmem>> -> memref<1x8x8x128xf32, #tpu.memory_space<vmem>>
        %scatter3A_512 = tpu.memref_squeeze %scatter3A_511 : memref<1x8x8x128xf32, #tpu.memory_space<vmem>> -> memref<8x8x128xf32, #tpu.memory_space<vmem>>
        tpu.vector_store_idx %scatter3A_512[%shift_right_logical3A_439, %and3A_442, %add3A_45], %gather3A_506 : memref<8x8x128xf32, #tpu.memory_space<vmem>>[vector<16xi32>, vector<16xi32>, vector<16xi32>], vector<16xf32>,
        %gather3A_513 = arith.constant 2 : i32
        %gather3A_514 = arith.constant 0 : i32
        %gather3A_515 = arith.constant 0 : i32
        %gather3A_516 = tpu.memref_slice %arg6[%gather3A_513, %gather3A_514, %gather3A_515] : memref<4x128x128xf32, #tpu.memory_space<vmem>> -> memref<1x128x128xf32, #tpu.memory_space<vmem>>
        %gather3A_517 = tpu.memref_squeeze %gather3A_516 : memref<1x128x128xf32, #tpu.memory_space<vmem>> -> memref<128x128xf32, #tpu.memory_space<vmem>>
        %gather3A_518 = tpu.vector_load_idx %gather3A_517[%add3A_48, %add3A_436] : memref<128x128xf32, #tpu.memory_space<vmem>>[vector<16xi32>, vector<16xi32>], vector<16xf32>,
        %scatter3A_519 = arith.constant 2 : i32
        %scatter3A_520 = arith.constant 0 : i32
        %scatter3A_521 = arith.constant 0 : i32
        %scatter3A_522 = arith.constant 0 : i32
        %scatter3A_523 = tpu.memref_slice %arg7[%scatter3A_519, %scatter3A_520, %scatter3A_521, %scatter3A_522] : memref<4x8x8x128xf32, #tpu.memory_space<vmem>> -> memref<1x8x8x128xf32, #tpu.memory_space<vmem>>
        %scatter3A_524 = tpu.memref_squeeze %scatter3A_523 : memref<1x8x8x128xf32, #tpu.memory_space<vmem>> -> memref<8x8x128xf32, #tpu.memory_space<vmem>>
        tpu.vector_store_idx %scatter3A_524[%shift_right_logical3A_439, %and3A_442, %add3A_48], %gather3A_518 : memref<8x8x128xf32, #tpu.memory_space<vmem>>[vector<16xi32>, vector<16xi32>, vector<16xi32>], vector<16xf32>,
        %gather3A_525 = arith.constant 2 : i32
        %gather3A_526 = arith.constant 0 : i32
        %gather3A_527 = arith.constant 0 : i32
        %gather3A_528 = tpu.memref_slice %arg6[%gather3A_525, %gather3A_526, %gather3A_527] : memref<4x128x128xf32, #tpu.memory_space<vmem>> -> memref<1x128x128xf32, #tpu.memory_space<vmem>>
        %gather3A_529 = tpu.memref_squeeze %gather3A_528 : memref<1x128x128xf32, #tpu.memory_space<vmem>> -> memref<128x128xf32, #tpu.memory_space<vmem>>
        %gather3A_530 = tpu.vector_load_idx %gather3A_529[%add3A_51, %add3A_436] : memref<128x128xf32, #tpu.memory_space<vmem>>[vector<16xi32>, vector<16xi32>], vector<16xf32>,
        %scatter3A_531 = arith.constant 2 : i32
        %scatter3A_532 = arith.constant 0 : i32
        %scatter3A_533 = arith.constant 0 : i32
        %scatter3A_534 = arith.constant 0 : i32
        %scatter3A_535 = tpu.memref_slice %arg7[%scatter3A_531, %scatter3A_532, %scatter3A_533, %scatter3A_534] : memref<4x8x8x128xf32, #tpu.memory_space<vmem>> -> memref<1x8x8x128xf32, #tpu.memory_space<vmem>>
        %scatter3A_536 = tpu.memref_squeeze %scatter3A_535 : memref<1x8x8x128xf32, #tpu.memory_space<vmem>> -> memref<8x8x128xf32, #tpu.memory_space<vmem>>
        tpu.vector_store_idx %scatter3A_536[%shift_right_logical3A_439, %and3A_442, %add3A_51], %gather3A_530 : memref<8x8x128xf32, #tpu.memory_space<vmem>>[vector<16xi32>, vector<16xi32>, vector<16xi32>], vector<16xf32>,
        %scan3A_537 = arith.constant 1 : i32
        %scan3A_538 = arith.addi %scan3A_428, %scan3A_537 : i32
        %shift_right_logical3A_539 = arith.constant 4 : i32
        %shift_right_logical3A_540 = arith.shrui %scan3A_538, %shift_right_logical3A_539 : i32
        %shift_left3A_541 = arith.constant 4 : i32
        %shift_left3A_542 = arith.shli %shift_right_logical3A_540, %shift_left3A_541 : i32
        %add3A_543 = vector.broadcast %scan3A_538 : i32 to vector<16xi32>
        %add3A_544 = arith.addi %iota3A, %add3A_543 : vector<16xi32>
        %and3A_545 = arith.constant 15 : i32
        %and3A_546 = vector.broadcast %and3A_545 : i32 to vector<16xi32>
        %and3A_547 = arith.andi %add3A_544, %and3A_546 : vector<16xi32>
        %add3A_548 = vector.broadcast %shift_left3A_542 : i32 to vector<16xi32>
        %add3A_549 = arith.addi %and3A_547, %add3A_548 : vector<16xi32>
        %shift_right_logical3A_550 = arith.constant 3 : i32
        %shift_right_logical3A_551 = vector.broadcast %shift_right_logical3A_550 : i32 to vector<16xi32>
        %shift_right_logical3A_552 = arith.shrui %add3A_549, %shift_right_logical3A_551 : vector<16xi32>
        %and3A_553 = arith.constant 7 : i32
        %and3A_554 = vector.broadcast %and3A_553 : i32 to vector<16xi32>
        %and3A_555 = arith.andi %add3A_549, %and3A_554 : vector<16xi32>
        %gather3A_556 = arith.constant 2 : i32
        %gather3A_557 = arith.constant 0 : i32
        %gather3A_558 = arith.constant 0 : i32
        %gather3A_559 = tpu.memref_slice %arg6[%gather3A_556, %gather3A_557, %gather3A_558] : memref<4x128x128xf32, #tpu.memory_space<vmem>> -> memref<1x128x128xf32, #tpu.memory_space<vmem>>
        %gather3A_560 = tpu.memref_squeeze %gather3A_559 : memref<1x128x128xf32, #tpu.memory_space<vmem>> -> memref<128x128xf32, #tpu.memory_space<vmem>>
        %gather3A_561 = tpu.vector_load_idx %gather3A_560[%add3A_30, %add3A_549] : memref<128x128xf32, #tpu.memory_space<vmem>>[vector<16xi32>, vector<16xi32>], vector<16xf32>,
        %scatter3A_562 = arith.constant 2 : i32
        %scatter3A_563 = arith.constant 0 : i32
        %scatter3A_564 = arith.constant 0 : i32
        %scatter3A_565 = arith.constant 0 : i32
        %scatter3A_566 = tpu.memref_slice %arg7[%scatter3A_562, %scatter3A_563, %scatter3A_564, %scatter3A_565] : memref<4x8x8x128xf32, #tpu.memory_space<vmem>> -> memref<1x8x8x128xf32, #tpu.memory_space<vmem>>
        %scatter3A_567 = tpu.memref_squeeze %scatter3A_566 : memref<1x8x8x128xf32, #tpu.memory_space<vmem>> -> memref<8x8x128xf32, #tpu.memory_space<vmem>>
        tpu.vector_store_idx %scatter3A_567[%shift_right_logical3A_552, %and3A_555, %add3A_30], %gather3A_561 : memref<8x8x128xf32, #tpu.memory_space<vmem>>[vector<16xi32>, vector<16xi32>, vector<16xi32>], vector<16xf32>,
        %gather3A_568 = arith.constant 2 : i32
        %gather3A_569 = arith.constant 0 : i32
        %gather3A_570 = arith.constant 0 : i32
        %gather3A_571 = tpu.memref_slice %arg6[%gather3A_568, %gather3A_569, %gather3A_570] : memref<4x128x128xf32, #tpu.memory_space<vmem>> -> memref<1x128x128xf32, #tpu.memory_space<vmem>>
        %gather3A_572 = tpu.memref_squeeze %gather3A_571 : memref<1x128x128xf32, #tpu.memory_space<vmem>> -> memref<128x128xf32, #tpu.memory_space<vmem>>
        %gather3A_573 = tpu.vector_load_idx %gather3A_572[%add3A_33, %add3A_549] : memref<128x128xf32, #tpu.memory_space<vmem>>[vector<16xi32>, vector<16xi32>], vector<16xf32>,
        %scatter3A_574 = arith.constant 2 : i32
        %scatter3A_575 = arith.constant 0 : i32
        %scatter3A_576 = arith.constant 0 : i32
        %scatter3A_577 = arith.constant 0 : i32
        %scatter3A_578 = tpu.memref_slice %arg7[%scatter3A_574, %scatter3A_575, %scatter3A_576, %scatter3A_577] : memref<4x8x8x128xf32, #tpu.memory_space<vmem>> -> memref<1x8x8x128xf32, #tpu.memory_space<vmem>>
        %scatter3A_579 = tpu.memref_squeeze %scatter3A_578 : memref<1x8x8x128xf32, #tpu.memory_space<vmem>> -> memref<8x8x128xf32, #tpu.memory_space<vmem>>
        tpu.vector_store_idx %scatter3A_579[%shift_right_logical3A_552, %and3A_555, %add3A_33], %gather3A_573 : memref<8x8x128xf32, #tpu.memory_space<vmem>>[vector<16xi32>, vector<16xi32>, vector<16xi32>], vector<16xf32>,
        %gather3A_580 = arith.constant 2 : i32
        %gather3A_581 = arith.constant 0 : i32
        %gather3A_582 = arith.constant 0 : i32
        %gather3A_583 = tpu.memref_slice %arg6[%gather3A_580, %gather3A_581, %gather3A_582] : memref<4x128x128xf32, #tpu.memory_space<vmem>> -> memref<1x128x128xf32, #tpu.memory_space<vmem>>
        %gather3A_584 = tpu.memref_squeeze %gather3A_583 : memref<1x128x128xf32, #tpu.memory_space<vmem>> -> memref<128x128xf32, #tpu.memory_space<vmem>>
        %gather3A_585 = tpu.vector_load_idx %gather3A_584[%add3A_36, %add3A_549] : memref<128x128xf32, #tpu.memory_space<vmem>>[vector<16xi32>, vector<16xi32>], vector<16xf32>,
        %scatter3A_586 = arith.constant 2 : i32
        %scatter3A_587 = arith.constant 0 : i32
        %scatter3A_588 = arith.constant 0 : i32
        %scatter3A_589 = arith.constant 0 : i32
        %scatter3A_590 = tpu.memref_slice %arg7[%scatter3A_586, %scatter3A_587, %scatter3A_588, %scatter3A_589] : memref<4x8x8x128xf32, #tpu.memory_space<vmem>> -> memref<1x8x8x128xf32, #tpu.memory_space<vmem>>
        %scatter3A_591 = tpu.memref_squeeze %scatter3A_590 : memref<1x8x8x128xf32, #tpu.memory_space<vmem>> -> memref<8x8x128xf32, #tpu.memory_space<vmem>>
        tpu.vector_store_idx %scatter3A_591[%shift_right_logical3A_552, %and3A_555, %add3A_36], %gather3A_585 : memref<8x8x128xf32, #tpu.memory_space<vmem>>[vector<16xi32>, vector<16xi32>, vector<16xi32>], vector<16xf32>,
        %gather3A_592 = arith.constant 2 : i32
        %gather3A_593 = arith.constant 0 : i32
        %gather3A_594 = arith.constant 0 : i32
        %gather3A_595 = tpu.memref_slice %arg6[%gather3A_592, %gather3A_593, %gather3A_594] : memref<4x128x128xf32, #tpu.memory_space<vmem>> -> memref<1x128x128xf32, #tpu.memory_space<vmem>>
        %gather3A_596 = tpu.memref_squeeze %gather3A_595 : memref<1x128x128xf32, #tpu.memory_space<vmem>> -> memref<128x128xf32, #tpu.memory_space<vmem>>
        %gather3A_597 = tpu.vector_load_idx %gather3A_596[%add3A_39, %add3A_549] : memref<128x128xf32, #tpu.memory_space<vmem>>[vector<16xi32>, vector<16xi32>], vector<16xf32>,
        %scatter3A_598 = arith.constant 2 : i32
        %scatter3A_599 = arith.constant 0 : i32
        %scatter3A_600 = arith.constant 0 : i32
        %scatter3A_601 = arith.constant 0 : i32
        %scatter3A_602 = tpu.memref_slice %arg7[%scatter3A_598, %scatter3A_599, %scatter3A_600, %scatter3A_601] : memref<4x8x8x128xf32, #tpu.memory_space<vmem>> -> memref<1x8x8x128xf32, #tpu.memory_space<vmem>>
        %scatter3A_603 = tpu.memref_squeeze %scatter3A_602 : memref<1x8x8x128xf32, #tpu.memory_space<vmem>> -> memref<8x8x128xf32, #tpu.memory_space<vmem>>
        tpu.vector_store_idx %scatter3A_603[%shift_right_logical3A_552, %and3A_555, %add3A_39], %gather3A_597 : memref<8x8x128xf32, #tpu.memory_space<vmem>>[vector<16xi32>, vector<16xi32>, vector<16xi32>], vector<16xf32>,
        %gather3A_604 = arith.constant 2 : i32
        %gather3A_605 = arith.constant 0 : i32
        %gather3A_606 = arith.constant 0 : i32
        %gather3A_607 = tpu.memref_slice %arg6[%gather3A_604, %gather3A_605, %gather3A_606] : memref<4x128x128xf32, #tpu.memory_space<vmem>> -> memref<1x128x128xf32, #tpu.memory_space<vmem>>
        %gather3A_608 = tpu.memref_squeeze %gather3A_607 : memref<1x128x128xf32, #tpu.memory_space<vmem>> -> memref<128x128xf32, #tpu.memory_space<vmem>>
        %gather3A_609 = tpu.vector_load_idx %gather3A_608[%add3A_42, %add3A_549] : memref<128x128xf32, #tpu.memory_space<vmem>>[vector<16xi32>, vector<16xi32>], vector<16xf32>,
        %scatter3A_610 = arith.constant 2 : i32
        %scatter3A_611 = arith.constant 0 : i32
        %scatter3A_612 = arith.constant 0 : i32
        %scatter3A_613 = arith.constant 0 : i32
        %scatter3A_614 = tpu.memref_slice %arg7[%scatter3A_610, %scatter3A_611, %scatter3A_612, %scatter3A_613] : memref<4x8x8x128xf32, #tpu.memory_space<vmem>> -> memref<1x8x8x128xf32, #tpu.memory_space<vmem>>
        %scatter3A_615 = tpu.memref_squeeze %scatter3A_614 : memref<1x8x8x128xf32, #tpu.memory_space<vmem>> -> memref<8x8x128xf32, #tpu.memory_space<vmem>>
        tpu.vector_store_idx %scatter3A_615[%shift_right_logical3A_552, %and3A_555, %add3A_42], %gather3A_609 : memref<8x8x128xf32, #tpu.memory_space<vmem>>[vector<16xi32>, vector<16xi32>, vector<16xi32>], vector<16xf32>,
        %gather3A_616 = arith.constant 2 : i32
        %gather3A_617 = arith.constant 0 : i32
        %gather3A_618 = arith.constant 0 : i32
        %gather3A_619 = tpu.memref_slice %arg6[%gather3A_616, %gather3A_617, %gather3A_618] : memref<4x128x128xf32, #tpu.memory_space<vmem>> -> memref<1x128x128xf32, #tpu.memory_space<vmem>>
        %gather3A_620 = tpu.memref_squeeze %gather3A_619 : memref<1x128x128xf32, #tpu.memory_space<vmem>> -> memref<128x128xf32, #tpu.memory_space<vmem>>
        %gather3A_621 = tpu.vector_load_idx %gather3A_620[%add3A_45, %add3A_549] : memref<128x128xf32, #tpu.memory_space<vmem>>[vector<16xi32>, vector<16xi32>], vector<16xf32>,
        %scatter3A_622 = arith.constant 2 : i32
        %scatter3A_623 = arith.constant 0 : i32
        %scatter3A_624 = arith.constant 0 : i32
        %scatter3A_625 = arith.constant 0 : i32
        %scatter3A_626 = tpu.memref_slice %arg7[%scatter3A_622, %scatter3A_623, %scatter3A_624, %scatter3A_625] : memref<4x8x8x128xf32, #tpu.memory_space<vmem>> -> memref<1x8x8x128xf32, #tpu.memory_space<vmem>>
        %scatter3A_627 = tpu.memref_squeeze %scatter3A_626 : memref<1x8x8x128xf32, #tpu.memory_space<vmem>> -> memref<8x8x128xf32, #tpu.memory_space<vmem>>
        tpu.vector_store_idx %scatter3A_627[%shift_right_logical3A_552, %and3A_555, %add3A_45], %gather3A_621 : memref<8x8x128xf32, #tpu.memory_space<vmem>>[vector<16xi32>, vector<16xi32>, vector<16xi32>], vector<16xf32>,
        %gather3A_628 = arith.constant 2 : i32
        %gather3A_629 = arith.constant 0 : i32
        %gather3A_630 = arith.constant 0 : i32
        %gather3A_631 = tpu.memref_slice %arg6[%gather3A_628, %gather3A_629, %gather3A_630] : memref<4x128x128xf32, #tpu.memory_space<vmem>> -> memref<1x128x128xf32, #tpu.memory_space<vmem>>
        %gather3A_632 = tpu.memref_squeeze %gather3A_631 : memref<1x128x128xf32, #tpu.memory_space<vmem>> -> memref<128x128xf32, #tpu.memory_space<vmem>>
        %gather3A_633 = tpu.vector_load_idx %gather3A_632[%add3A_48, %add3A_549] : memref<128x128xf32, #tpu.memory_space<vmem>>[vector<16xi32>, vector<16xi32>], vector<16xf32>,
        %scatter3A_634 = arith.constant 2 : i32
        %scatter3A_635 = arith.constant 0 : i32
        %scatter3A_636 = arith.constant 0 : i32
        %scatter3A_637 = arith.constant 0 : i32
        %scatter3A_638 = tpu.memref_slice %arg7[%scatter3A_634, %scatter3A_635, %scatter3A_636, %scatter3A_637] : memref<4x8x8x128xf32, #tpu.memory_space<vmem>> -> memref<1x8x8x128xf32, #tpu.memory_space<vmem>>
        %scatter3A_639 = tpu.memref_squeeze %scatter3A_638 : memref<1x8x8x128xf32, #tpu.memory_space<vmem>> -> memref<8x8x128xf32, #tpu.memory_space<vmem>>
        tpu.vector_store_idx %scatter3A_639[%shift_right_logical3A_552, %and3A_555, %add3A_48], %gather3A_633 : memref<8x8x128xf32, #tpu.memory_space<vmem>>[vector<16xi32>, vector<16xi32>, vector<16xi32>], vector<16xf32>,
        %gather3A_640 = arith.constant 2 : i32
        %gather3A_641 = arith.constant 0 : i32
        %gather3A_642 = arith.constant 0 : i32
        %gather3A_643 = tpu.memref_slice %arg6[%gather3A_640, %gather3A_641, %gather3A_642] : memref<4x128x128xf32, #tpu.memory_space<vmem>> -> memref<1x128x128xf32, #tpu.memory_space<vmem>>
        %gather3A_644 = tpu.memref_squeeze %gather3A_643 : memref<1x128x128xf32, #tpu.memory_space<vmem>> -> memref<128x128xf32, #tpu.memory_space<vmem>>
        %gather3A_645 = tpu.vector_load_idx %gather3A_644[%add3A_51, %add3A_549] : memref<128x128xf32, #tpu.memory_space<vmem>>[vector<16xi32>, vector<16xi32>], vector<16xf32>,
        %scatter3A_646 = arith.constant 2 : i32
        %scatter3A_647 = arith.constant 0 : i32
        %scatter3A_648 = arith.constant 0 : i32
        %scatter3A_649 = arith.constant 0 : i32
        %scatter3A_650 = tpu.memref_slice %arg7[%scatter3A_646, %scatter3A_647, %scatter3A_648, %scatter3A_649] : memref<4x8x8x128xf32, #tpu.memory_space<vmem>> -> memref<1x8x8x128xf32, #tpu.memory_space<vmem>>
        %scatter3A_651 = tpu.memref_squeeze %scatter3A_650 : memref<1x8x8x128xf32, #tpu.memory_space<vmem>> -> memref<8x8x128xf32, #tpu.memory_space<vmem>>
        tpu.vector_store_idx %scatter3A_651[%shift_right_logical3A_552, %and3A_555, %add3A_51], %gather3A_645 : memref<8x8x128xf32, #tpu.memory_space<vmem>>[vector<16xi32>, vector<16xi32>, vector<16xi32>], vector<16xf32>,
      }
      %scan3A_341 = arith.constant 64 : i32
      %add3A_342 = arith.constant 1 : i32
      %add3A_343 = arith.addi %scan3A_199, %add3A_342 : i32
      %lt3A_344 = arith.constant 50 : i32
      %lt3A_345 = arith.cmpi slt, %add3A_343, %lt3A_344 : i32
      %convert_element_type3A_346 = arith.extui %lt3A_345 : i1 to i32
      %cond3A_347 = arith.constant 0 : i32
      %cond3A_348 = arith.cmpi ne, %convert_element_type3A_346, %cond3A_347 : i32
      scf.if %cond3A_348 {
        %add3A_428 = arith.constant 1 : i32
        %add3A_429 = arith.addi %scan3A_199, %add3A_428 : i32
        %dma_start3A_430 = arith.constant 2 : i32
        %dma_start3A_431 = arith.constant 2 : i32
        %dma_start3A_432 = arith.constant 0 : i32
        %dma_start3A_433 = arith.constant 0 : i32
        %dma_start3A_434 = tpu.memref_slice %arg6[%dma_start3A_431, %dma_start3A_432, %dma_start3A_433] : memref<4x128x128xf32, #tpu.memory_space<vmem>> -> memref<1x128x128xf32, #tpu.memory_space<vmem>>
        %dma_start3A_435 = tpu.memref_squeeze %dma_start3A_434 : memref<1x128x128xf32, #tpu.memory_space<vmem>> -> memref<128x128xf32, #tpu.memory_space<vmem>>
        %dma_start3A_436 = arith.constant 0 : i32
        %dma_start3A_437 = tpu.memref_slice %arg5[%add3A_429, %dma_start3A_430, %dma_start3A_436] : memref<50x4x128xi32, #tpu.memory_space<vmem>> -> memref<1x1x128xi32, #tpu.memory_space<vmem>>
        %dma_start3A_438 = tpu.memref_squeeze %dma_start3A_437 : memref<1x1x128xi32, #tpu.memory_space<vmem>> -> memref<128xi32, #tpu.memory_space<vmem>>
        %dma_start3A_439 = arith.constant 0 : i32
        %dma_start3A_440 = arith.constant 0 : i32
        %dma_start3A_441 = tpu.memref_slice %arg3[%dma_start3A_439, %dma_start3A_440] : memref<1000000x128xf32, #tpu.memory_space<hbm>> -> memref<1000000x128xf32, #tpu.memory_space<hbm>>
        tpu.enqueue_indirect_dma source(%dma_start3A_441 : memref<1000000x128xf32, #tpu.memory_space<hbm>>) target(%dma_start3A_435 : memref<128x128xf32, #tpu.memory_space<vmem>>) offsets(%dma_start3A_438 : memref<128xi32, #tpu.memory_space<vmem>>) semaphore(%arg10 : memref<!tpu.dma_semaphore, #tpu.memory_space<semaphore_mem>>)
      } else {
      }
      %dma_start3A_349 = arith.constant 2 : i32
      %dma_start3A_350 = arith.constant 0 : i32
      %dma_start3A_351 = arith.constant 0 : i32
      %dma_start3A_352 = arith.constant 0 : i32
      %dma_start3A_353 = tpu.memref_slice %arg7[%dma_start3A_349, %dma_start3A_350, %dma_start3A_351, %dma_start3A_352] : memref<4x8x8x128xf32, #tpu.memory_space<vmem>> -> memref<1x8x8x128xf32, #tpu.memory_space<vmem>>
      %dma_start3A_354 = tpu.memref_squeeze %dma_start3A_353 : memref<1x8x8x128xf32, #tpu.memory_space<vmem>> -> memref<8x8x128xf32, #tpu.memory_space<vmem>>
      %dma_start3A_355 = arith.constant 0 : i32
      %dma_start3A_356 = arith.constant 0 : i32
      %dma_start3A_357 = arith.constant 0 : i32
      %dma_start3A_358 = tpu.memref_slice %arg4[%scan3A_199, %dma_start3A_355, %add3A_315, %dma_start3A_356, %dma_start3A_357] : memref<50x8x128x8x128xf32, #tpu.memory_space<hbm>> -> memref<1x8x1x8x128xf32, #tpu.memory_space<hbm>>
      %dma_start3A_359 = tpu.memref_squeeze %dma_start3A_358 : memref<1x8x1x8x128xf32, #tpu.memory_space<hbm>> -> memref<8x8x128xf32, #tpu.memory_space<hbm>>
      %dma_start3A_360 = arith.constant 0 : i32
      %dma_start3A_361 = arith.constant 0 : i32
      %dma_start3A_362 = arith.constant 0 : i32
      %dma_start3A_363 = tpu.memref_slice %arg4[%scan3A_199, %dma_start3A_360, %add3A_315, %dma_start3A_361, %dma_start3A_362] : memref<50x8x128x8x128xf32, #tpu.memory_space<hbm>> -> memref<1x8x1x8x128xf32, #tpu.memory_space<hbm>>
      %dma_start3A_364 = tpu.memref_squeeze %dma_start3A_363 : memref<1x8x1x8x128xf32, #tpu.memory_space<hbm>> -> memref<8x8x128xf32, #tpu.memory_space<hbm>>
      %dma_start3A_365 = arith.constant 0 : i32
      %dma_start3A_366 = arith.constant 0 : i32
      %dma_start3A_367 = arith.constant 0 : i32
      %dma_start3A_368 = tpu.memref_slice %arg7[%dma_start3A_349, %dma_start3A_365, %dma_start3A_366, %dma_start3A_367] : memref<4x8x8x128xf32, #tpu.memory_space<vmem>> -> memref<1x8x8x128xf32, #tpu.memory_space<vmem>>
      %dma_start3A_369 = tpu.memref_squeeze %dma_start3A_368 : memref<1x8x8x128xf32, #tpu.memory_space<vmem>> -> memref<8x8x128xf32, #tpu.memory_space<vmem>>
      tpu.enqueue_dma source(%dma_start3A_369 : memref<8x8x128xf32, #tpu.memory_space<vmem>>) target(%dma_start3A_364 : memref<8x8x128xf32, #tpu.memory_space<hbm>>) target_semaphore(%arg14 : memref<!tpu.dma_semaphore, #tpu.memory_space<semaphore_mem>>)
      %mul3A_370 = arith.constant 4 : i32
      %mul3A_371 = arith.muli %mul3A_370, %add3A : i32
      %add3A_372 = arith.constant 3 : i32
      %add3A_373 = arith.addi %mul3A_371, %add3A_372 : i32
      %dma_wait3A_374 = arith.constant 3 : i32
      %dma_wait3A_375 = arith.constant 0 : i32
      %dma_wait3A_376 = arith.constant 0 : i32
      %dma_wait3A_377 = tpu.memref_slice %arg6[%dma_wait3A_374, %dma_wait3A_375, %dma_wait3A_376] : memref<4x128x128xf32, #tpu.memory_space<vmem>> -> memref<1x128x128xf32, #tpu.memory_space<vmem>>
      %dma_wait3A_378 = tpu.memref_squeeze %dma_wait3A_377 : memref<1x128x128xf32, #tpu.memory_space<vmem>> -> memref<128x128xf32, #tpu.memory_space<vmem>>
      %dma_wait3A_379 = arith.constant 0 : i32
      %dma_wait3A_380 = arith.constant 0 : i32
      %dma_wait3A_381 = tpu.memref_slice %arg3[%dma_wait3A_379, %dma_wait3A_380] : memref<1000000x128xf32, #tpu.memory_space<hbm>> -> memref<128x128xf32, #tpu.memory_space<hbm>>
      %dma_wait3A_382 = arith.constant 0 : i32
      %dma_wait3A_383 = arith.constant 0 : i32
      %dma_wait3A_384 = tpu.memref_slice %arg6[%dma_wait3A_374, %dma_wait3A_382, %dma_wait3A_383] : memref<4x128x128xf32, #tpu.memory_space<vmem>> -> memref<1x128x128xf32, #tpu.memory_space<vmem>>
      %dma_wait3A_385 = tpu.memref_squeeze %dma_wait3A_384 : memref<1x128x128xf32, #tpu.memory_space<vmem>> -> memref<128x128xf32, #tpu.memory_space<vmem>>
      %dma_wait3A_386 = arith.constant 0 : i32
      %dma_wait3A_387 = arith.constant 0 : i32
      %dma_wait3A_388 = tpu.memref_slice %arg3[%dma_wait3A_386, %dma_wait3A_387] : memref<1000000x128xf32, #tpu.memory_space<hbm>> -> memref<128x128xf32, #tpu.memory_space<hbm>>
      tpu.wait_dma2 semaphore(%arg11 : memref<!tpu.dma_semaphore, #tpu.memory_space<semaphore_mem>>) src(%dma_wait3A_388 : memref<128x128xf32, #tpu.memory_space<hbm>>) dst(%dma_wait3A_385 : memref<128x128xf32, #tpu.memory_space<vmem>>)
      %gt3A_389 = arith.constant 0 : i32
      %gt3A_390 = arith.cmpi sgt, %scan3A_199, %gt3A_389 : i32
      %convert_element_type3A_391 = arith.extui %gt3A_390 : i1 to i32
      %cond3A_392 = arith.constant 0 : i32
      %cond3A_393 = arith.cmpi ne, %convert_element_type3A_391, %cond3A_392 : i32
      scf.if %cond3A_393 {
        %dma_wait3A_428 = arith.constant 3 : i32
        %dma_wait3A_429 = arith.constant 0 : i32
        %dma_wait3A_430 = arith.constant 0 : i32
        %dma_wait3A_431 = arith.constant 0 : i32
        %dma_wait3A_432 = arith.constant 0 : i32
        %dma_wait3A_433 = arith.constant 0 : i32
        %dma_wait3A_434 = tpu.memref_slice %arg7[%dma_wait3A_428, %dma_wait3A_431, %dma_wait3A_432, %dma_wait3A_433] : memref<4x8x8x128xf32, #tpu.memory_space<vmem>> -> memref<1x8x8x128xf32, #tpu.memory_space<vmem>>
        %dma_wait3A_435 = tpu.memref_squeeze %dma_wait3A_434 : memref<1x8x8x128xf32, #tpu.memory_space<vmem>> -> memref<8x8x128xf32, #tpu.memory_space<vmem>>
        %dma_wait3A_436 = arith.constant 0 : i32
        %dma_wait3A_437 = arith.constant 0 : i32
        %dma_wait3A_438 = arith.constant 0 : i32
        %dma_wait3A_439 = tpu.memref_slice %arg4[%dma_wait3A_429, %dma_wait3A_436, %dma_wait3A_430, %dma_wait3A_437, %dma_wait3A_438] : memref<50x8x128x8x128xf32, #tpu.memory_space<hbm>> -> memref<1x8x1x8x128xf32, #tpu.memory_space<hbm>>
        %dma_wait3A_440 = tpu.memref_squeeze %dma_wait3A_439 : memref<1x8x1x8x128xf32, #tpu.memory_space<hbm>> -> memref<8x8x128xf32, #tpu.memory_space<hbm>>
        %dma_wait3A_441 = arith.constant 0 : i32
        %dma_wait3A_442 = arith.constant 0 : i32
        %dma_wait3A_443 = arith.constant 0 : i32
        %dma_wait3A_444 = tpu.memref_slice %arg4[%dma_wait3A_429, %dma_wait3A_441, %dma_wait3A_430, %dma_wait3A_442, %dma_wait3A_443] : memref<50x8x128x8x128xf32, #tpu.memory_space<hbm>> -> memref<1x8x1x8x128xf32, #tpu.memory_space<hbm>>
        %dma_wait3A_445 = tpu.memref_squeeze %dma_wait3A_444 : memref<1x8x1x8x128xf32, #tpu.memory_space<hbm>> -> memref<8x8x128xf32, #tpu.memory_space<hbm>>
        %dma_wait3A_446 = arith.constant 0 : i32
        %dma_wait3A_447 = arith.constant 0 : i32
        %dma_wait3A_448 = arith.constant 0 : i32
        %dma_wait3A_449 = tpu.memref_slice %arg7[%dma_wait3A_428, %dma_wait3A_446, %dma_wait3A_447, %dma_wait3A_448] : memref<4x8x8x128xf32, #tpu.memory_space<vmem>> -> memref<1x8x8x128xf32, #tpu.memory_space<vmem>>
        %dma_wait3A_450 = tpu.memref_squeeze %dma_wait3A_449 : memref<1x8x8x128xf32, #tpu.memory_space<vmem>> -> memref<8x8x128xf32, #tpu.memory_space<vmem>>
        tpu.wait_dma2 semaphore(%arg15 : memref<!tpu.dma_semaphore, #tpu.memory_space<semaphore_mem>>) src(%dma_wait3A_450 : memref<8x8x128xf32, #tpu.memory_space<vmem>>) dst(%dma_wait3A_445 : memref<8x8x128xf32, #tpu.memory_space<hbm>>)
      } else {
      }
      %scan3A_394 = arith.constant 0 : i32
      %scan3A_395 = arith.constant 0 : i32
      %scan3A_396 = arith.constant 64 : i32
      %scan3A_397 = arith.addi %scan3A_395, %scan3A_396 : i32
      %scan3A_398 = arith.constant 2 : i32
      scf.for %scan3A_428 = %scan3A_395 to %scan3A_397 step %scan3A_398  : i32 {
        %shift_right_logical3A = arith.constant 4 : i32
        %shift_right_logical3A_429 = arith.shrui %scan3A_428, %shift_right_logical3A : i32
        %shift_left3A = arith.constant 4 : i32
        %shift_left3A_430 = arith.shli %shift_right_logical3A_429, %shift_left3A : i32
        %add3A_431 = vector.broadcast %scan3A_428 : i32 to vector<16xi32>
        %add3A_432 = arith.addi %iota3A, %add3A_431 : vector<16xi32>
        %and3A = arith.constant 15 : i32
        %and3A_433 = vector.broadcast %and3A : i32 to vector<16xi32>
        %and3A_434 = arith.andi %add3A_432, %and3A_433 : vector<16xi32>
        %add3A_435 = vector.broadcast %shift_left3A_430 : i32 to vector<16xi32>
        %add3A_436 = arith.addi %and3A_434, %add3A_435 : vector<16xi32>
        %shift_right_logical3A_437 = arith.constant 3 : i32
        %shift_right_logical3A_438 = vector.broadcast %shift_right_logical3A_437 : i32 to vector<16xi32>
        %shift_right_logical3A_439 = arith.shrui %add3A_436, %shift_right_logical3A_438 : vector<16xi32>
        %and3A_440 = arith.constant 7 : i32
        %and3A_441 = vector.broadcast %and3A_440 : i32 to vector<16xi32>
        %and3A_442 = arith.andi %add3A_436, %and3A_441 : vector<16xi32>
        %gather3A = arith.constant 3 : i32
        %gather3A_443 = arith.constant 0 : i32
        %gather3A_444 = arith.constant 0 : i32
        %gather3A_445 = tpu.memref_slice %arg6[%gather3A, %gather3A_443, %gather3A_444] : memref<4x128x128xf32, #tpu.memory_space<vmem>> -> memref<1x128x128xf32, #tpu.memory_space<vmem>>
        %gather3A_446 = tpu.memref_squeeze %gather3A_445 : memref<1x128x128xf32, #tpu.memory_space<vmem>> -> memref<128x128xf32, #tpu.memory_space<vmem>>
        %gather3A_447 = tpu.vector_load_idx %gather3A_446[%add3A_30, %add3A_436] : memref<128x128xf32, #tpu.memory_space<vmem>>[vector<16xi32>, vector<16xi32>], vector<16xf32>,
        %scatter3A = arith.constant 3 : i32
        %scatter3A_448 = arith.constant 0 : i32
        %scatter3A_449 = arith.constant 0 : i32
        %scatter3A_450 = arith.constant 0 : i32
        %scatter3A_451 = tpu.memref_slice %arg7[%scatter3A, %scatter3A_448, %scatter3A_449, %scatter3A_450] : memref<4x8x8x128xf32, #tpu.memory_space<vmem>> -> memref<1x8x8x128xf32, #tpu.memory_space<vmem>>
        %scatter3A_452 = tpu.memref_squeeze %scatter3A_451 : memref<1x8x8x128xf32, #tpu.memory_space<vmem>> -> memref<8x8x128xf32, #tpu.memory_space<vmem>>
        tpu.vector_store_idx %scatter3A_452[%shift_right_logical3A_439, %and3A_442, %add3A_30], %gather3A_447 : memref<8x8x128xf32, #tpu.memory_space<vmem>>[vector<16xi32>, vector<16xi32>, vector<16xi32>], vector<16xf32>,
        %gather3A_453 = arith.constant 3 : i32
        %gather3A_454 = arith.constant 0 : i32
        %gather3A_455 = arith.constant 0 : i32
        %gather3A_456 = tpu.memref_slice %arg6[%gather3A_453, %gather3A_454, %gather3A_455] : memref<4x128x128xf32, #tpu.memory_space<vmem>> -> memref<1x128x128xf32, #tpu.memory_space<vmem>>
        %gather3A_457 = tpu.memref_squeeze %gather3A_456 : memref<1x128x128xf32, #tpu.memory_space<vmem>> -> memref<128x128xf32, #tpu.memory_space<vmem>>
        %gather3A_458 = tpu.vector_load_idx %gather3A_457[%add3A_33, %add3A_436] : memref<128x128xf32, #tpu.memory_space<vmem>>[vector<16xi32>, vector<16xi32>], vector<16xf32>,
        %scatter3A_459 = arith.constant 3 : i32
        %scatter3A_460 = arith.constant 0 : i32
        %scatter3A_461 = arith.constant 0 : i32
        %scatter3A_462 = arith.constant 0 : i32
        %scatter3A_463 = tpu.memref_slice %arg7[%scatter3A_459, %scatter3A_460, %scatter3A_461, %scatter3A_462] : memref<4x8x8x128xf32, #tpu.memory_space<vmem>> -> memref<1x8x8x128xf32, #tpu.memory_space<vmem>>
        %scatter3A_464 = tpu.memref_squeeze %scatter3A_463 : memref<1x8x8x128xf32, #tpu.memory_space<vmem>> -> memref<8x8x128xf32, #tpu.memory_space<vmem>>
        tpu.vector_store_idx %scatter3A_464[%shift_right_logical3A_439, %and3A_442, %add3A_33], %gather3A_458 : memref<8x8x128xf32, #tpu.memory_space<vmem>>[vector<16xi32>, vector<16xi32>, vector<16xi32>], vector<16xf32>,
        %gather3A_465 = arith.constant 3 : i32
        %gather3A_466 = arith.constant 0 : i32
        %gather3A_467 = arith.constant 0 : i32
        %gather3A_468 = tpu.memref_slice %arg6[%gather3A_465, %gather3A_466, %gather3A_467] : memref<4x128x128xf32, #tpu.memory_space<vmem>> -> memref<1x128x128xf32, #tpu.memory_space<vmem>>
        %gather3A_469 = tpu.memref_squeeze %gather3A_468 : memref<1x128x128xf32, #tpu.memory_space<vmem>> -> memref<128x128xf32, #tpu.memory_space<vmem>>
        %gather3A_470 = tpu.vector_load_idx %gather3A_469[%add3A_36, %add3A_436] : memref<128x128xf32, #tpu.memory_space<vmem>>[vector<16xi32>, vector<16xi32>], vector<16xf32>,
        %scatter3A_471 = arith.constant 3 : i32
        %scatter3A_472 = arith.constant 0 : i32
        %scatter3A_473 = arith.constant 0 : i32
        %scatter3A_474 = arith.constant 0 : i32
        %scatter3A_475 = tpu.memref_slice %arg7[%scatter3A_471, %scatter3A_472, %scatter3A_473, %scatter3A_474] : memref<4x8x8x128xf32, #tpu.memory_space<vmem>> -> memref<1x8x8x128xf32, #tpu.memory_space<vmem>>
        %scatter3A_476 = tpu.memref_squeeze %scatter3A_475 : memref<1x8x8x128xf32, #tpu.memory_space<vmem>> -> memref<8x8x128xf32, #tpu.memory_space<vmem>>
        tpu.vector_store_idx %scatter3A_476[%shift_right_logical3A_439, %and3A_442, %add3A_36], %gather3A_470 : memref<8x8x128xf32, #tpu.memory_space<vmem>>[vector<16xi32>, vector<16xi32>, vector<16xi32>], vector<16xf32>,
        %gather3A_477 = arith.constant 3 : i32
        %gather3A_478 = arith.constant 0 : i32
        %gather3A_479 = arith.constant 0 : i32
        %gather3A_480 = tpu.memref_slice %arg6[%gather3A_477, %gather3A_478, %gather3A_479] : memref<4x128x128xf32, #tpu.memory_space<vmem>> -> memref<1x128x128xf32, #tpu.memory_space<vmem>>
        %gather3A_481 = tpu.memref_squeeze %gather3A_480 : memref<1x128x128xf32, #tpu.memory_space<vmem>> -> memref<128x128xf32, #tpu.memory_space<vmem>>
        %gather3A_482 = tpu.vector_load_idx %gather3A_481[%add3A_39, %add3A_436] : memref<128x128xf32, #tpu.memory_space<vmem>>[vector<16xi32>, vector<16xi32>], vector<16xf32>,
        %scatter3A_483 = arith.constant 3 : i32
        %scatter3A_484 = arith.constant 0 : i32
        %scatter3A_485 = arith.constant 0 : i32
        %scatter3A_486 = arith.constant 0 : i32
        %scatter3A_487 = tpu.memref_slice %arg7[%scatter3A_483, %scatter3A_484, %scatter3A_485, %scatter3A_486] : memref<4x8x8x128xf32, #tpu.memory_space<vmem>> -> memref<1x8x8x128xf32, #tpu.memory_space<vmem>>
        %scatter3A_488 = tpu.memref_squeeze %scatter3A_487 : memref<1x8x8x128xf32, #tpu.memory_space<vmem>> -> memref<8x8x128xf32, #tpu.memory_space<vmem>>
        tpu.vector_store_idx %scatter3A_488[%shift_right_logical3A_439, %and3A_442, %add3A_39], %gather3A_482 : memref<8x8x128xf32, #tpu.memory_space<vmem>>[vector<16xi32>, vector<16xi32>, vector<16xi32>], vector<16xf32>,
        %gather3A_489 = arith.constant 3 : i32
        %gather3A_490 = arith.constant 0 : i32
        %gather3A_491 = arith.constant 0 : i32
        %gather3A_492 = tpu.memref_slice %arg6[%gather3A_489, %gather3A_490, %gather3A_491] : memref<4x128x128xf32, #tpu.memory_space<vmem>> -> memref<1x128x128xf32, #tpu.memory_space<vmem>>
        %gather3A_493 = tpu.memref_squeeze %gather3A_492 : memref<1x128x128xf32, #tpu.memory_space<vmem>> -> memref<128x128xf32, #tpu.memory_space<vmem>>
        %gather3A_494 = tpu.vector_load_idx %gather3A_493[%add3A_42, %add3A_436] : memref<128x128xf32, #tpu.memory_space<vmem>>[vector<16xi32>, vector<16xi32>], vector<16xf32>,
        %scatter3A_495 = arith.constant 3 : i32
        %scatter3A_496 = arith.constant 0 : i32
        %scatter3A_497 = arith.constant 0 : i32
        %scatter3A_498 = arith.constant 0 : i32
        %scatter3A_499 = tpu.memref_slice %arg7[%scatter3A_495, %scatter3A_496, %scatter3A_497, %scatter3A_498] : memref<4x8x8x128xf32, #tpu.memory_space<vmem>> -> memref<1x8x8x128xf32, #tpu.memory_space<vmem>>
        %scatter3A_500 = tpu.memref_squeeze %scatter3A_499 : memref<1x8x8x128xf32, #tpu.memory_space<vmem>> -> memref<8x8x128xf32, #tpu.memory_space<vmem>>
        tpu.vector_store_idx %scatter3A_500[%shift_right_logical3A_439, %and3A_442, %add3A_42], %gather3A_494 : memref<8x8x128xf32, #tpu.memory_space<vmem>>[vector<16xi32>, vector<16xi32>, vector<16xi32>], vector<16xf32>,
        %gather3A_501 = arith.constant 3 : i32
        %gather3A_502 = arith.constant 0 : i32
        %gather3A_503 = arith.constant 0 : i32
        %gather3A_504 = tpu.memref_slice %arg6[%gather3A_501, %gather3A_502, %gather3A_503] : memref<4x128x128xf32, #tpu.memory_space<vmem>> -> memref<1x128x128xf32, #tpu.memory_space<vmem>>
        %gather3A_505 = tpu.memref_squeeze %gather3A_504 : memref<1x128x128xf32, #tpu.memory_space<vmem>> -> memref<128x128xf32, #tpu.memory_space<vmem>>
        %gather3A_506 = tpu.vector_load_idx %gather3A_505[%add3A_45, %add3A_436] : memref<128x128xf32, #tpu.memory_space<vmem>>[vector<16xi32>, vector<16xi32>], vector<16xf32>,
        %scatter3A_507 = arith.constant 3 : i32
        %scatter3A_508 = arith.constant 0 : i32
        %scatter3A_509 = arith.constant 0 : i32
        %scatter3A_510 = arith.constant 0 : i32
        %scatter3A_511 = tpu.memref_slice %arg7[%scatter3A_507, %scatter3A_508, %scatter3A_509, %scatter3A_510] : memref<4x8x8x128xf32, #tpu.memory_space<vmem>> -> memref<1x8x8x128xf32, #tpu.memory_space<vmem>>
        %scatter3A_512 = tpu.memref_squeeze %scatter3A_511 : memref<1x8x8x128xf32, #tpu.memory_space<vmem>> -> memref<8x8x128xf32, #tpu.memory_space<vmem>>
        tpu.vector_store_idx %scatter3A_512[%shift_right_logical3A_439, %and3A_442, %add3A_45], %gather3A_506 : memref<8x8x128xf32, #tpu.memory_space<vmem>>[vector<16xi32>, vector<16xi32>, vector<16xi32>], vector<16xf32>,
        %gather3A_513 = arith.constant 3 : i32
        %gather3A_514 = arith.constant 0 : i32
        %gather3A_515 = arith.constant 0 : i32
        %gather3A_516 = tpu.memref_slice %arg6[%gather3A_513, %gather3A_514, %gather3A_515] : memref<4x128x128xf32, #tpu.memory_space<vmem>> -> memref<1x128x128xf32, #tpu.memory_space<vmem>>
        %gather3A_517 = tpu.memref_squeeze %gather3A_516 : memref<1x128x128xf32, #tpu.memory_space<vmem>> -> memref<128x128xf32, #tpu.memory_space<vmem>>
        %gather3A_518 = tpu.vector_load_idx %gather3A_517[%add3A_48, %add3A_436] : memref<128x128xf32, #tpu.memory_space<vmem>>[vector<16xi32>, vector<16xi32>], vector<16xf32>,
        %scatter3A_519 = arith.constant 3 : i32
        %scatter3A_520 = arith.constant 0 : i32
        %scatter3A_521 = arith.constant 0 : i32
        %scatter3A_522 = arith.constant 0 : i32
        %scatter3A_523 = tpu.memref_slice %arg7[%scatter3A_519, %scatter3A_520, %scatter3A_521, %scatter3A_522] : memref<4x8x8x128xf32, #tpu.memory_space<vmem>> -> memref<1x8x8x128xf32, #tpu.memory_space<vmem>>
        %scatter3A_524 = tpu.memref_squeeze %scatter3A_523 : memref<1x8x8x128xf32, #tpu.memory_space<vmem>> -> memref<8x8x128xf32, #tpu.memory_space<vmem>>
        tpu.vector_store_idx %scatter3A_524[%shift_right_logical3A_439, %and3A_442, %add3A_48], %gather3A_518 : memref<8x8x128xf32, #tpu.memory_space<vmem>>[vector<16xi32>, vector<16xi32>, vector<16xi32>], vector<16xf32>,
        %gather3A_525 = arith.constant 3 : i32
        %gather3A_526 = arith.constant 0 : i32
        %gather3A_527 = arith.constant 0 : i32
        %gather3A_528 = tpu.memref_slice %arg6[%gather3A_525, %gather3A_526, %gather3A_527] : memref<4x128x128xf32, #tpu.memory_space<vmem>> -> memref<1x128x128xf32, #tpu.memory_space<vmem>>
        %gather3A_529 = tpu.memref_squeeze %gather3A_528 : memref<1x128x128xf32, #tpu.memory_space<vmem>> -> memref<128x128xf32, #tpu.memory_space<vmem>>
        %gather3A_530 = tpu.vector_load_idx %gather3A_529[%add3A_51, %add3A_436] : memref<128x128xf32, #tpu.memory_space<vmem>>[vector<16xi32>, vector<16xi32>], vector<16xf32>,
        %scatter3A_531 = arith.constant 3 : i32
        %scatter3A_532 = arith.constant 0 : i32
        %scatter3A_533 = arith.constant 0 : i32
        %scatter3A_534 = arith.constant 0 : i32
        %scatter3A_535 = tpu.memref_slice %arg7[%scatter3A_531, %scatter3A_532, %scatter3A_533, %scatter3A_534] : memref<4x8x8x128xf32, #tpu.memory_space<vmem>> -> memref<1x8x8x128xf32, #tpu.memory_space<vmem>>
        %scatter3A_536 = tpu.memref_squeeze %scatter3A_535 : memref<1x8x8x128xf32, #tpu.memory_space<vmem>> -> memref<8x8x128xf32, #tpu.memory_space<vmem>>
        tpu.vector_store_idx %scatter3A_536[%shift_right_logical3A_439, %and3A_442, %add3A_51], %gather3A_530 : memref<8x8x128xf32, #tpu.memory_space<vmem>>[vector<16xi32>, vector<16xi32>, vector<16xi32>], vector<16xf32>,
        %scan3A_537 = arith.constant 1 : i32
        %scan3A_538 = arith.addi %scan3A_428, %scan3A_537 : i32
        %shift_right_logical3A_539 = arith.constant 4 : i32
        %shift_right_logical3A_540 = arith.shrui %scan3A_538, %shift_right_logical3A_539 : i32
        %shift_left3A_541 = arith.constant 4 : i32
        %shift_left3A_542 = arith.shli %shift_right_logical3A_540, %shift_left3A_541 : i32
        %add3A_543 = vector.broadcast %scan3A_538 : i32 to vector<16xi32>
        %add3A_544 = arith.addi %iota3A, %add3A_543 : vector<16xi32>
        %and3A_545 = arith.constant 15 : i32
        %and3A_546 = vector.broadcast %and3A_545 : i32 to vector<16xi32>
        %and3A_547 = arith.andi %add3A_544, %and3A_546 : vector<16xi32>
        %add3A_548 = vector.broadcast %shift_left3A_542 : i32 to vector<16xi32>
        %add3A_549 = arith.addi %and3A_547, %add3A_548 : vector<16xi32>
        %shift_right_logical3A_550 = arith.constant 3 : i32
        %shift_right_logical3A_551 = vector.broadcast %shift_right_logical3A_550 : i32 to vector<16xi32>
        %shift_right_logical3A_552 = arith.shrui %add3A_549, %shift_right_logical3A_551 : vector<16xi32>
        %and3A_553 = arith.constant 7 : i32
        %and3A_554 = vector.broadcast %and3A_553 : i32 to vector<16xi32>
        %and3A_555 = arith.andi %add3A_549, %and3A_554 : vector<16xi32>
        %gather3A_556 = arith.constant 3 : i32
        %gather3A_557 = arith.constant 0 : i32
        %gather3A_558 = arith.constant 0 : i32
        %gather3A_559 = tpu.memref_slice %arg6[%gather3A_556, %gather3A_557, %gather3A_558] : memref<4x128x128xf32, #tpu.memory_space<vmem>> -> memref<1x128x128xf32, #tpu.memory_space<vmem>>
        %gather3A_560 = tpu.memref_squeeze %gather3A_559 : memref<1x128x128xf32, #tpu.memory_space<vmem>> -> memref<128x128xf32, #tpu.memory_space<vmem>>
        %gather3A_561 = tpu.vector_load_idx %gather3A_560[%add3A_30, %add3A_549] : memref<128x128xf32, #tpu.memory_space<vmem>>[vector<16xi32>, vector<16xi32>], vector<16xf32>,
        %scatter3A_562 = arith.constant 3 : i32
        %scatter3A_563 = arith.constant 0 : i32
        %scatter3A_564 = arith.constant 0 : i32
        %scatter3A_565 = arith.constant 0 : i32
        %scatter3A_566 = tpu.memref_slice %arg7[%scatter3A_562, %scatter3A_563, %scatter3A_564, %scatter3A_565] : memref<4x8x8x128xf32, #tpu.memory_space<vmem>> -> memref<1x8x8x128xf32, #tpu.memory_space<vmem>>
        %scatter3A_567 = tpu.memref_squeeze %scatter3A_566 : memref<1x8x8x128xf32, #tpu.memory_space<vmem>> -> memref<8x8x128xf32, #tpu.memory_space<vmem>>
        tpu.vector_store_idx %scatter3A_567[%shift_right_logical3A_552, %and3A_555, %add3A_30], %gather3A_561 : memref<8x8x128xf32, #tpu.memory_space<vmem>>[vector<16xi32>, vector<16xi32>, vector<16xi32>], vector<16xf32>,
        %gather3A_568 = arith.constant 3 : i32
        %gather3A_569 = arith.constant 0 : i32
        %gather3A_570 = arith.constant 0 : i32
        %gather3A_571 = tpu.memref_slice %arg6[%gather3A_568, %gather3A_569, %gather3A_570] : memref<4x128x128xf32, #tpu.memory_space<vmem>> -> memref<1x128x128xf32, #tpu.memory_space<vmem>>
        %gather3A_572 = tpu.memref_squeeze %gather3A_571 : memref<1x128x128xf32, #tpu.memory_space<vmem>> -> memref<128x128xf32, #tpu.memory_space<vmem>>
        %gather3A_573 = tpu.vector_load_idx %gather3A_572[%add3A_33, %add3A_549] : memref<128x128xf32, #tpu.memory_space<vmem>>[vector<16xi32>, vector<16xi32>], vector<16xf32>,
        %scatter3A_574 = arith.constant 3 : i32
        %scatter3A_575 = arith.constant 0 : i32
        %scatter3A_576 = arith.constant 0 : i32
        %scatter3A_577 = arith.constant 0 : i32
        %scatter3A_578 = tpu.memref_slice %arg7[%scatter3A_574, %scatter3A_575, %scatter3A_576, %scatter3A_577] : memref<4x8x8x128xf32, #tpu.memory_space<vmem>> -> memref<1x8x8x128xf32, #tpu.memory_space<vmem>>
        %scatter3A_579 = tpu.memref_squeeze %scatter3A_578 : memref<1x8x8x128xf32, #tpu.memory_space<vmem>> -> memref<8x8x128xf32, #tpu.memory_space<vmem>>
        tpu.vector_store_idx %scatter3A_579[%shift_right_logical3A_552, %and3A_555, %add3A_33], %gather3A_573 : memref<8x8x128xf32, #tpu.memory_space<vmem>>[vector<16xi32>, vector<16xi32>, vector<16xi32>], vector<16xf32>,
        %gather3A_580 = arith.constant 3 : i32
        %gather3A_581 = arith.constant 0 : i32
        %gather3A_582 = arith.constant 0 : i32
        %gather3A_583 = tpu.memref_slice %arg6[%gather3A_580, %gather3A_581, %gather3A_582] : memref<4x128x128xf32, #tpu.memory_space<vmem>> -> memref<1x128x128xf32, #tpu.memory_space<vmem>>
        %gather3A_584 = tpu.memref_squeeze %gather3A_583 : memref<1x128x128xf32, #tpu.memory_space<vmem>> -> memref<128x128xf32, #tpu.memory_space<vmem>>
        %gather3A_585 = tpu.vector_load_idx %gather3A_584[%add3A_36, %add3A_549] : memref<128x128xf32, #tpu.memory_space<vmem>>[vector<16xi32>, vector<16xi32>], vector<16xf32>,
        %scatter3A_586 = arith.constant 3 : i32
        %scatter3A_587 = arith.constant 0 : i32
        %scatter3A_588 = arith.constant 0 : i32
        %scatter3A_589 = arith.constant 0 : i32
        %scatter3A_590 = tpu.memref_slice %arg7[%scatter3A_586, %scatter3A_587, %scatter3A_588, %scatter3A_589] : memref<4x8x8x128xf32, #tpu.memory_space<vmem>> -> memref<1x8x8x128xf32, #tpu.memory_space<vmem>>
        %scatter3A_591 = tpu.memref_squeeze %scatter3A_590 : memref<1x8x8x128xf32, #tpu.memory_space<vmem>> -> memref<8x8x128xf32, #tpu.memory_space<vmem>>
        tpu.vector_store_idx %scatter3A_591[%shift_right_logical3A_552, %and3A_555, %add3A_36], %gather3A_585 : memref<8x8x128xf32, #tpu.memory_space<vmem>>[vector<16xi32>, vector<16xi32>, vector<16xi32>], vector<16xf32>,
        %gather3A_592 = arith.constant 3 : i32
        %gather3A_593 = arith.constant 0 : i32
        %gather3A_594 = arith.constant 0 : i32
        %gather3A_595 = tpu.memref_slice %arg6[%gather3A_592, %gather3A_593, %gather3A_594] : memref<4x128x128xf32, #tpu.memory_space<vmem>> -> memref<1x128x128xf32, #tpu.memory_space<vmem>>
        %gather3A_596 = tpu.memref_squeeze %gather3A_595 : memref<1x128x128xf32, #tpu.memory_space<vmem>> -> memref<128x128xf32, #tpu.memory_space<vmem>>
        %gather3A_597 = tpu.vector_load_idx %gather3A_596[%add3A_39, %add3A_549] : memref<128x128xf32, #tpu.memory_space<vmem>>[vector<16xi32>, vector<16xi32>], vector<16xf32>,
        %scatter3A_598 = arith.constant 3 : i32
        %scatter3A_599 = arith.constant 0 : i32
        %scatter3A_600 = arith.constant 0 : i32
        %scatter3A_601 = arith.constant 0 : i32
        %scatter3A_602 = tpu.memref_slice %arg7[%scatter3A_598, %scatter3A_599, %scatter3A_600, %scatter3A_601] : memref<4x8x8x128xf32, #tpu.memory_space<vmem>> -> memref<1x8x8x128xf32, #tpu.memory_space<vmem>>
        %scatter3A_603 = tpu.memref_squeeze %scatter3A_602 : memref<1x8x8x128xf32, #tpu.memory_space<vmem>> -> memref<8x8x128xf32, #tpu.memory_space<vmem>>
        tpu.vector_store_idx %scatter3A_603[%shift_right_logical3A_552, %and3A_555, %add3A_39], %gather3A_597 : memref<8x8x128xf32, #tpu.memory_space<vmem>>[vector<16xi32>, vector<16xi32>, vector<16xi32>], vector<16xf32>,
        %gather3A_604 = arith.constant 3 : i32
        %gather3A_605 = arith.constant 0 : i32
        %gather3A_606 = arith.constant 0 : i32
        %gather3A_607 = tpu.memref_slice %arg6[%gather3A_604, %gather3A_605, %gather3A_606] : memref<4x128x128xf32, #tpu.memory_space<vmem>> -> memref<1x128x128xf32, #tpu.memory_space<vmem>>
        %gather3A_608 = tpu.memref_squeeze %gather3A_607 : memref<1x128x128xf32, #tpu.memory_space<vmem>> -> memref<128x128xf32, #tpu.memory_space<vmem>>
        %gather3A_609 = tpu.vector_load_idx %gather3A_608[%add3A_42, %add3A_549] : memref<128x128xf32, #tpu.memory_space<vmem>>[vector<16xi32>, vector<16xi32>], vector<16xf32>,
        %scatter3A_610 = arith.constant 3 : i32
        %scatter3A_611 = arith.constant 0 : i32
        %scatter3A_612 = arith.constant 0 : i32
        %scatter3A_613 = arith.constant 0 : i32
        %scatter3A_614 = tpu.memref_slice %arg7[%scatter3A_610, %scatter3A_611, %scatter3A_612, %scatter3A_613] : memref<4x8x8x128xf32, #tpu.memory_space<vmem>> -> memref<1x8x8x128xf32, #tpu.memory_space<vmem>>
        %scatter3A_615 = tpu.memref_squeeze %scatter3A_614 : memref<1x8x8x128xf32, #tpu.memory_space<vmem>> -> memref<8x8x128xf32, #tpu.memory_space<vmem>>
        tpu.vector_store_idx %scatter3A_615[%shift_right_logical3A_552, %and3A_555, %add3A_42], %gather3A_609 : memref<8x8x128xf32, #tpu.memory_space<vmem>>[vector<16xi32>, vector<16xi32>, vector<16xi32>], vector<16xf32>,
        %gather3A_616 = arith.constant 3 : i32
        %gather3A_617 = arith.constant 0 : i32
        %gather3A_618 = arith.constant 0 : i32
        %gather3A_619 = tpu.memref_slice %arg6[%gather3A_616, %gather3A_617, %gather3A_618] : memref<4x128x128xf32, #tpu.memory_space<vmem>> -> memref<1x128x128xf32, #tpu.memory_space<vmem>>
        %gather3A_620 = tpu.memref_squeeze %gather3A_619 : memref<1x128x128xf32, #tpu.memory_space<vmem>> -> memref<128x128xf32, #tpu.memory_space<vmem>>
        %gather3A_621 = tpu.vector_load_idx %gather3A_620[%add3A_45, %add3A_549] : memref<128x128xf32, #tpu.memory_space<vmem>>[vector<16xi32>, vector<16xi32>], vector<16xf32>,
        %scatter3A_622 = arith.constant 3 : i32
        %scatter3A_623 = arith.constant 0 : i32
        %scatter3A_624 = arith.constant 0 : i32
        %scatter3A_625 = arith.constant 0 : i32
        %scatter3A_626 = tpu.memref_slice %arg7[%scatter3A_622, %scatter3A_623, %scatter3A_624, %scatter3A_625] : memref<4x8x8x128xf32, #tpu.memory_space<vmem>> -> memref<1x8x8x128xf32, #tpu.memory_space<vmem>>
        %scatter3A_627 = tpu.memref_squeeze %scatter3A_626 : memref<1x8x8x128xf32, #tpu.memory_space<vmem>> -> memref<8x8x128xf32, #tpu.memory_space<vmem>>
        tpu.vector_store_idx %scatter3A_627[%shift_right_logical3A_552, %and3A_555, %add3A_45], %gather3A_621 : memref<8x8x128xf32, #tpu.memory_space<vmem>>[vector<16xi32>, vector<16xi32>, vector<16xi32>], vector<16xf32>,
        %gather3A_628 = arith.constant 3 : i32
        %gather3A_629 = arith.constant 0 : i32
        %gather3A_630 = arith.constant 0 : i32
        %gather3A_631 = tpu.memref_slice %arg6[%gather3A_628, %gather3A_629, %gather3A_630] : memref<4x128x128xf32, #tpu.memory_space<vmem>> -> memref<1x128x128xf32, #tpu.memory_space<vmem>>
        %gather3A_632 = tpu.memref_squeeze %gather3A_631 : memref<1x128x128xf32, #tpu.memory_space<vmem>> -> memref<128x128xf32, #tpu.memory_space<vmem>>
        %gather3A_633 = tpu.vector_load_idx %gather3A_632[%add3A_48, %add3A_549] : memref<128x128xf32, #tpu.memory_space<vmem>>[vector<16xi32>, vector<16xi32>], vector<16xf32>,
        %scatter3A_634 = arith.constant 3 : i32
        %scatter3A_635 = arith.constant 0 : i32
        %scatter3A_636 = arith.constant 0 : i32
        %scatter3A_637 = arith.constant 0 : i32
        %scatter3A_638 = tpu.memref_slice %arg7[%scatter3A_634, %scatter3A_635, %scatter3A_636, %scatter3A_637] : memref<4x8x8x128xf32, #tpu.memory_space<vmem>> -> memref<1x8x8x128xf32, #tpu.memory_space<vmem>>
        %scatter3A_639 = tpu.memref_squeeze %scatter3A_638 : memref<1x8x8x128xf32, #tpu.memory_space<vmem>> -> memref<8x8x128xf32, #tpu.memory_space<vmem>>
        tpu.vector_store_idx %scatter3A_639[%shift_right_logical3A_552, %and3A_555, %add3A_48], %gather3A_633 : memref<8x8x128xf32, #tpu.memory_space<vmem>>[vector<16xi32>, vector<16xi32>, vector<16xi32>], vector<16xf32>,
        %gather3A_640 = arith.constant 3 : i32
        %gather3A_641 = arith.constant 0 : i32
        %gather3A_642 = arith.constant 0 : i32
        %gather3A_643 = tpu.memref_slice %arg6[%gather3A_640, %gather3A_641, %gather3A_642] : memref<4x128x128xf32, #tpu.memory_space<vmem>> -> memref<1x128x128xf32, #tpu.memory_space<vmem>>
        %gather3A_644 = tpu.memref_squeeze %gather3A_643 : memref<1x128x128xf32, #tpu.memory_space<vmem>> -> memref<128x128xf32, #tpu.memory_space<vmem>>
        %gather3A_645 = tpu.vector_load_idx %gather3A_644[%add3A_51, %add3A_549] : memref<128x128xf32, #tpu.memory_space<vmem>>[vector<16xi32>, vector<16xi32>], vector<16xf32>,
        %scatter3A_646 = arith.constant 3 : i32
        %scatter3A_647 = arith.constant 0 : i32
        %scatter3A_648 = arith.constant 0 : i32
        %scatter3A_649 = arith.constant 0 : i32
        %scatter3A_650 = tpu.memref_slice %arg7[%scatter3A_646, %scatter3A_647, %scatter3A_648, %scatter3A_649] : memref<4x8x8x128xf32, #tpu.memory_space<vmem>> -> memref<1x8x8x128xf32, #tpu.memory_space<vmem>>
        %scatter3A_651 = tpu.memref_squeeze %scatter3A_650 : memref<1x8x8x128xf32, #tpu.memory_space<vmem>> -> memref<8x8x128xf32, #tpu.memory_space<vmem>>
        tpu.vector_store_idx %scatter3A_651[%shift_right_logical3A_552, %and3A_555, %add3A_51], %gather3A_645 : memref<8x8x128xf32, #tpu.memory_space<vmem>>[vector<16xi32>, vector<16xi32>, vector<16xi32>], vector<16xf32>,
      }
      %scan3A_399 = arith.constant 64 : i32
      %add3A_400 = arith.constant 1 : i32
      %add3A_401 = arith.addi %scan3A_199, %add3A_400 : i32
      %lt3A_402 = arith.constant 50 : i32
      %lt3A_403 = arith.cmpi slt, %add3A_401, %lt3A_402 : i32
      %convert_element_type3A_404 = arith.extui %lt3A_403 : i1 to i32
      %cond3A_405 = arith.constant 0 : i32
      %cond3A_406 = arith.cmpi ne, %convert_element_type3A_404, %cond3A_405 : i32
      scf.if %cond3A_406 {
        %add3A_428 = arith.constant 1 : i32
        %add3A_429 = arith.addi %scan3A_199, %add3A_428 : i32
        %dma_start3A_430 = arith.constant 3 : i32
        %dma_start3A_431 = arith.constant 3 : i32
        %dma_start3A_432 = arith.constant 0 : i32
        %dma_start3A_433 = arith.constant 0 : i32
        %dma_start3A_434 = tpu.memref_slice %arg6[%dma_start3A_431, %dma_start3A_432, %dma_start3A_433] : memref<4x128x128xf32, #tpu.memory_space<vmem>> -> memref<1x128x128xf32, #tpu.memory_space<vmem>>
        %dma_start3A_435 = tpu.memref_squeeze %dma_start3A_434 : memref<1x128x128xf32, #tpu.memory_space<vmem>> -> memref<128x128xf32, #tpu.memory_space<vmem>>
        %dma_start3A_436 = arith.constant 0 : i32
        %dma_start3A_437 = tpu.memref_slice %arg5[%add3A_429, %dma_start3A_430, %dma_start3A_436] : memref<50x4x128xi32, #tpu.memory_space<vmem>> -> memref<1x1x128xi32, #tpu.memory_space<vmem>>
        %dma_start3A_438 = tpu.memref_squeeze %dma_start3A_437 : memref<1x1x128xi32, #tpu.memory_space<vmem>> -> memref<128xi32, #tpu.memory_space<vmem>>
        %dma_start3A_439 = arith.constant 0 : i32
        %dma_start3A_440 = arith.constant 0 : i32
        %dma_start3A_441 = tpu.memref_slice %arg3[%dma_start3A_439, %dma_start3A_440] : memref<1000000x128xf32, #tpu.memory_space<hbm>> -> memref<1000000x128xf32, #tpu.memory_space<hbm>>
        tpu.enqueue_indirect_dma source(%dma_start3A_441 : memref<1000000x128xf32, #tpu.memory_space<hbm>>) target(%dma_start3A_435 : memref<128x128xf32, #tpu.memory_space<vmem>>) offsets(%dma_start3A_438 : memref<128xi32, #tpu.memory_space<vmem>>) semaphore(%arg11 : memref<!tpu.dma_semaphore, #tpu.memory_space<semaphore_mem>>)
      } else {
      }
      %dma_start3A_407 = arith.constant 3 : i32
      %dma_start3A_408 = arith.constant 0 : i32
      %dma_start3A_409 = arith.constant 0 : i32
      %dma_start3A_410 = arith.constant 0 : i32
      %dma_start3A_411 = tpu.memref_slice %arg7[%dma_start3A_407, %dma_start3A_408, %dma_start3A_409, %dma_start3A_410] : memref<4x8x8x128xf32, #tpu.memory_space<vmem>> -> memref<1x8x8x128xf32, #tpu.memory_space<vmem>>
      %dma_start3A_412 = tpu.memref_squeeze %dma_start3A_411 : memref<1x8x8x128xf32, #tpu.memory_space<vmem>> -> memref<8x8x128xf32, #tpu.memory_space<vmem>>
      %dma_start3A_413 = arith.constant 0 : i32
      %dma_start3A_414 = arith.constant 0 : i32
      %dma_start3A_415 = arith.constant 0 : i32
      %dma_start3A_416 = tpu.memref_slice %arg4[%scan3A_199, %dma_start3A_413, %add3A_373, %dma_start3A_414, %dma_start3A_415] : memref<50x8x128x8x128xf32, #tpu.memory_space<hbm>> -> memref<1x8x1x8x128xf32, #tpu.memory_space<hbm>>
      %dma_start3A_417 = tpu.memref_squeeze %dma_start3A_416 : memref<1x8x1x8x128xf32, #tpu.memory_space<hbm>> -> memref<8x8x128xf32, #tpu.memory_space<hbm>>
      %dma_start3A_418 = arith.constant 0 : i32
      %dma_start3A_419 = arith.constant 0 : i32
      %dma_start3A_420 = arith.constant 0 : i32
      %dma_start3A_421 = tpu.memref_slice %arg4[%scan3A_199, %dma_start3A_418, %add3A_373, %dma_start3A_419, %dma_start3A_420] : memref<50x8x128x8x128xf32, #tpu.memory_space<hbm>> -> memref<1x8x1x8x128xf32, #tpu.memory_space<hbm>>
      %dma_start3A_422 = tpu.memref_squeeze %dma_start3A_421 : memref<1x8x1x8x128xf32, #tpu.memory_space<hbm>> -> memref<8x8x128xf32, #tpu.memory_space<hbm>>
      %dma_start3A_423 = arith.constant 0 : i32
      %dma_start3A_424 = arith.constant 0 : i32
      %dma_start3A_425 = arith.constant 0 : i32
      %dma_start3A_426 = tpu.memref_slice %arg7[%dma_start3A_407, %dma_start3A_423, %dma_start3A_424, %dma_start3A_425] : memref<4x8x8x128xf32, #tpu.memory_space<vmem>> -> memref<1x8x8x128xf32, #tpu.memory_space<vmem>>
      %dma_start3A_427 = tpu.memref_squeeze %dma_start3A_426 : memref<1x8x8x128xf32, #tpu.memory_space<vmem>> -> memref<8x8x128xf32, #tpu.memory_space<vmem>>
      tpu.enqueue_dma source(%dma_start3A_427 : memref<8x8x128xf32, #tpu.memory_space<vmem>>) target(%dma_start3A_422 : memref<8x8x128xf32, #tpu.memory_space<hbm>>) target_semaphore(%arg15 : memref<!tpu.dma_semaphore, #tpu.memory_space<semaphore_mem>>)
    }
    %scan3A_107 = arith.constant 50 : i32
    %dma_wait3A = arith.constant 0 : i32
    %dma_wait3A_108 = arith.constant 0 : i32
    %dma_wait3A_109 = arith.constant 0 : i32
    %dma_wait3A_110 = arith.constant 0 : i32
    %dma_wait3A_111 = arith.constant 0 : i32
    %dma_wait3A_112 = arith.constant 0 : i32
    %dma_wait3A_113 = tpu.memref_slice %arg7[%dma_wait3A, %dma_wait3A_110, %dma_wait3A_111, %dma_wait3A_112] : memref<4x8x8x128xf32, #tpu.memory_space<vmem>> -> memref<1x8x8x128xf32, #tpu.memory_space<vmem>>
    %dma_wait3A_114 = tpu.memref_squeeze %dma_wait3A_113 : memref<1x8x8x128xf32, #tpu.memory_space<vmem>> -> memref<8x8x128xf32, #tpu.memory_space<vmem>>
    %dma_wait3A_115 = arith.constant 0 : i32
    %dma_wait3A_116 = arith.constant 0 : i32
    %dma_wait3A_117 = arith.constant 0 : i32
    %dma_wait3A_118 = tpu.memref_slice %arg4[%dma_wait3A_108, %dma_wait3A_115, %dma_wait3A_109, %dma_wait3A_116, %dma_wait3A_117] : memref<50x8x128x8x128xf32, #tpu.memory_space<hbm>> -> memref<1x8x1x8x128xf32, #tpu.memory_space<hbm>>
    %dma_wait3A_119 = tpu.memref_squeeze %dma_wait3A_118 : memref<1x8x1x8x128xf32, #tpu.memory_space<hbm>> -> memref<8x8x128xf32, #tpu.memory_space<hbm>>
    %dma_wait3A_120 = arith.constant 0 : i32
    %dma_wait3A_121 = arith.constant 0 : i32
    %dma_wait3A_122 = arith.constant 0 : i32
    %dma_wait3A_123 = tpu.memref_slice %arg4[%dma_wait3A_108, %dma_wait3A_120, %dma_wait3A_109, %dma_wait3A_121, %dma_wait3A_122] : memref<50x8x128x8x128xf32, #tpu.memory_space<hbm>> -> memref<1x8x1x8x128xf32, #tpu.memory_space<hbm>>
    %dma_wait3A_124 = tpu.memref_squeeze %dma_wait3A_123 : memref<1x8x1x8x128xf32, #tpu.memory_space<hbm>> -> memref<8x8x128xf32, #tpu.memory_space<hbm>>
    %dma_wait3A_125 = arith.constant 0 : i32
    %dma_wait3A_126 = arith.constant 0 : i32
    %dma_wait3A_127 = arith.constant 0 : i32
    %dma_wait3A_128 = tpu.memref_slice %arg7[%dma_wait3A, %dma_wait3A_125, %dma_wait3A_126, %dma_wait3A_127] : memref<4x8x8x128xf32, #tpu.memory_space<vmem>> -> memref<1x8x8x128xf32, #tpu.memory_space<vmem>>
    %dma_wait3A_129 = tpu.memref_squeeze %dma_wait3A_128 : memref<1x8x8x128xf32, #tpu.memory_space<vmem>> -> memref<8x8x128xf32, #tpu.memory_space<vmem>>
    tpu.wait_dma2 semaphore(%arg12 : memref<!tpu.dma_semaphore, #tpu.memory_space<semaphore_mem>>) src(%dma_wait3A_129 : memref<8x8x128xf32, #tpu.memory_space<vmem>>) dst(%dma_wait3A_124 : memref<8x8x128xf32, #tpu.memory_space<hbm>>)
    %dma_wait3A_130 = arith.constant 1 : i32
    %dma_wait3A_131 = arith.constant 0 : i32
    %dma_wait3A_132 = arith.constant 0 : i32
    %dma_wait3A_133 = arith.constant 0 : i32
    %dma_wait3A_134 = arith.constant 0 : i32
    %dma_wait3A_135 = arith.constant 0 : i32
    %dma_wait3A_136 = tpu.memref_slice %arg7[%dma_wait3A_130, %dma_wait3A_133, %dma_wait3A_134, %dma_wait3A_135] : memref<4x8x8x128xf32, #tpu.memory_space<vmem>> -> memref<1x8x8x128xf32, #tpu.memory_space<vmem>>
    %dma_wait3A_137 = tpu.memref_squeeze %dma_wait3A_136 : memref<1x8x8x128xf32, #tpu.memory_space<vmem>> -> memref<8x8x128xf32, #tpu.memory_space<vmem>>
    %dma_wait3A_138 = arith.constant 0 : i32
    %dma_wait3A_139 = arith.constant 0 : i32
    %dma_wait3A_140 = arith.constant 0 : i32
    %dma_wait3A_141 = tpu.memref_slice %arg4[%dma_wait3A_131, %dma_wait3A_138, %dma_wait3A_132, %dma_wait3A_139, %dma_wait3A_140] : memref<50x8x128x8x128xf32, #tpu.memory_space<hbm>> -> memref<1x8x1x8x128xf32, #tpu.memory_space<hbm>>
    %dma_wait3A_142 = tpu.memref_squeeze %dma_wait3A_141 : memref<1x8x1x8x128xf32, #tpu.memory_space<hbm>> -> memref<8x8x128xf32, #tpu.memory_space<hbm>>
    %dma_wait3A_143 = arith.constant 0 : i32
    %dma_wait3A_144 = arith.constant 0 : i32
    %dma_wait3A_145 = arith.constant 0 : i32
    %dma_wait3A_146 = tpu.memref_slice %arg4[%dma_wait3A_131, %dma_wait3A_143, %dma_wait3A_132, %dma_wait3A_144, %dma_wait3A_145] : memref<50x8x128x8x128xf32, #tpu.memory_space<hbm>> -> memref<1x8x1x8x128xf32, #tpu.memory_space<hbm>>
    %dma_wait3A_147 = tpu.memref_squeeze %dma_wait3A_146 : memref<1x8x1x8x128xf32, #tpu.memory_space<hbm>> -> memref<8x8x128xf32, #tpu.memory_space<hbm>>
    %dma_wait3A_148 = arith.constant 0 : i32
    %dma_wait3A_149 = arith.constant 0 : i32
    %dma_wait3A_150 = arith.constant 0 : i32
    %dma_wait3A_151 = tpu.memref_slice %arg7[%dma_wait3A_130, %dma_wait3A_148, %dma_wait3A_149, %dma_wait3A_150] : memref<4x8x8x128xf32, #tpu.memory_space<vmem>> -> memref<1x8x8x128xf32, #tpu.memory_space<vmem>>
    %dma_wait3A_152 = tpu.memref_squeeze %dma_wait3A_151 : memref<1x8x8x128xf32, #tpu.memory_space<vmem>> -> memref<8x8x128xf32, #tpu.memory_space<vmem>>
    tpu.wait_dma2 semaphore(%arg13 : memref<!tpu.dma_semaphore, #tpu.memory_space<semaphore_mem>>) src(%dma_wait3A_152 : memref<8x8x128xf32, #tpu.memory_space<vmem>>) dst(%dma_wait3A_147 : memref<8x8x128xf32, #tpu.memory_space<hbm>>)
    %dma_wait3A_153 = arith.constant 2 : i32
    %dma_wait3A_154 = arith.constant 0 : i32
    %dma_wait3A_155 = arith.constant 0 : i32
    %dma_wait3A_156 = arith.constant 0 : i32
    %dma_wait3A_157 = arith.constant 0 : i32
    %dma_wait3A_158 = arith.constant 0 : i32
    %dma_wait3A_159 = tpu.memref_slice %arg7[%dma_wait3A_153, %dma_wait3A_156, %dma_wait3A_157, %dma_wait3A_158] : memref<4x8x8x128xf32, #tpu.memory_space<vmem>> -> memref<1x8x8x128xf32, #tpu.memory_space<vmem>>
    %dma_wait3A_160 = tpu.memref_squeeze %dma_wait3A_159 : memref<1x8x8x128xf32, #tpu.memory_space<vmem>> -> memref<8x8x128xf32, #tpu.memory_space<vmem>>
    %dma_wait3A_161 = arith.constant 0 : i32
    %dma_wait3A_162 = arith.constant 0 : i32
    %dma_wait3A_163 = arith.constant 0 : i32
    %dma_wait3A_164 = tpu.memref_slice %arg4[%dma_wait3A_154, %dma_wait3A_161, %dma_wait3A_155, %dma_wait3A_162, %dma_wait3A_163] : memref<50x8x128x8x128xf32, #tpu.memory_space<hbm>> -> memref<1x8x1x8x128xf32, #tpu.memory_space<hbm>>
    %dma_wait3A_165 = tpu.memref_squeeze %dma_wait3A_164 : memref<1x8x1x8x128xf32, #tpu.memory_space<hbm>> -> memref<8x8x128xf32, #tpu.memory_space<hbm>>
    %dma_wait3A_166 = arith.constant 0 : i32
    %dma_wait3A_167 = arith.constant 0 : i32
    %dma_wait3A_168 = arith.constant 0 : i32
    %dma_wait3A_169 = tpu.memref_slice %arg4[%dma_wait3A_154, %dma_wait3A_166, %dma_wait3A_155, %dma_wait3A_167, %dma_wait3A_168] : memref<50x8x128x8x128xf32, #tpu.memory_space<hbm>> -> memref<1x8x1x8x128xf32, #tpu.memory_space<hbm>>
    %dma_wait3A_170 = tpu.memref_squeeze %dma_wait3A_169 : memref<1x8x1x8x128xf32, #tpu.memory_space<hbm>> -> memref<8x8x128xf32, #tpu.memory_space<hbm>>
    %dma_wait3A_171 = arith.constant 0 : i32
    %dma_wait3A_172 = arith.constant 0 : i32
    %dma_wait3A_173 = arith.constant 0 : i32
    %dma_wait3A_174 = tpu.memref_slice %arg7[%dma_wait3A_153, %dma_wait3A_171, %dma_wait3A_172, %dma_wait3A_173] : memref<4x8x8x128xf32, #tpu.memory_space<vmem>> -> memref<1x8x8x128xf32, #tpu.memory_space<vmem>>
    %dma_wait3A_175 = tpu.memref_squeeze %dma_wait3A_174 : memref<1x8x8x128xf32, #tpu.memory_space<vmem>> -> memref<8x8x128xf32, #tpu.memory_space<vmem>>
    tpu.wait_dma2 semaphore(%arg14 : memref<!tpu.dma_semaphore, #tpu.memory_space<semaphore_mem>>) src(%dma_wait3A_175 : memref<8x8x128xf32, #tpu.memory_space<vmem>>) dst(%dma_wait3A_170 : memref<8x8x128xf32, #tpu.memory_space<hbm>>)
    %dma_wait3A_176 = arith.constant 3 : i32
    %dma_wait3A_177 = arith.constant 0 : i32
    %dma_wait3A_178 = arith.constant 0 : i32
    %dma_wait3A_179 = arith.constant 0 : i32
    %dma_wait3A_180 = arith.constant 0 : i32
    %dma_wait3A_181 = arith.constant 0 : i32
    %dma_wait3A_182 = tpu.memref_slice %arg7[%dma_wait3A_176, %dma_wait3A_179, %dma_wait3A_180, %dma_wait3A_181] : memref<4x8x8x128xf32, #tpu.memory_space<vmem>> -> memref<1x8x8x128xf32, #tpu.memory_space<vmem>>
    %dma_wait3A_183 = tpu.memref_squeeze %dma_wait3A_182 : memref<1x8x8x128xf32, #tpu.memory_space<vmem>> -> memref<8x8x128xf32, #tpu.memory_space<vmem>>
    %dma_wait3A_184 = arith.constant 0 : i32
    %dma_wait3A_185 = arith.constant 0 : i32
    %dma_wait3A_186 = arith.constant 0 : i32
    %dma_wait3A_187 = tpu.memref_slice %arg4[%dma_wait3A_177, %dma_wait3A_184, %dma_wait3A_178, %dma_wait3A_185, %dma_wait3A_186] : memref<50x8x128x8x128xf32, #tpu.memory_space<hbm>> -> memref<1x8x1x8x128xf32, #tpu.memory_space<hbm>>
    %dma_wait3A_188 = tpu.memref_squeeze %dma_wait3A_187 : memref<1x8x1x8x128xf32, #tpu.memory_space<hbm>> -> memref<8x8x128xf32, #tpu.memory_space<hbm>>
    %dma_wait3A_189 = arith.constant 0 : i32
    %dma_wait3A_190 = arith.constant 0 : i32
    %dma_wait3A_191 = arith.constant 0 : i32
    %dma_wait3A_192 = tpu.memref_slice %arg4[%dma_wait3A_177, %dma_wait3A_189, %dma_wait3A_178, %dma_wait3A_190, %dma_wait3A_191] : memref<50x8x128x8x128xf32, #tpu.memory_space<hbm>> -> memref<1x8x1x8x128xf32, #tpu.memory_space<hbm>>
    %dma_wait3A_193 = tpu.memref_squeeze %dma_wait3A_192 : memref<1x8x1x8x128xf32, #tpu.memory_space<hbm>> -> memref<8x8x128xf32, #tpu.memory_space<hbm>>
    %dma_wait3A_194 = arith.constant 0 : i32
    %dma_wait3A_195 = arith.constant 0 : i32
    %dma_wait3A_196 = arith.constant 0 : i32
    %dma_wait3A_197 = tpu.memref_slice %arg7[%dma_wait3A_176, %dma_wait3A_194, %dma_wait3A_195, %dma_wait3A_196] : memref<4x8x8x128xf32, #tpu.memory_space<vmem>> -> memref<1x8x8x128xf32, #tpu.memory_space<vmem>>
    %dma_wait3A_198 = tpu.memref_squeeze %dma_wait3A_197 : memref<1x8x8x128xf32, #tpu.memory_space<vmem>> -> memref<8x8x128xf32, #tpu.memory_space<vmem>>
    tpu.wait_dma2 semaphore(%arg15 : memref<!tpu.dma_semaphore, #tpu.memory_space<semaphore_mem>>) src(%dma_wait3A_198 : memref<8x8x128xf32, #tpu.memory_space<vmem>>) dst(%dma_wait3A_193 : memref<8x8x128xf32, #tpu.memory_space<hbm>>)
    return
  }
}

</mosaic_0001>

<sc_bundles>
// kernel: kernel.3.cloned.1.call-start
scs
__scs_entry_jumppad:
0x0: {  	(pc) =	sbr.rel $0x88, $3  }
0x1: {  	(tag) =	ssettag $0x0;
	lr =	simm.s32 $0x1  }
0x2: {  	[smem:$0x3F9F] =	sst lr;
	_ =	strace $0xD0000000  }
0x3: {  	_ = 	snop  }
0x4: {  	_ = 	snop  }
0x5: {  	_ = 	snop  }
0x6: {  	_ = 	snop  }
0x7: {  	_ = 	snop  }
__scs_overlays_trampoline_lowered:
0x8: {  	[smem:$0x3FAE] =	sst s0  }
0x9: {  	[smem:$0x3FAF] =	sst s1  }
0xa: {  	[smem:$0x3FB0] =	sst s2  }
0xb: {  	[smem:$0x3FB1] =	sst s3  }
0xc: {  	[smem:$0x3FB2] =	sst s4  }
0xd: {  	[smem:$0x3FB3] =	sst s5  }
0xe: {  	[smem:$0x3FB4] =	sst s6  }
0xf: {  	[smem:$0x3FB5] =	sst s7  }
0x10: {  	[smem:$0x3FB6] =	sst s8  }
0x11: {  	[smem:$0x3FB7] =	sst s9;
	s0 =	simm.s32 @!p0 $0x0  }
0x12: {  	s1 =	sld [smem:$0x3F9D];
	s0 =	simm.s32 @p0 $0x1  }
0x13: {  	[smem:$0x3FB8] =	sst s0;
	s0 =	simm.s32 @!p1 $0x0  }
0x14: {  	s2 =	sld [smem:$0x3F9C];
	s0 =	simm.s32 @p1 $0x1  }
0x15: {  	[smem:$0x3FB9] =	sst s0;
	s0 =	simm.s32 @!p2 $0x0  }
0x16: {  	s3 =	sld [smem:$0x3FDB];
	s0 =	simm.s32 @p2 $0x1  }
0x17: {  	s4 =	simm.s32 $0x1BF5;
	[smem:$0x3FBB] =	sst s0  }
0x18: {  	s0 =	sld [smem:$0x3F9E];
	_ =	swait.ge [sflag:s4], $0x0  }
0x19: {  	s7 =	sld [smem:$0x3F9F]  }
0x1a: {  	s8 =	sadd.s32 $0xFFFFE003, lr  }
0x1b: {  	s9 =	sadd.s32 $0xFFFFFEF7, lr;
	s5 =	simm.s32 $0xFFFFFFFF;
	p2 =	slt.u32 s8, $0xFFFFF086  }
0x1c: {  	p1 =	slt.u32 s9, $0xF7A;
	s5 =	simm.s32 @!p2 $0x0  }
0x1d: {  	s5 =	simm.s32 @p1 $0x1;
	p0 =	seq.s32 s7, s2  }
0x1e: {  	s7 =	smul.u32 @!p0 $0xF7A, s2;
	p2 =	seq.s32 @!p0 s5, $0x0  }
0x1f: {  	s9 =	smul.u32 $0xF7A, s1;
	s8 =	simm.s32 @!p0 $0x1BF5;
	p2 =	por !p2, p0  }
0x20: {  	[sflag:s8] =	ssyncset.s32 @!p0 $0xFFFFF086;
	s6 =	sadd.s32 @!p0 s3, s7;
	s7 =	simm.s32 @!p0 $0x108  }
0x21: {  	s3 =	sadd.s32 s3, s9;
	s6 =	sadd.s32 @!p0 $0x88, s6;
	s7 =	simm.s32 @p2 $0x1082  }
0x22: {  	[simem:s7], [sflag:s8] =	dma.local @!p0 [hbm:s6], $0xF7A  }
0x23: {  	s9 =	sor.u32 $0xD0000000, s2;
	s6 =	simm.s32 $0x108;
	_ =	swait.ge @!p0 [sflag:s8], $0x0  }
0x24: {  	s3 =	sadd.s32 $0x88, s3;
	s6 =	simm.s32 @!p1 $0x1082;
	[sflag:s4] =	ssyncset.s32 $0xFFFFF086  }
0x25: {  	[simem:s6], [sflag:s4] =	dma.local [hbm:s3], $0xF7A  }
0x26: {  	[smem:$0x3F9F] =	sst s1;
	(tag) =	ssettag s2;
	_ =	strace s9  }
0x27: {  	s1 =	sld [smem:$0x3FAF]  }
0x28: {  	s2 =	sld [smem:$0x3FB0]  }
0x29: {  	s4 =	sld [smem:$0x3FB2]  }
0x2a: {  	p0 =	seq.s32 s5, $0x0;
	s5 =	sld [smem:$0x3FB3]  }
0x2b: {  	s6 =	sld [smem:$0x3FB4]  }
0x2c: {  	s7 =	sld [smem:$0x3FB5]  }
0x2d: {  	s3 =	simm.s32 $0x108;
	s8 =	sld [smem:$0x3FB6]  }
0x2e: {  	s3 =	simm.s32 @!p0 $0x1082;
	s9 =	sld [smem:$0x3FB7]  }
0x2f: {  	lr =	sadd.s32 s0, s3;
	s0 =	sld [smem:$0x3FAE]  }
0x30: {  	s3 =	sld [smem:$0x3FB1]  }
0x31: {  	[smem:$0x3FBA] =	sst s10  }
0x32: {  	s10 =	sld [smem:$0x3FB8];
	_ =	sdelay $0x3  }
0x33: {  	p0 =	seq.s32 s10, $0x1;
	s10 =	sld [smem:$0x3FBA];
	_ =	sdelay $0x3  }
0x34: {  	[smem:$0x3FBA] =	sst s10  }
0x35: {  	s10 =	sld [smem:$0x3FB9];
	_ =	sdelay $0x3  }
0x36: {  	p1 =	seq.s32 s10, $0x1;
	s10 =	sld [smem:$0x3FBA];
	_ =	sdelay $0x3  }
0x37: {  	[smem:$0x3FBA] =	sst s10  }
0x38: {  	s10 =	sld [smem:$0x3FBB]  }
0x39: {  	_ = 	snop;
	(pc) =	sbr.ind lr, $3  }
0x3a: {  	_ = 	snop  }
0x3b: {  	_ = 	snop  }
0x3c: {  	p2 =	seq.s32 s10, $0x1;
	s10 =	sld [smem:$0x3FBA]  }
0x3d: {  	_ =	shalt  }
0x3e: {  	_ =	shalt  }
0x3f: {  	_ =	shalt  }
0x40: {  	_ =	shalt  }
0x41: {  	_ =	shalt  }
0x42: {  	_ =	shalt  }
0x43: {  	_ =	shalt  }
0x44: {  	_ =	shalt  }
0x45: {  	_ =	shalt  }
0x46: {  	_ =	shalt  }
0x47: {  	_ =	shalt  }
0x48: {  	_ =	shalt  }
0x49: {  	_ =	shalt  }
0x4a: {  	_ =	shalt  }
0x4b: {  	_ =	shalt  }
0x4c: {  	_ =	shalt  }
0x4d: {  	_ =	shalt  }
0x4e: {  	_ =	shalt  }
0x4f: {  	_ =	shalt  }
0x50: {  	_ =	shalt  }
0x51: {  	_ =	shalt  }
0x52: {  	_ =	shalt  }
0x53: {  	_ =	shalt  }
0x54: {  	_ =	shalt  }
0x55: {  	_ =	shalt  }
0x56: {  	_ =	shalt  }
0x57: {  	_ =	shalt  }
0x58: {  	_ =	shalt  }
0x59: {  	_ =	shalt  }
0x5a: {  	_ =	shalt  }
0x5b: {  	_ =	shalt  }
0x5c: {  	_ =	shalt  }
0x5d: {  	_ =	shalt  }
0x5e: {  	_ =	shalt  }
0x5f: {  	_ =	shalt  }
0x60: {  	_ =	shalt  }
0x61: {  	_ =	shalt  }
0x62: {  	_ =	shalt  }
0x63: {  	_ =	shalt  }
0x64: {  	_ =	shalt  }
0x65: {  	_ =	shalt  }
0x66: {  	_ =	shalt  }
0x67: {  	_ =	shalt  }
0x68: {  	_ =	shalt  }
0x69: {  	_ =	shalt  }
0x6a: {  	_ =	shalt  }
0x6b: {  	_ =	shalt  }
0x6c: {  	_ =	shalt  }
0x6d: {  	_ =	shalt  }
0x6e: {  	_ =	shalt  }
0x6f: {  	_ =	shalt  }
0x70: {  	_ =	shalt  }
0x71: {  	_ =	shalt  }
0x72: {  	_ =	shalt  }
0x73: {  	_ =	shalt  }
0x74: {  	_ =	shalt  }
0x75: {  	_ =	shalt  }
0x76: {  	_ =	shalt  }
0x77: {  	_ =	shalt  }
0x78: {  	_ =	shalt  }
0x79: {  	_ =	shalt  }
0x7a: {  	_ =	shalt  }
0x7b: {  	_ =	shalt  }
0x7c: {  	_ =	shalt  }
0x7d: {  	_ =	shalt  }
0x7e: {  	_ =	shalt  }
0x7f: {  	_ =	shalt  }
0x80: {  	_ =	shalt  }
0x81: {  	_ =	shalt  }
0x82: {  	_ =	shalt  }
0x83: {  	_ =	shalt  }
0x84: {  	_ =	shalt  }
0x85: {  	_ =	shalt  }
0x86: {  	_ =	shalt  }
0x87: {  	_ =	shalt  }
.Lfunc_end0:
.L_simem_size_0:
called_computation_lowered:
.L_overlay_start_0:
0x88: {  	s2 =	sld [smem:$0x3FD9]  }
0x89: {  	s3 =	sld [smem:$0x3FFE];
	_ =	sdelay $0x1  }
0x8a: {  	s1 =	srdreg.scid  }
0x8b: {  	s0 =	sand.u32 $0x1, s1  }
0x8c: {  	s17 =	sshll.u32 s0, $0xA;
	s2 =	sadd.s32 s3, s2  }
0x8d: {  	s2 =	sadd.s32 s2, s17  }
0x8e: {  	[smem:$0x3FC6] =	sst s2  }
0x8f: {  	_ = 	snop  }
0x90: {  	s2 =	sld [smem:$0x3FD0];
	(tm) =	ssettm $0x1  }
0x91: {  	s18 =	sld [smem:$0x3FFB];
	_ =	sdelay $0x3  }
0x92: {  	_ =	strace s18  }
0x93: {  	s3 =	sld [smem:$0x3FFC];
	_ =	sdelay $0x3  }
0x94: {  	_ =	strace s3  }
0x95: {  	s3 =	sld [smem:$0x3FFD];
	_ =	sdelay $0x3  }
0x96: {  	_ =	strace s3  }
0x97: {  	_ =	strace $0x8FFFFFFF  }
0x98: {  	s19 =	sld [smem:$0x3FDB];
	_ =	sdelay $0x1  }
0x99: {  	s4 =	simm.s32 $_scs_section_size  }
0x9a: {  	s5 =	simm.s32 $_size__tile_overlayer_lowered;
	s6 =	simm.s32 $_tile_overlayer_lowered  }
0x9b: {  	s22 =	simm.s32 $0x1BFF;
	s21 =	sshll.u32 s6, $0x1;
	s3 =	sadd.s32 s4, s19  }
0x9c: {  	s7 =	simm.s32 $0x0;
	s20 =	sshll.u32 s5, $0x1;
	s5 =	sadd.s32 s21, s3  }
0x9d: {  	[timem:s7], [sflag:s22] =	dma.local [hbm:s5], s20  }
0x9e: {  	_ =	swait.ge [sflag:s22], s20  }
0x9f: {  	s4 =	ssub.s32 $0x0, s20;
	[sflag:s22] =	ssyncset.done $0x0  }
0xa0: {  	[sflag:s22] =	ssyncadd.s32 s4;
	_ =	sdelay $0x1  }
0xa1: {  	s23 =	simm.s32 $0x1B8B  }
0xa2: {  	_ =	swait.ge [sflag:s23], $0x1  }
0xa3: {  	[sflag:s23] =	ssyncset.done $0x0  }
0xa4: {  	s25 =	simm.s32 $0x1B8E;
	s24 =	sld [smem:$0x3FFE];
	[sflag:s23] =	ssyncadd.s32 $0xFFFFFFFF  }
0xa5: {  	s26 =	simm.s32 $execute0_lowered;
	[smem:$0x3FD2] =	sst s25  }
0xa6: {  	s5 =	sshll.u32 s26, $0x1;
	_ =	strace $0x80000046;
	[dreg:$0x1] =	wrdreg $0xFFFFFFFF  }
0xa7: {  	s28 =	simm.s32 $_size_execute0_lowered;
	s3 =	sadd.s32 s3, s5;
	[dreg:$0x0] =	wrdreg $0x0  }
0xa8: {  	s5 =	sshll.u32 s28, $0x1;
	[dreg:$0x2] =	wrdreg s3  }
0xa9: {  	[dreg:$0x3] =	wrdreg s5  }
0xaa: {  	[dreg:$0x4] =	wrdreg $0xC0  }
0xab: {  	_ =	task [dreg:s7], $0x5FFFF  }
0xac: {  	[dreg:$0x1] =	wrdreg $0xFFFFFFFF  }
0xad: {  	[dreg:$0x0] =	wrdreg $0x60  }
0xae: {  	[dreg:$0x2] =	wrdreg s24  }
0xaf: {  	[dreg:$0x3] =	wrdreg s2  }
0xb0: {  	[dreg:$0x4] =	wrdreg $0x9  }
0xb1: {  	_ =	task.clear_ibuf [dreg:s7], $0x5FFFF;
	_ =	strace $0x90000046  }
0xb2: {  	s29 =	simm.s32 $0x9;
	_ =	strace $0x80000048  }
0xb3: {  	_ =	swait.ge [sflag:s29], $0x1  }
0xb4: {  	[sflag:s29] =	ssyncadd.s32 $0xFFFFFFFF  }
0xb5: {  	_ =	strace $0x90000048  }
0xb6: {  	_ =	sfence  }
0xb7: {  	s30 =	sld [smem:$0x0];
	_ =	sdelay $0x2  }
0xb8: {  	s31 =	sshll.u32 s1, $0xD;
	s1 =	sshrl.u32 s1, $0x2  }
0xb9: {  	s3 =	sand.u32 $0x4000, s31;
	s1 =	sadd.s32 s1, s30  }
0xba: {  	s0 =	sor.u32 s3, s0;
	s1 =	sshll.u32 s1, $0x11  }
0xbb: {  	s0 =	sor.u32 s1, s0  }
0xbc: {  	s0 =	sadd.s32 $0x8F2B, s0  }
0xbd: {  	[sflag:s0] =	ssyncadd.remote.s32 $0x1  }
0xbe: {  	_ =	sfence.sel $0xFFFF  }
0xbf: {  	[dreg:$0x0] =	wrdreg $0xFFFFFFFF;
	(pc) =	sbr.abs _section_cstart, $3  }
0xc0: {  	[dreg:$0x1] =	wrdreg $0xFFFFFFFF  }
0xc1: {  	_ =	task.clear_ibuf [dreg:s7], $0x2FFFF;
	_ =	strace $0x9FFFFFFF  }
0xc2: {  	(tm) =	ssettm $0x7FFFFFFF  }
0xc3: {  	_ =	shalt  }
tec
execute0_lowered:
.L_overlay_start_1:
0x0: {  	(tag) =	ssettag $0x1  }
0x1: {  	s0 =	rddreg [dreg:$0x0]  }
0x2: {  	s1 =	rddreg [dreg:$0x1];
	s3 =	simm.s32 $0x0;
	s2 =	srdreg.scid  }
0x3: {  	s4 =	stileid.u32;
	s16 =	simm.s32 $0x6400;
	s17 =	simm.s32 $0xA400  }
0x4: {  	s19 =	simm.s32 $0xE400;
	s21 =	simm.s32 $0x12400;
	s22 =	simm.s32 $0x1  }
0x5: {  	s28 =	simm.s32 $0x18400;
	s29 =	simm.s32 $0x3;
	s30 =	simm.s32 $0x1A400  }
0x6: {  	s31 =	simm.s32 $0x4;
	s13 =	simm.s32 $0x0;
	s18 =	simm.s32 $0x0  }
0x7: {  	[smem:$0x7FF] =	sst s3;
	s8 =	sadd.s32 $0x600, s0;
	s2 =	sand.u32 $0x1, s2  }
0x8: {  	s5 =	sshll.u32 s4, $0x1;
	s4 =	sadd.s32 $0xF42A00, s0;
	s23 =	ssub.s32 $0x2, s2  }
0x9: {  	_ =	strace $0x80000047;
	s2 =	sor.u32 s2, s5;
	s24 =	sshrl.u32 s23, $0x1  }
0xa: {  	s6 =	sshll.u32 s2, $0x6;
	s7 =	sshll.u32 s2, $0x2;
	s12 =	sshllo.u32 s2, $0x2  }
0xb: {  	s2 =	sshll.u32 s2, $0xC;
	s0 =	ssub.s32 s23, s24;
	s5 =	sadd.s32 s8, s6  }
0xc: {  	s9 =	sor.u32 $0x1, s7;
	s11 =	sor.u32 $0x2, s7;
	s10 =	sshll.u32 s12, $0x4  }
0xd: {  	v0 =	vlaneseq.u32;
	[dreg:$0x3] =	wrdreg s2;
	s12 =	sshll.u32 s12, $0xA;
	s23 =	simm.s32 $0x16400  }
0xe: {  	v1 =	vmul.u32 $0x80, v0;
	v3 =	vor.u32 $0x10, v0;
	v5 =	vor.u32 $0x20, v0;
	s24 =	simm.s32 $0x400;
	s25 =	sshll.u32 s9, $0x4;
	s7 =	sshll.u32 s11, $0x4  }
0xf: {  	v7 =	vor.u32 $0x30, v0;
	v9 =	vor.u32 $0x40, v0;
	v11 =	vor.u32 $0x50, v0;
	s26 =	sshll.u32 s9, $0xA;
	s11 =	sshll.u32 s11, $0xA;
	s0 =	smax.u32 s0, $0x1  }
0x10: {  	v13 =	vor.u32 $0x60, v0;
	v15 =	vor.u32 $0x70, v0;
	v2 =	vor.u32 $0x800, v1;
	s6 =	sadd.s32 s8, s25;
	s7 =	sadd.s32 s8, s7;
	[dreg:$0x4] =	wrdreg s26  }
0x11: {  	v4 =	vor.u32 $0x1000, v1;
	v6 =	vor.u32 $0x1800, v1;
	v8 =	vor.u32 $0x2000, v1;
	s8 =	sadd.s32 s8, s10;
	[dreg:$0x5] =	wrdreg s0;
	s10 =	simm.s32 $0x9  }
0x12: {  	v10 =	vor.u32 $0x2800, v1;
	v12 =	vor.u32 $0x3000, v1;
	v14 =	vor.u32 $0x3800, v1;
	s25 =	simm.s32 $0x20000;
	s26 =	simm.s32 $0x2;
	s0 =	simm.s32 $0x1C400  }
.LBB2_1:
0x13: {  	[dreg:$0x6] =	wrdreg s13  }
0x14: {  	s2 =	simm.s32 $0x800;
	s9 =	sadd.s32 $0x0, s5;
	s13 =	simm.s32 $0x0  }
.LBB2_2:
0x15: {  	[tilespmem:s13], [sflag:$0x9] =	stream.linear.gather [hbm4b:s9+s3], $0x80, $0x38;
	[tilespmem:$0x1E400] =	vst v63  }
0x16: {  	s13 =	smov.u32 s2;
	p0 =	sne.s32 s2, $0x18800  }
.Ltmp0:
0x17: {  	s2 =	sadd.s32 $0x800, s2;
	(pc) =	sbr.rel @p0 .LBB2_2-.Ltmp0, $2  }
0x18: {  	_ =	sdelay $0x2  }
0x19: {  	s9 =	sadd.s32 s13, s5;
	s13 =	sshra.s32 s13, $0x2  }
0x1a: {  	[tilespmem:s13], [sflag:$0x9] =	stream.linear.gather [hbm4b:s9+s3], $0x80, $0x38;
	[tilespmem:$0x1E400] =	vst v63  }
0x1b: {  	_ =	swait.ge [sflag:s10], $0x1900  }
0x1c: {  	s2 =	simm.s32 $0x800;
	[sflag:s10] =	ssyncset.done $0x0  }
0x1d: {  	s9 =	sadd.s32 $0x0, s6;
	s13 =	simm.s32 $0x80;
	[sflag:s10] =	ssyncadd.s32 $0xFFFFE700  }
.LBB2_4:
0x1e: {  	[tilespmem:s13], [sflag:$0x9] =	stream.linear.gather [hbm4b:s9+s3], $0x80, $0x38;
	[tilespmem:$0x1E400] =	vst v63  }
0x1f: {  	s9 =	smov.u32 s2;
	p0 =	sne.s32 s2, $0x18800  }
.Ltmp1:
0x20: {  	s2 =	sadd.s32 $0x800, s2;
	(pc) =	sbr.rel @p0 .LBB2_4-.Ltmp1, $3  }
0x21: {  	_ =	sdelay $0x1  }
0x22: {  	s13 =	sshra.s32 s9, $0x2  }
0x23: {  	s9 =	sadd.s32 s9, s6;
	s13 =	sadd.s32 $0x80, s13  }
0x24: {  	[tilespmem:s13], [sflag:$0x9] =	stream.linear.gather [hbm4b:s9+s3], $0x80, $0x38;
	[tilespmem:$0x1E400] =	vst v63  }
0x25: {  	_ =	swait.ge [sflag:s10], $0x1900  }
0x26: {  	s2 =	simm.s32 $0x800;
	[sflag:s10] =	ssyncset.done $0x0  }
0x27: {  	s9 =	sadd.s32 $0x0, s7;
	s13 =	simm.s32 $0x100;
	[sflag:s10] =	ssyncadd.s32 $0xFFFFE700  }
.LBB2_6:
0x28: {  	[tilespmem:s13], [sflag:$0x9] =	stream.linear.gather [hbm4b:s9+s3], $0x80, $0x38;
	[tilespmem:$0x1E400] =	vst v63  }
0x29: {  	s9 =	smov.u32 s2;
	p0 =	sne.s32 s2, $0x18800  }
.Ltmp2:
0x2a: {  	s2 =	sadd.s32 $0x800, s2;
	(pc) =	sbr.rel @p0 .LBB2_6-.Ltmp2, $3  }
0x2b: {  	_ =	sdelay $0x1  }
0x2c: {  	s13 =	sshra.s32 s9, $0x2  }
0x2d: {  	s9 =	sadd.s32 s9, s7;
	s13 =	sadd.s32 $0x100, s13  }
0x2e: {  	[tilespmem:s13], [sflag:$0x9] =	stream.linear.gather [hbm4b:s9+s3], $0x80, $0x38;
	[tilespmem:$0x1E400] =	vst v63  }
0x2f: {  	_ =	swait.ge [sflag:s10], $0x1900  }
0x30: {  	s2 =	simm.s32 $0x800;
	[sflag:s10] =	ssyncset.done $0x0  }
0x31: {  	s9 =	sadd.s32 $0x0, s8;
	s13 =	simm.s32 $0x180;
	[sflag:s10] =	ssyncadd.s32 $0xFFFFE700  }
.LBB2_8:
0x32: {  	[tilespmem:s13], [sflag:$0x9] =	stream.linear.gather [hbm4b:s9+s3], $0x80, $0x38;
	[tilespmem:$0x1E400] =	vst v63  }
0x33: {  	s9 =	smov.u32 s2;
	p0 =	sne.s32 s2, $0x18800  }
.Ltmp3:
0x34: {  	s2 =	sadd.s32 $0x800, s2;
	(pc) =	sbr.rel @p0 .LBB2_8-.Ltmp3, $3  }
0x35: {  	_ =	sdelay $0x1  }
0x36: {  	s13 =	sshra.s32 s9, $0x2  }
0x37: {  	s9 =	sadd.s32 s9, s8;
	s13 =	sadd.s32 $0x180, s13  }
0x38: {  	[tilespmem:s13], [sflag:$0x9] =	stream.linear.gather [hbm4b:s9+s3], $0x80, $0x38;
	[tilespmem:$0x1E400] =	vst v63  }
0x39: {  	_ =	swait.ge [sflag:s10], $0x1900  }
0x3a: {  	[sflag:s10] =	ssyncset.done $0x0  }
0x3b: {  	s2 =	simm.s32 $0x80;
	[sflag:s10] =	ssyncadd.s32 $0xFFFFE700  }
0x3c: {  	[tilespmem:s16], [sflag:$0x1] =	stream.indirect.gather [hbm4b:s4+s2], $0x80, s18, s2, $0xb8;
	[tilespmem:$0x1E400] =	vst v63  }
0x3d: {  	_ = 	snop  }
0x3e: {  	[tilespmem:s17], [sflag:$0x2] =	stream.indirect.gather [hbm4b:s4+s2], $0x80, s2, s2, $0xb8;
	[tilespmem:$0x1E400] =	vst v63  }
0x3f: {  	s15 =	simm.s32 $0x100  }
0x40: {  	[tilespmem:s19], [sflag:$0x3] =	stream.indirect.gather [hbm4b:s4+s2], $0x80, s15, s2, $0xb8;
	[tilespmem:$0x1E400] =	vst v63  }
0x41: {  	s20 =	simm.s32 $0x180;
	s13 =	simm.s32 $0x0  }
0x42: {  	[tilespmem:s21], [sflag:$0x4] =	stream.indirect.gather [hbm4b:s4+s2], $0x80, s20, s2, $0xb8;
	[tilespmem:$0x1E400] =	vst v63  }
.LBB2_10:
0x43: {  	v16 =	vadd.s32 s18, v0  }
0x44: {  	s2 =	sand.u32 $0x30, s18;
	v17 =	vand.u32 $0xF, v16  }
0x45: {  	v17 =	vor.u32 s2, v17  }
0x46: {  	v19 =	vand.u32 $0x7, v16;
	v18 =	vand.u32 $0x38, v17  }
0x47: {  	_ =	swait.ge [sflag:s22], $0x4000;
	v18 =	vor.u32 v19, v18  }
0x48: {  	p0 =	seq.s32 s13, $0x0;
	[sflag:s22] =	ssyncset.done $0x0;
	v19 =	vor.u32 v1, v18  }
0x49: {  	s9 =	simm.s32 @!p0 $0x5;
	[sflag:s22] =	ssyncadd.s32 $0xFFFFC000  }
0x4a: {  	v16 =	vshll.u32 v16, $0x7;
	_ =	swait.ge @!p0 [sflag:s9], $0x2000;
	v17 =	vshll.u32 v17, $0x7  }
0x4b: {  	v16 =	vand.u32 $0x380, v16;
	[sflag:s9] =	ssyncset.done @!p0 $0x0;
	v17 =	vand.u32 $0x1C00, v17  }
0x4c: {  	[sflag:s9] =	ssyncadd.s32 @!p0 $0xFFFFE000;
	v16 =	vor.u32 v16, v17  }
0x4d: {  	v17 =	vld.idx.msk [tilespmem:v19+s16+$0x0], $0xffff;
	v19 =	vor.u32 v0, v16  }
0x4e: {  	v20 =	vor.u32 v2, v18;
	_ =	sdelay $0x3  }
0x4f: {  	[tilespmem:v19+s23+$0x0] =	vst.idx.msk $0xffff, v17  }
0x50: {  	v19 =	vor.u32 v3, v16;
	v17 =	vld.idx.msk [tilespmem:v20+s16+$0x0], $0xffff  }
0x51: {  	v20 =	vor.u32 v4, v18;
	_ =	sdelay $0x3  }
0x52: {  	[tilespmem:v19+s23+$0x0] =	vst.idx.msk $0xffff, v17  }
0x53: {  	v19 =	vor.u32 v5, v16;
	v17 =	vld.idx.msk [tilespmem:v20+s16+$0x0], $0xffff  }
0x54: {  	v20 =	vor.u32 v6, v18;
	_ =	sdelay $0x3  }
0x55: {  	[tilespmem:v19+s23+$0x0] =	vst.idx.msk $0xffff, v17  }
0x56: {  	v19 =	vor.u32 v7, v16;
	v17 =	vld.idx.msk [tilespmem:v20+s16+$0x0], $0xffff  }
0x57: {  	v20 =	vor.u32 v8, v18;
	_ =	sdelay $0x3  }
0x58: {  	[tilespmem:v19+s23+$0x0] =	vst.idx.msk $0xffff, v17  }
0x59: {  	v19 =	vor.u32 v9, v16;
	v17 =	vld.idx.msk [tilespmem:v20+s16+$0x0], $0xffff  }
0x5a: {  	v20 =	vor.u32 v10, v18;
	_ =	sdelay $0x3  }
0x5b: {  	[tilespmem:v19+s23+$0x0] =	vst.idx.msk $0xffff, v17  }
0x5c: {  	v19 =	vor.u32 v11, v16;
	v17 =	vld.idx.msk [tilespmem:v20+s16+$0x0], $0xffff  }
0x5d: {  	v20 =	vor.u32 v12, v18;
	_ =	sdelay $0x3  }
0x5e: {  	[tilespmem:v19+s23+$0x0] =	vst.idx.msk $0xffff, v17  }
0x5f: {  	v19 =	vor.u32 v13, v16;
	v17 =	vld.idx.msk [tilespmem:v20+s16+$0x0], $0xffff  }
0x60: {  	s20 =	simm.s32 $0x1;
	v18 =	vor.u32 v14, v18  }
0x61: {  	v20 =	vadd.s32 s20, v0  }
0x62: {  	v21 =	vand.u32 $0xF, v20  }
0x63: {  	v21 =	vor.u32 s2, v21  }
0x64: {  	[tilespmem:v19+s23+$0x0] =	vst.idx.msk $0xffff, v17;
	v17 =	vand.u32 $0x38, v21;
	v19 =	vand.u32 $0x7, v20  }
0x65: {  	v16 =	vor.u32 v15, v16;
	v18 =	vld.idx.msk [tilespmem:v18+s16+$0x0], $0xffff;
	v17 =	vor.u32 v19, v17  }
0x66: {  	v19 =	vor.u32 v1, v17;
	_ =	sdelay $0x1  }
0x67: {  	v21 =	vshll.u32 v21, $0x7;
	v20 =	vshll.u32 v20, $0x7  }
0x68: {  	v21 =	vand.u32 $0x1C00, v21;
	v20 =	vand.u32 $0x380, v20  }
0x69: {  	[tilespmem:v16+s23+$0x0] =	vst.idx.msk $0xffff, v18;
	v16 =	vor.u32 v20, v21  }
0x6a: {  	v18 =	vld.idx.msk [tilespmem:v19+s16+$0x0], $0xffff;
	v19 =	vor.u32 v0, v16  }
0x6b: {  	v20 =	vor.u32 v2, v17;
	_ =	sdelay $0x3  }
0x6c: {  	[tilespmem:v19+s23+$0x0] =	vst.idx.msk $0xffff, v18  }
0x6d: {  	v19 =	vor.u32 v3, v16;
	v18 =	vld.idx.msk [tilespmem:v20+s16+$0x0], $0xffff  }
0x6e: {  	v20 =	vor.u32 v4, v17;
	_ =	sdelay $0x3  }
0x6f: {  	[tilespmem:v19+s23+$0x0] =	vst.idx.msk $0xffff, v18  }
0x70: {  	v19 =	vor.u32 v5, v16;
	v18 =	vld.idx.msk [tilespmem:v20+s16+$0x0], $0xffff  }
0x71: {  	v20 =	vor.u32 v6, v17;
	_ =	sdelay $0x3  }
0x72: {  	[tilespmem:v19+s23+$0x0] =	vst.idx.msk $0xffff, v18  }
0x73: {  	v19 =	vor.u32 v7, v16;
	v18 =	vld.idx.msk [tilespmem:v20+s16+$0x0], $0xffff  }
0x74: {  	v20 =	vor.u32 v8, v17;
	_ =	sdelay $0x3  }
0x75: {  	[tilespmem:v19+s23+$0x0] =	vst.idx.msk $0xffff, v18  }
0x76: {  	v19 =	vor.u32 v9, v16;
	v18 =	vld.idx.msk [tilespmem:v20+s16+$0x0], $0xffff  }
0x77: {  	v20 =	vor.u32 v10, v17;
	_ =	sdelay $0x3  }
0x78: {  	[tilespmem:v19+s23+$0x0] =	vst.idx.msk $0xffff, v18  }
0x79: {  	v19 =	vor.u32 v11, v16;
	v18 =	vld.idx.msk [tilespmem:v20+s16+$0x0], $0xffff  }
0x7a: {  	v20 =	vor.u32 v12, v17;
	_ =	sdelay $0x3  }
0x7b: {  	[tilespmem:v19+s23+$0x0] =	vst.idx.msk $0xffff, v18  }
0x7c: {  	v19 =	vld.idx.msk [tilespmem:v20+s16+$0x0], $0xffff;
	v20 =	vor.u32 v13, v16  }
0x7d: {  	v18 =	vor.u32 v14, v17  }
0x7e: {  	s15 =	simm.s32 $0x2  }
0x7f: {  	s14 =	simm.s32 $0x4;
	v17 =	vadd.s32 s15, v0  }
.LBB2_11:
0x80: {  	p1 =	slt.u32 s14, $0x3E;
	s2 =	sand.u32 $0x30, s15;
	v21 =	vand.u32 $0xF, v17  }
0x81: {  	v21 =	vor.u32 s2, v21;
	[tilespmem:v20+s23+$0x0] =	vst.idx.msk $0xffff, v19  }
0x82: {  	v20 =	vand.u32 $0x7, v17;
	v19 =	vand.u32 $0x38, v21;
	v18 =	vld.idx.msk [tilespmem:v18+s16+$0x0], $0xffff  }
0x83: {  	v16 =	vor.u32 v15, v16;
	v19 =	vor.u32 v20, v19  }
0x84: {  	v20 =	vor.u32 v1, v19;
	_ =	sdelay $0x2  }
0x85: {  	v17 =	vshll.u32 v17, $0x7;
	v21 =	vshll.u32 v21, $0x7  }
0x86: {  	v17 =	vand.u32 $0x380, v17;
	v21 =	vand.u32 $0x1C00, v21;
	[tilespmem:v16+s23+$0x0] =	vst.idx.msk $0xffff, v18  }
0x87: {  	v17 =	vor.u32 v17, v21;
	v16 =	vld.idx.msk [tilespmem:v20+s16+$0x0], $0xffff  }
0x88: {  	v18 =	vor.u32 v0, v17  }
0x89: {  	v20 =	vor.u32 v2, v19;
	_ =	sdelay $0x3  }
0x8a: {  	[tilespmem:v18+s23+$0x0] =	vst.idx.msk $0xffff, v16  }
0x8b: {  	v16 =	vld.idx.msk [tilespmem:v20+s16+$0x0], $0xffff  }
0x8c: {  	v18 =	vor.u32 v3, v17  }
0x8d: {  	v20 =	vor.u32 v4, v19;
	_ =	sdelay $0x3  }
0x8e: {  	[tilespmem:v18+s23+$0x0] =	vst.idx.msk $0xffff, v16  }
0x8f: {  	v16 =	vld.idx.msk [tilespmem:v20+s16+$0x0], $0xffff  }
0x90: {  	v18 =	vor.u32 v5, v17  }
0x91: {  	v20 =	vor.u32 v6, v19;
	_ =	sdelay $0x3  }
0x92: {  	[tilespmem:v18+s23+$0x0] =	vst.idx.msk $0xffff, v16  }
0x93: {  	v16 =	vld.idx.msk [tilespmem:v20+s16+$0x0], $0xffff  }
0x94: {  	v18 =	vor.u32 v7, v17  }
0x95: {  	v20 =	vor.u32 v8, v19;
	_ =	sdelay $0x3  }
0x96: {  	[tilespmem:v18+s23+$0x0] =	vst.idx.msk $0xffff, v16  }
0x97: {  	v16 =	vld.idx.msk [tilespmem:v20+s16+$0x0], $0xffff  }
0x98: {  	v18 =	vor.u32 v9, v17  }
0x99: {  	v20 =	vor.u32 v10, v19;
	_ =	sdelay $0x3  }
0x9a: {  	[tilespmem:v18+s23+$0x0] =	vst.idx.msk $0xffff, v16  }
0x9b: {  	v16 =	vld.idx.msk [tilespmem:v20+s16+$0x0], $0xffff  }
0x9c: {  	v18 =	vor.u32 v11, v17  }
0x9d: {  	v20 =	vor.u32 v12, v19;
	_ =	sdelay $0x3  }
0x9e: {  	[tilespmem:v18+s23+$0x0] =	vst.idx.msk $0xffff, v16  }
0x9f: {  	v16 =	vld.idx.msk [tilespmem:v20+s16+$0x0], $0xffff  }
0xa0: {  	v18 =	vor.u32 v13, v17  }
0xa1: {  	v19 =	vor.u32 v14, v19  }
0xa2: {  	s9 =	sadd.s32 $0x1, s15;
	s15 =	smov.u32 s14  }
0xa3: {  	v20 =	vadd.s32 s9, v0  }
0xa4: {  	v21 =	vand.u32 $0xF, v20  }
0xa5: {  	[tilespmem:v18+s23+$0x0] =	vst.idx.msk $0xffff, v16;
	v16 =	vor.u32 s2, v21  }
0xa6: {  	v21 =	vand.u32 $0x7, v20;
	v18 =	vld.idx.msk [tilespmem:v19+s16+$0x0], $0xffff;
	v19 =	vand.u32 $0x38, v16  }
0xa7: {  	v17 =	vor.u32 v15, v17;
	v21 =	vor.u32 v21, v19  }
0xa8: {  	v19 =	vor.u32 v1, v21;
	_ =	sdelay $0x2  }
0xa9: {  	v20 =	vshll.u32 v20, $0x7;
	v16 =	vshll.u32 v16, $0x7  }
0xaa: {  	v16 =	vand.u32 $0x1C00, v16;
	[tilespmem:v17+s23+$0x0] =	vst.idx.msk $0xffff, v18;
	v17 =	vand.u32 $0x380, v20  }
0xab: {  	v18 =	vld.idx.msk [tilespmem:v19+s16+$0x0], $0xffff;
	v16 =	vor.u32 v17, v16  }
0xac: {  	v17 =	vor.u32 v0, v16  }
0xad: {  	v19 =	vor.u32 v2, v21;
	_ =	sdelay $0x3  }
0xae: {  	[tilespmem:v17+s23+$0x0] =	vst.idx.msk $0xffff, v18  }
0xaf: {  	v17 =	vld.idx.msk [tilespmem:v19+s16+$0x0], $0xffff  }
0xb0: {  	v18 =	vor.u32 v3, v16  }
0xb1: {  	v19 =	vor.u32 v4, v21;
	_ =	sdelay $0x3  }
0xb2: {  	[tilespmem:v18+s23+$0x0] =	vst.idx.msk $0xffff, v17  }
0xb3: {  	v17 =	vld.idx.msk [tilespmem:v19+s16+$0x0], $0xffff  }
0xb4: {  	v18 =	vor.u32 v5, v16  }
0xb5: {  	v19 =	vor.u32 v6, v21;
	_ =	sdelay $0x3  }
0xb6: {  	[tilespmem:v18+s23+$0x0] =	vst.idx.msk $0xffff, v17  }
0xb7: {  	v17 =	vld.idx.msk [tilespmem:v19+s16+$0x0], $0xffff  }
0xb8: {  	v18 =	vor.u32 v7, v16  }
0xb9: {  	v19 =	vor.u32 v8, v21;
	_ =	sdelay $0x3  }
0xba: {  	[tilespmem:v18+s23+$0x0] =	vst.idx.msk $0xffff, v17  }
0xbb: {  	v17 =	vld.idx.msk [tilespmem:v19+s16+$0x0], $0xffff  }
0xbc: {  	v18 =	vor.u32 v9, v16  }
0xbd: {  	v19 =	vor.u32 v10, v21;
	_ =	sdelay $0x3  }
0xbe: {  	[tilespmem:v18+s23+$0x0] =	vst.idx.msk $0xffff, v17  }
0xbf: {  	v17 =	vld.idx.msk [tilespmem:v19+s16+$0x0], $0xffff  }
0xc0: {  	v18 =	vor.u32 v11, v16  }
0xc1: {  	v19 =	vor.u32 v12, v21;
	_ =	sdelay $0x3  }
0xc2: {  	[tilespmem:v18+s23+$0x0] =	vst.idx.msk $0xffff, v17  }
.Ltmp4:
0xc3: {  	v19 =	vld.idx.msk [tilespmem:v19+s16+$0x0], $0xffff;
	(pc) =	sbr.rel @p1 .LBB2_11-.Ltmp4, $3  }
0xc4: {  	v20 =	vor.u32 v13, v16  }
0xc5: {  	v18 =	vor.u32 v14, v21;
	_ =	sdelay $0x1  }
0xc6: {  	s14 =	sadd.s32 $0x2, s14;
	v17 =	vadd.s32 s15, v0  }
0xc7: {  	_ =	sdelay $0x1  }
0xc8: {  	s2 =	sand.u32 $0x30, s15;
	v21 =	vand.u32 $0xF, v17  }
0xc9: {  	v21 =	vor.u32 s2, v21  }
0xca: {  	[tilespmem:v20+s23+$0x0] =	vst.idx.msk $0xffff, v19;
	v20 =	vand.u32 $0x7, v17;
	v19 =	vand.u32 $0x38, v21  }
0xcb: {  	v16 =	vor.u32 v15, v16;
	v18 =	vld.idx.msk [tilespmem:v18+s16+$0x0], $0xffff;
	v19 =	vor.u32 v20, v19  }
0xcc: {  	v20 =	vor.u32 v1, v19;
	_ =	sdelay $0x1  }
0xcd: {  	v17 =	vshll.u32 v17, $0x7;
	v21 =	vshll.u32 v21, $0x7  }
0xce: {  	v17 =	vand.u32 $0x380, v17;
	v21 =	vand.u32 $0x1C00, v21  }
0xcf: {  	[tilespmem:v16+s23+$0x0] =	vst.idx.msk $0xffff, v18;
	v16 =	vor.u32 v17, v21  }
0xd0: {  	v18 =	vor.u32 v0, v16;
	v17 =	vld.idx.msk [tilespmem:v20+s16+$0x0], $0xffff  }
0xd1: {  	v20 =	vor.u32 v2, v19;
	_ =	sdelay $0x3  }
0xd2: {  	[tilespmem:v18+s23+$0x0] =	vst.idx.msk $0xffff, v17  }
0xd3: {  	v18 =	vor.u32 v3, v16;
	v17 =	vld.idx.msk [tilespmem:v20+s16+$0x0], $0xffff  }
0xd4: {  	v20 =	vor.u32 v4, v19;
	_ =	sdelay $0x3  }
0xd5: {  	[tilespmem:v18+s23+$0x0] =	vst.idx.msk $0xffff, v17  }
0xd6: {  	v18 =	vor.u32 v5, v16;
	v17 =	vld.idx.msk [tilespmem:v20+s16+$0x0], $0xffff  }
0xd7: {  	v20 =	vor.u32 v6, v19;
	_ =	sdelay $0x3  }
0xd8: {  	[tilespmem:v18+s23+$0x0] =	vst.idx.msk $0xffff, v17  }
0xd9: {  	v18 =	vor.u32 v7, v16;
	v17 =	vld.idx.msk [tilespmem:v20+s16+$0x0], $0xffff  }
0xda: {  	v20 =	vor.u32 v8, v19;
	_ =	sdelay $0x3  }
0xdb: {  	[tilespmem:v18+s23+$0x0] =	vst.idx.msk $0xffff, v17  }
0xdc: {  	v18 =	vor.u32 v9, v16;
	v17 =	vld.idx.msk [tilespmem:v20+s16+$0x0], $0xffff  }
0xdd: {  	v20 =	vor.u32 v10, v19;
	_ =	sdelay $0x3  }
0xde: {  	[tilespmem:v18+s23+$0x0] =	vst.idx.msk $0xffff, v17  }
0xdf: {  	v18 =	vor.u32 v11, v16;
	v17 =	vld.idx.msk [tilespmem:v20+s16+$0x0], $0xffff  }
0xe0: {  	v20 =	vor.u32 v12, v19;
	_ =	sdelay $0x3  }
0xe1: {  	[tilespmem:v18+s23+$0x0] =	vst.idx.msk $0xffff, v17  }
0xe2: {  	v18 =	vor.u32 v13, v16;
	v17 =	vld.idx.msk [tilespmem:v20+s16+$0x0], $0xffff  }
0xe3: {  	s9 =	sadd.s32 $0x1, s15;
	v19 =	vor.u32 v14, v19  }
0xe4: {  	v20 =	vadd.s32 s9, v0  }
0xe5: {  	v21 =	vand.u32 $0xF, v20  }
0xe6: {  	v21 =	vor.u32 s2, v21  }
0xe7: {  	[tilespmem:v18+s23+$0x0] =	vst.idx.msk $0xffff, v17;
	v17 =	vand.u32 $0x38, v21;
	v18 =	vand.u32 $0x7, v20  }
0xe8: {  	v16 =	vor.u32 v15, v16;
	v19 =	vld.idx.msk [tilespmem:v19+s16+$0x0], $0xffff;
	v17 =	vor.u32 v18, v17  }
0xe9: {  	v18 =	vor.u32 v1, v17;
	_ =	sdelay $0x1  }
0xea: {  	v21 =	vshll.u32 v21, $0x7;
	v20 =	vshll.u32 v20, $0x7  }
0xeb: {  	v21 =	vand.u32 $0x1C00, v21;
	v20 =	vand.u32 $0x380, v20  }
0xec: {  	[tilespmem:v16+s23+$0x0] =	vst.idx.msk $0xffff, v19;
	v16 =	vor.u32 v20, v21  }
0xed: {  	v18 =	vld.idx.msk [tilespmem:v18+s16+$0x0], $0xffff;
	v19 =	vor.u32 v0, v16  }
0xee: {  	v20 =	vor.u32 v2, v17;
	_ =	sdelay $0x3  }
0xef: {  	[tilespmem:v19+s23+$0x0] =	vst.idx.msk $0xffff, v18  }
0xf0: {  	v19 =	vor.u32 v3, v16;
	v18 =	vld.idx.msk [tilespmem:v20+s16+$0x0], $0xffff  }
0xf1: {  	v20 =	vor.u32 v4, v17;
	_ =	sdelay $0x3  }
0xf2: {  	[tilespmem:v19+s23+$0x0] =	vst.idx.msk $0xffff, v18  }
0xf3: {  	v19 =	vor.u32 v5, v16;
	v18 =	vld.idx.msk [tilespmem:v20+s16+$0x0], $0xffff  }
0xf4: {  	v20 =	vor.u32 v6, v17;
	_ =	sdelay $0x3  }
0xf5: {  	[tilespmem:v19+s23+$0x0] =	vst.idx.msk $0xffff, v18  }
0xf6: {  	v19 =	vor.u32 v7, v16;
	v18 =	vld.idx.msk [tilespmem:v20+s16+$0x0], $0xffff  }
0xf7: {  	v20 =	vor.u32 v8, v17;
	_ =	sdelay $0x3  }
0xf8: {  	[tilespmem:v19+s23+$0x0] =	vst.idx.msk $0xffff, v18  }
0xf9: {  	v19 =	vor.u32 v9, v16;
	v18 =	vld.idx.msk [tilespmem:v20+s16+$0x0], $0xffff  }
0xfa: {  	v20 =	vor.u32 v10, v17;
	_ =	sdelay $0x3  }
0xfb: {  	[tilespmem:v19+s23+$0x0] =	vst.idx.msk $0xffff, v18  }
0xfc: {  	v19 =	vor.u32 v11, v16;
	v18 =	vld.idx.msk [tilespmem:v20+s16+$0x0], $0xffff  }
0xfd: {  	v20 =	vor.u32 v12, v17;
	_ =	sdelay $0x3  }
0xfe: {  	[tilespmem:v19+s23+$0x0] =	vst.idx.msk $0xffff, v18  }
0xff: {  	v19 =	vor.u32 v13, v16;
	v18 =	vld.idx.msk [tilespmem:v20+s16+$0x0], $0xffff  }
0x100: {  	v17 =	vor.u32 v14, v17;
	_ =	sdelay $0x3  }
0x101: {  	[tilespmem:v19+s23+$0x0] =	vst.idx.msk $0xffff, v18  }
0x102: {  	v16 =	vor.u32 v15, v16;
	v17 =	vld.idx.msk [tilespmem:v17+s16+$0x0], $0xffff;
	_ =	sdelay $0x2  }
0x103: {  	s20 =	sadd.s32 $0x1, s13;
	p1 =	seq.s32 s13, $0x31;
	s13 =	sshll.u32 s13, $0x14  }
0x104: {  	s14 =	simm.s32 $0x0;
	s10 =	rddreg [dreg:$0x3];
	s2 =	sshll.u32 @!p1 s20, $0x9  }
0x105: {  	s9 =	simm.s32 @!p1 $0x6400;
	s15 =	sand.u32 @!p1 $0x3FFFFE00, s2;
	s2 =	simm.s32 @!p1 $0x80;
	[tilespmem:v16+s23+$0x0] =	vst.idx.msk $0xffff, v17  }
0x106: {  	[tilespmem:s9], [sflag:$0x1] =	stream.indirect.gather @!p1 [hbm4b:s4+s2], $0x80, s15, s2, $0xb8;
	[tilespmem:$0x1E400] =	vst v63  }
0x107: {  	v16 =	vadd.s32 s14, v0;
	s9 =	sor.u32 s10, s13  }
0x108: {  	s2 =	sand.u32 $0x30, s14;
	v17 =	vand.u32 $0xF, v16;
	s9 =	sshrl.u32 s9, $0x3  }
0x109: {  	v17 =	vor.u32 s2, v17;
	s9 =	sadd.s32 s1, s9  }
0x10a: {  	v19 =	vand.u32 $0x7, v16;
	v18 =	vand.u32 $0x38, v17;
	[hbm4b:s9+s24] =	stream.strided.scatter [tilespmem:s23], [sflag:$0x5], $0x2000, s25, s24, $0x38;
	[tilespmem:$0x1E400] =	vst v63  }
0x10b: {  	v18 =	vor.u32 v19, v18;
	_ =	swait.ge [sflag:s26], $0x4000  }
0x10c: {  	v19 =	vor.u32 v1, v18;
	[sflag:s26] =	ssyncset.done $0x0  }
0x10d: {  	s9 =	simm.s32 @!p0 $0x6;
	[sflag:s26] =	ssyncadd.s32 $0xFFFFC000  }
0x10e: {  	v16 =	vshll.u32 v16, $0x7;
	v17 =	vshll.u32 v17, $0x7;
	_ =	swait.ge @!p0 [sflag:s9], $0x2000  }
0x10f: {  	v16 =	vand.u32 $0x380, v16;
	v17 =	vand.u32 $0x1C00, v17;
	[sflag:s9] =	ssyncset.done @!p0 $0x0  }
0x110: {  	v16 =	vor.u32 v16, v17;
	[sflag:s9] =	ssyncadd.s32 @!p0 $0xFFFFE000  }
0x111: {  	v17 =	vld.idx.msk [tilespmem:v19+s17+$0x0], $0xffff;
	v19 =	vor.u32 v0, v16  }
0x112: {  	v20 =	vor.u32 v2, v18;
	_ =	sdelay $0x3  }
0x113: {  	[tilespmem:v19+s28+$0x0] =	vst.idx.msk $0xffff, v17  }
0x114: {  	v19 =	vor.u32 v3, v16;
	v17 =	vld.idx.msk [tilespmem:v20+s17+$0x0], $0xffff  }
0x115: {  	v20 =	vor.u32 v4, v18;
	_ =	sdelay $0x3  }
0x116: {  	[tilespmem:v19+s28+$0x0] =	vst.idx.msk $0xffff, v17  }
0x117: {  	v19 =	vor.u32 v5, v16;
	v17 =	vld.idx.msk [tilespmem:v20+s17+$0x0], $0xffff  }
0x118: {  	v20 =	vor.u32 v6, v18;
	_ =	sdelay $0x3  }
0x119: {  	[tilespmem:v19+s28+$0x0] =	vst.idx.msk $0xffff, v17  }
0x11a: {  	v19 =	vor.u32 v7, v16;
	v17 =	vld.idx.msk [tilespmem:v20+s17+$0x0], $0xffff  }
0x11b: {  	v20 =	vor.u32 v8, v18;
	_ =	sdelay $0x3  }
0x11c: {  	[tilespmem:v19+s28+$0x0] =	vst.idx.msk $0xffff, v17  }
0x11d: {  	v19 =	vor.u32 v9, v16;
	v17 =	vld.idx.msk [tilespmem:v20+s17+$0x0], $0xffff  }
0x11e: {  	v20 =	vor.u32 v10, v18;
	_ =	sdelay $0x3  }
0x11f: {  	[tilespmem:v19+s28+$0x0] =	vst.idx.msk $0xffff, v17  }
0x120: {  	v19 =	vor.u32 v11, v16;
	v17 =	vld.idx.msk [tilespmem:v20+s17+$0x0], $0xffff  }
0x121: {  	v20 =	vor.u32 v12, v18;
	_ =	sdelay $0x3  }
0x122: {  	[tilespmem:v19+s28+$0x0] =	vst.idx.msk $0xffff, v17  }
0x123: {  	v19 =	vor.u32 v13, v16;
	v17 =	vld.idx.msk [tilespmem:v20+s17+$0x0], $0xffff  }
0x124: {  	s14 =	simm.s32 $0x1;
	v18 =	vor.u32 v14, v18  }
0x125: {  	v20 =	vadd.s32 s14, v0  }
0x126: {  	v21 =	vand.u32 $0xF, v20  }
0x127: {  	v21 =	vor.u32 s2, v21  }
0x128: {  	[tilespmem:v19+s28+$0x0] =	vst.idx.msk $0xffff, v17;
	v17 =	vand.u32 $0x38, v21;
	v19 =	vand.u32 $0x7, v20  }
0x129: {  	v16 =	vor.u32 v15, v16;
	v18 =	vld.idx.msk [tilespmem:v18+s17+$0x0], $0xffff;
	v17 =	vor.u32 v19, v17  }
0x12a: {  	v19 =	vor.u32 v1, v17;
	_ =	sdelay $0x1  }
0x12b: {  	v21 =	vshll.u32 v21, $0x7;
	v20 =	vshll.u32 v20, $0x7  }
0x12c: {  	v21 =	vand.u32 $0x1C00, v21;
	v20 =	vand.u32 $0x380, v20  }
0x12d: {  	[tilespmem:v16+s28+$0x0] =	vst.idx.msk $0xffff, v18;
	v16 =	vor.u32 v20, v21  }
0x12e: {  	v18 =	vld.idx.msk [tilespmem:v19+s17+$0x0], $0xffff;
	v19 =	vor.u32 v0, v16  }
0x12f: {  	v20 =	vor.u32 v2, v17;
	_ =	sdelay $0x3  }
0x130: {  	[tilespmem:v19+s28+$0x0] =	vst.idx.msk $0xffff, v18  }
0x131: {  	v19 =	vor.u32 v3, v16;
	v18 =	vld.idx.msk [tilespmem:v20+s17+$0x0], $0xffff  }
0x132: {  	v20 =	vor.u32 v4, v17;
	_ =	sdelay $0x3  }
0x133: {  	[tilespmem:v19+s28+$0x0] =	vst.idx.msk $0xffff, v18  }
0x134: {  	v19 =	vor.u32 v5, v16;
	v18 =	vld.idx.msk [tilespmem:v20+s17+$0x0], $0xffff  }
0x135: {  	v20 =	vor.u32 v6, v17;
	_ =	sdelay $0x3  }
0x136: {  	[tilespmem:v19+s28+$0x0] =	vst.idx.msk $0xffff, v18  }
0x137: {  	v19 =	vor.u32 v7, v16;
	v18 =	vld.idx.msk [tilespmem:v20+s17+$0x0], $0xffff  }
0x138: {  	v20 =	vor.u32 v8, v17;
	_ =	sdelay $0x3  }
0x139: {  	[tilespmem:v19+s28+$0x0] =	vst.idx.msk $0xffff, v18  }
0x13a: {  	v19 =	vor.u32 v9, v16;
	v18 =	vld.idx.msk [tilespmem:v20+s17+$0x0], $0xffff  }
0x13b: {  	v20 =	vor.u32 v10, v17;
	_ =	sdelay $0x3  }
0x13c: {  	[tilespmem:v19+s28+$0x0] =	vst.idx.msk $0xffff, v18  }
0x13d: {  	v19 =	vor.u32 v11, v16;
	v18 =	vld.idx.msk [tilespmem:v20+s17+$0x0], $0xffff  }
0x13e: {  	v20 =	vor.u32 v12, v17;
	_ =	sdelay $0x3  }
0x13f: {  	[tilespmem:v19+s28+$0x0] =	vst.idx.msk $0xffff, v18  }
0x140: {  	v19 =	vld.idx.msk [tilespmem:v20+s17+$0x0], $0xffff;
	v20 =	vor.u32 v13, v16  }
0x141: {  	v18 =	vor.u32 v14, v17  }
0x142: {  	s14 =	simm.s32 $0x2  }
0x143: {  	s2 =	simm.s32 $0x4;
	v17 =	vadd.s32 s14, v0  }
.LBB2_13:
0x144: {  	p2 =	slt.u32 s2, $0x3E;
	s9 =	sand.u32 $0x30, s14;
	v21 =	vand.u32 $0xF, v17  }
0x145: {  	v21 =	vor.u32 s9, v21;
	[tilespmem:v20+s28+$0x0] =	vst.idx.msk $0xffff, v19  }
0x146: {  	v20 =	vand.u32 $0x7, v17;
	v19 =	vand.u32 $0x38, v21;
	v18 =	vld.idx.msk [tilespmem:v18+s17+$0x0], $0xffff  }
0x147: {  	v16 =	vor.u32 v15, v16;
	v19 =	vor.u32 v20, v19  }
0x148: {  	v20 =	vor.u32 v1, v19;
	_ =	sdelay $0x2  }
0x149: {  	v17 =	vshll.u32 v17, $0x7;
	v21 =	vshll.u32 v21, $0x7  }
0x14a: {  	v17 =	vand.u32 $0x380, v17;
	v21 =	vand.u32 $0x1C00, v21;
	[tilespmem:v16+s28+$0x0] =	vst.idx.msk $0xffff, v18  }
0x14b: {  	v17 =	vor.u32 v17, v21;
	v16 =	vld.idx.msk [tilespmem:v20+s17+$0x0], $0xffff  }
0x14c: {  	v18 =	vor.u32 v0, v17  }
0x14d: {  	v20 =	vor.u32 v2, v19;
	_ =	sdelay $0x3  }
0x14e: {  	[tilespmem:v18+s28+$0x0] =	vst.idx.msk $0xffff, v16  }
0x14f: {  	v16 =	vld.idx.msk [tilespmem:v20+s17+$0x0], $0xffff  }
0x150: {  	v18 =	vor.u32 v3, v17  }
0x151: {  	v20 =	vor.u32 v4, v19;
	_ =	sdelay $0x3  }
0x152: {  	[tilespmem:v18+s28+$0x0] =	vst.idx.msk $0xffff, v16  }
0x153: {  	v16 =	vld.idx.msk [tilespmem:v20+s17+$0x0], $0xffff  }
0x154: {  	v18 =	vor.u32 v5, v17  }
0x155: {  	v20 =	vor.u32 v6, v19;
	_ =	sdelay $0x3  }
0x156: {  	[tilespmem:v18+s28+$0x0] =	vst.idx.msk $0xffff, v16  }
0x157: {  	v16 =	vld.idx.msk [tilespmem:v20+s17+$0x0], $0xffff  }
0x158: {  	v18 =	vor.u32 v7, v17  }
0x159: {  	v20 =	vor.u32 v8, v19;
	_ =	sdelay $0x3  }
0x15a: {  	[tilespmem:v18+s28+$0x0] =	vst.idx.msk $0xffff, v16  }
0x15b: {  	v16 =	vld.idx.msk [tilespmem:v20+s17+$0x0], $0xffff  }
0x15c: {  	v18 =	vor.u32 v9, v17  }
0x15d: {  	v20 =	vor.u32 v10, v19;
	_ =	sdelay $0x3  }
0x15e: {  	[tilespmem:v18+s28+$0x0] =	vst.idx.msk $0xffff, v16  }
0x15f: {  	v16 =	vld.idx.msk [tilespmem:v20+s17+$0x0], $0xffff  }
0x160: {  	v18 =	vor.u32 v11, v17  }
0x161: {  	v20 =	vor.u32 v12, v19;
	_ =	sdelay $0x3  }
0x162: {  	[tilespmem:v18+s28+$0x0] =	vst.idx.msk $0xffff, v16  }
0x163: {  	v16 =	vld.idx.msk [tilespmem:v20+s17+$0x0], $0xffff  }
0x164: {  	v18 =	vor.u32 v13, v17  }
0x165: {  	v19 =	vor.u32 v14, v19  }
0x166: {  	s10 =	sadd.s32 $0x1, s14;
	s14 =	smov.u32 s2  }
0x167: {  	v20 =	vadd.s32 s10, v0  }
0x168: {  	v21 =	vand.u32 $0xF, v20  }
0x169: {  	[tilespmem:v18+s28+$0x0] =	vst.idx.msk $0xffff, v16;
	v16 =	vor.u32 s9, v21  }
0x16a: {  	v21 =	vand.u32 $0x7, v20;
	v18 =	vld.idx.msk [tilespmem:v19+s17+$0x0], $0xffff;
	v19 =	vand.u32 $0x38, v16  }
0x16b: {  	v17 =	vor.u32 v15, v17;
	v21 =	vor.u32 v21, v19  }
0x16c: {  	v19 =	vor.u32 v1, v21;
	_ =	sdelay $0x2  }
0x16d: {  	v20 =	vshll.u32 v20, $0x7;
	v16 =	vshll.u32 v16, $0x7  }
0x16e: {  	v16 =	vand.u32 $0x1C00, v16;
	[tilespmem:v17+s28+$0x0] =	vst.idx.msk $0xffff, v18;
	v17 =	vand.u32 $0x380, v20  }
0x16f: {  	v18 =	vld.idx.msk [tilespmem:v19+s17+$0x0], $0xffff;
	v16 =	vor.u32 v17, v16  }
0x170: {  	v17 =	vor.u32 v0, v16  }
0x171: {  	v19 =	vor.u32 v2, v21;
	_ =	sdelay $0x3  }
0x172: {  	[tilespmem:v17+s28+$0x0] =	vst.idx.msk $0xffff, v18  }
0x173: {  	v17 =	vld.idx.msk [tilespmem:v19+s17+$0x0], $0xffff  }
0x174: {  	v18 =	vor.u32 v3, v16  }
0x175: {  	v19 =	vor.u32 v4, v21;
	_ =	sdelay $0x3  }
0x176: {  	[tilespmem:v18+s28+$0x0] =	vst.idx.msk $0xffff, v17  }
0x177: {  	v17 =	vld.idx.msk [tilespmem:v19+s17+$0x0], $0xffff  }
0x178: {  	v18 =	vor.u32 v5, v16  }
0x179: {  	v19 =	vor.u32 v6, v21;
	_ =	sdelay $0x3  }
0x17a: {  	[tilespmem:v18+s28+$0x0] =	vst.idx.msk $0xffff, v17  }
0x17b: {  	v17 =	vld.idx.msk [tilespmem:v19+s17+$0x0], $0xffff  }
0x17c: {  	v18 =	vor.u32 v7, v16  }
0x17d: {  	v19 =	vor.u32 v8, v21;
	_ =	sdelay $0x3  }
0x17e: {  	[tilespmem:v18+s28+$0x0] =	vst.idx.msk $0xffff, v17  }
0x17f: {  	v17 =	vld.idx.msk [tilespmem:v19+s17+$0x0], $0xffff  }
0x180: {  	v18 =	vor.u32 v9, v16  }
0x181: {  	v19 =	vor.u32 v10, v21;
	_ =	sdelay $0x3  }
0x182: {  	[tilespmem:v18+s28+$0x0] =	vst.idx.msk $0xffff, v17  }
0x183: {  	v17 =	vld.idx.msk [tilespmem:v19+s17+$0x0], $0xffff  }
0x184: {  	v18 =	vor.u32 v11, v16  }
0x185: {  	v19 =	vor.u32 v12, v21;
	_ =	sdelay $0x3  }
0x186: {  	[tilespmem:v18+s28+$0x0] =	vst.idx.msk $0xffff, v17  }
.Ltmp5:
0x187: {  	v19 =	vld.idx.msk [tilespmem:v19+s17+$0x0], $0xffff;
	(pc) =	sbr.rel @p2 .LBB2_13-.Ltmp5, $3  }
0x188: {  	v20 =	vor.u32 v13, v16  }
0x189: {  	v18 =	vor.u32 v14, v21;
	_ =	sdelay $0x1  }
0x18a: {  	s2 =	sadd.s32 $0x2, s2;
	v17 =	vadd.s32 s14, v0  }
0x18b: {  	_ =	sdelay $0x1  }
0x18c: {  	s2 =	sand.u32 $0x30, s14;
	v21 =	vand.u32 $0xF, v17  }
0x18d: {  	v21 =	vor.u32 s2, v21  }
0x18e: {  	[tilespmem:v20+s28+$0x0] =	vst.idx.msk $0xffff, v19;
	v20 =	vand.u32 $0x7, v17;
	v19 =	vand.u32 $0x38, v21  }
0x18f: {  	v16 =	vor.u32 v15, v16;
	v18 =	vld.idx.msk [tilespmem:v18+s17+$0x0], $0xffff;
	v19 =	vor.u32 v20, v19  }
0x190: {  	v20 =	vor.u32 v1, v19;
	_ =	sdelay $0x1  }
0x191: {  	v17 =	vshll.u32 v17, $0x7;
	v21 =	vshll.u32 v21, $0x7  }
0x192: {  	v17 =	vand.u32 $0x380, v17;
	v21 =	vand.u32 $0x1C00, v21  }
0x193: {  	[tilespmem:v16+s28+$0x0] =	vst.idx.msk $0xffff, v18;
	v16 =	vor.u32 v17, v21  }
0x194: {  	v18 =	vor.u32 v0, v16;
	v17 =	vld.idx.msk [tilespmem:v20+s17+$0x0], $0xffff  }
0x195: {  	v20 =	vor.u32 v2, v19;
	_ =	sdelay $0x3  }
0x196: {  	[tilespmem:v18+s28+$0x0] =	vst.idx.msk $0xffff, v17  }
0x197: {  	v18 =	vor.u32 v3, v16;
	v17 =	vld.idx.msk [tilespmem:v20+s17+$0x0], $0xffff  }
0x198: {  	v20 =	vor.u32 v4, v19;
	_ =	sdelay $0x3  }
0x199: {  	[tilespmem:v18+s28+$0x0] =	vst.idx.msk $0xffff, v17  }
0x19a: {  	v18 =	vor.u32 v5, v16;
	v17 =	vld.idx.msk [tilespmem:v20+s17+$0x0], $0xffff  }
0x19b: {  	v20 =	vor.u32 v6, v19;
	_ =	sdelay $0x3  }
0x19c: {  	[tilespmem:v18+s28+$0x0] =	vst.idx.msk $0xffff, v17  }
0x19d: {  	v18 =	vor.u32 v7, v16;
	v17 =	vld.idx.msk [tilespmem:v20+s17+$0x0], $0xffff  }
0x19e: {  	v20 =	vor.u32 v8, v19;
	_ =	sdelay $0x3  }
0x19f: {  	[tilespmem:v18+s28+$0x0] =	vst.idx.msk $0xffff, v17  }
0x1a0: {  	v18 =	vor.u32 v9, v16;
	v17 =	vld.idx.msk [tilespmem:v20+s17+$0x0], $0xffff  }
0x1a1: {  	v20 =	vor.u32 v10, v19;
	_ =	sdelay $0x3  }
0x1a2: {  	[tilespmem:v18+s28+$0x0] =	vst.idx.msk $0xffff, v17  }
0x1a3: {  	v18 =	vor.u32 v11, v16;
	v17 =	vld.idx.msk [tilespmem:v20+s17+$0x0], $0xffff  }
0x1a4: {  	v20 =	vor.u32 v12, v19;
	_ =	sdelay $0x3  }
0x1a5: {  	[tilespmem:v18+s28+$0x0] =	vst.idx.msk $0xffff, v17  }
0x1a6: {  	v18 =	vor.u32 v13, v16;
	v17 =	vld.idx.msk [tilespmem:v20+s17+$0x0], $0xffff  }
0x1a7: {  	s9 =	sadd.s32 $0x1, s14;
	v19 =	vor.u32 v14, v19  }
0x1a8: {  	v20 =	vadd.s32 s9, v0  }
0x1a9: {  	v21 =	vand.u32 $0xF, v20  }
0x1aa: {  	v21 =	vor.u32 s2, v21  }
0x1ab: {  	[tilespmem:v18+s28+$0x0] =	vst.idx.msk $0xffff, v17;
	v17 =	vand.u32 $0x38, v21;
	v18 =	vand.u32 $0x7, v20  }
0x1ac: {  	v16 =	vor.u32 v15, v16;
	v19 =	vld.idx.msk [tilespmem:v19+s17+$0x0], $0xffff;
	v17 =	vor.u32 v18, v17  }
0x1ad: {  	v18 =	vor.u32 v1, v17;
	_ =	sdelay $0x1  }
0x1ae: {  	v21 =	vshll.u32 v21, $0x7;
	v20 =	vshll.u32 v20, $0x7  }
0x1af: {  	v21 =	vand.u32 $0x1C00, v21;
	v20 =	vand.u32 $0x380, v20  }
0x1b0: {  	[tilespmem:v16+s28+$0x0] =	vst.idx.msk $0xffff, v19;
	v16 =	vor.u32 v20, v21  }
0x1b1: {  	v18 =	vld.idx.msk [tilespmem:v18+s17+$0x0], $0xffff;
	v19 =	vor.u32 v0, v16  }
0x1b2: {  	v20 =	vor.u32 v2, v17;
	_ =	sdelay $0x3  }
0x1b3: {  	[tilespmem:v19+s28+$0x0] =	vst.idx.msk $0xffff, v18  }
0x1b4: {  	v19 =	vor.u32 v3, v16;
	v18 =	vld.idx.msk [tilespmem:v20+s17+$0x0], $0xffff  }
0x1b5: {  	v20 =	vor.u32 v4, v17;
	_ =	sdelay $0x3  }
0x1b6: {  	[tilespmem:v19+s28+$0x0] =	vst.idx.msk $0xffff, v18  }
0x1b7: {  	v19 =	vor.u32 v5, v16;
	v18 =	vld.idx.msk [tilespmem:v20+s17+$0x0], $0xffff  }
0x1b8: {  	v20 =	vor.u32 v6, v17;
	_ =	sdelay $0x3  }
0x1b9: {  	[tilespmem:v19+s28+$0x0] =	vst.idx.msk $0xffff, v18  }
0x1ba: {  	v19 =	vor.u32 v7, v16;
	v18 =	vld.idx.msk [tilespmem:v20+s17+$0x0], $0xffff  }
0x1bb: {  	v20 =	vor.u32 v8, v17;
	_ =	sdelay $0x3  }
0x1bc: {  	[tilespmem:v19+s28+$0x0] =	vst.idx.msk $0xffff, v18  }
0x1bd: {  	v19 =	vor.u32 v9, v16;
	v18 =	vld.idx.msk [tilespmem:v20+s17+$0x0], $0xffff  }
0x1be: {  	v20 =	vor.u32 v10, v17;
	_ =	sdelay $0x3  }
0x1bf: {  	[tilespmem:v19+s28+$0x0] =	vst.idx.msk $0xffff, v18  }
0x1c0: {  	v19 =	vor.u32 v11, v16;
	v18 =	vld.idx.msk [tilespmem:v20+s17+$0x0], $0xffff  }
0x1c1: {  	v20 =	vor.u32 v12, v17;
	_ =	sdelay $0x3  }
0x1c2: {  	[tilespmem:v19+s28+$0x0] =	vst.idx.msk $0xffff, v18  }
0x1c3: {  	v19 =	vor.u32 v13, v16;
	v18 =	vld.idx.msk [tilespmem:v20+s17+$0x0], $0xffff  }
0x1c4: {  	v17 =	vor.u32 v14, v17;
	_ =	sdelay $0x3  }
0x1c5: {  	[tilespmem:v19+s28+$0x0] =	vst.idx.msk $0xffff, v18  }
0x1c6: {  	v16 =	vor.u32 v15, v16;
	v17 =	vld.idx.msk [tilespmem:v17+s17+$0x0], $0xffff;
	_ =	sdelay $0x4  }
0x1c7: {  	s10 =	simm.s32 @!p1 $0xA400;
	s9 =	simm.s32 @!p1 $0x80;
	s2 =	sor.u32 @!p1 $0x80, s15;
	[tilespmem:v16+s28+$0x0] =	vst.idx.msk $0xffff, v17  }
0x1c8: {  	[tilespmem:s10], [sflag:$0x2] =	stream.indirect.gather @!p1 [hbm4b:s4+s9], $0x80, s2, s9, $0xb8;
	[tilespmem:$0x1E400] =	vst v63  }
0x1c9: {  	s14 =	simm.s32 $0x0;
	s10 =	rddreg [dreg:$0x4]  }
0x1ca: {  	v16 =	vadd.s32 s14, v0;
	s9 =	sor.u32 s10, s13  }
0x1cb: {  	s2 =	sand.u32 $0x30, s14;
	v17 =	vand.u32 $0xF, v16;
	s9 =	sshrl.u32 s9, $0x3  }
0x1cc: {  	v17 =	vor.u32 s2, v17;
	s9 =	sadd.s32 s1, s9  }
0x1cd: {  	v19 =	vand.u32 $0x7, v16;
	v18 =	vand.u32 $0x38, v17;
	[hbm4b:s9+s24] =	stream.strided.scatter [tilespmem:s28], [sflag:$0x6], $0x2000, s25, s24, $0x38;
	[tilespmem:$0x1E400] =	vst v63  }
0x1ce: {  	v18 =	vor.u32 v19, v18;
	_ =	swait.ge [sflag:s29], $0x4000  }
0x1cf: {  	v19 =	vor.u32 v1, v18;
	[sflag:s29] =	ssyncset.done $0x0  }
0x1d0: {  	s9 =	simm.s32 @!p0 $0x7;
	[sflag:s29] =	ssyncadd.s32 $0xFFFFC000  }
0x1d1: {  	v16 =	vshll.u32 v16, $0x7;
	v17 =	vshll.u32 v17, $0x7;
	_ =	swait.ge @!p0 [sflag:s9], $0x2000  }
0x1d2: {  	v16 =	vand.u32 $0x380, v16;
	v17 =	vand.u32 $0x1C00, v17;
	[sflag:s9] =	ssyncset.done @!p0 $0x0  }
0x1d3: {  	v16 =	vor.u32 v16, v17;
	[sflag:s9] =	ssyncadd.s32 @!p0 $0xFFFFE000  }
0x1d4: {  	v17 =	vld.idx.msk [tilespmem:v19+s19+$0x0], $0xffff;
	v19 =	vor.u32 v0, v16  }
0x1d5: {  	v20 =	vor.u32 v2, v18;
	_ =	sdelay $0x3  }
0x1d6: {  	[tilespmem:v19+s30+$0x0] =	vst.idx.msk $0xffff, v17  }
0x1d7: {  	v19 =	vor.u32 v3, v16;
	v17 =	vld.idx.msk [tilespmem:v20+s19+$0x0], $0xffff  }
0x1d8: {  	v20 =	vor.u32 v4, v18;
	_ =	sdelay $0x3  }
0x1d9: {  	[tilespmem:v19+s30+$0x0] =	vst.idx.msk $0xffff, v17  }
0x1da: {  	v19 =	vor.u32 v5, v16;
	v17 =	vld.idx.msk [tilespmem:v20+s19+$0x0], $0xffff  }
0x1db: {  	v20 =	vor.u32 v6, v18;
	_ =	sdelay $0x3  }
0x1dc: {  	[tilespmem:v19+s30+$0x0] =	vst.idx.msk $0xffff, v17  }
0x1dd: {  	v19 =	vor.u32 v7, v16;
	v17 =	vld.idx.msk [tilespmem:v20+s19+$0x0], $0xffff  }
0x1de: {  	v20 =	vor.u32 v8, v18;
	_ =	sdelay $0x3  }
0x1df: {  	[tilespmem:v19+s30+$0x0] =	vst.idx.msk $0xffff, v17  }
0x1e0: {  	v19 =	vor.u32 v9, v16;
	v17 =	vld.idx.msk [tilespmem:v20+s19+$0x0], $0xffff  }
0x1e1: {  	v20 =	vor.u32 v10, v18;
	_ =	sdelay $0x3  }
0x1e2: {  	[tilespmem:v19+s30+$0x0] =	vst.idx.msk $0xffff, v17  }
0x1e3: {  	v19 =	vor.u32 v11, v16;
	v17 =	vld.idx.msk [tilespmem:v20+s19+$0x0], $0xffff  }
0x1e4: {  	v20 =	vor.u32 v12, v18;
	_ =	sdelay $0x3  }
0x1e5: {  	[tilespmem:v19+s30+$0x0] =	vst.idx.msk $0xffff, v17  }
0x1e6: {  	v19 =	vor.u32 v13, v16;
	v17 =	vld.idx.msk [tilespmem:v20+s19+$0x0], $0xffff  }
0x1e7: {  	s14 =	simm.s32 $0x1;
	v18 =	vor.u32 v14, v18  }
0x1e8: {  	v20 =	vadd.s32 s14, v0  }
0x1e9: {  	v21 =	vand.u32 $0xF, v20  }
0x1ea: {  	v21 =	vor.u32 s2, v21  }
0x1eb: {  	[tilespmem:v19+s30+$0x0] =	vst.idx.msk $0xffff, v17;
	v17 =	vand.u32 $0x38, v21;
	v19 =	vand.u32 $0x7, v20  }
0x1ec: {  	v16 =	vor.u32 v15, v16;
	v18 =	vld.idx.msk [tilespmem:v18+s19+$0x0], $0xffff;
	v17 =	vor.u32 v19, v17  }
0x1ed: {  	v19 =	vor.u32 v1, v17;
	_ =	sdelay $0x1  }
0x1ee: {  	v21 =	vshll.u32 v21, $0x7;
	v20 =	vshll.u32 v20, $0x7  }
0x1ef: {  	v21 =	vand.u32 $0x1C00, v21;
	v20 =	vand.u32 $0x380, v20  }
0x1f0: {  	[tilespmem:v16+s30+$0x0] =	vst.idx.msk $0xffff, v18;
	v16 =	vor.u32 v20, v21  }
0x1f1: {  	v18 =	vld.idx.msk [tilespmem:v19+s19+$0x0], $0xffff;
	v19 =	vor.u32 v0, v16  }
0x1f2: {  	v20 =	vor.u32 v2, v17;
	_ =	sdelay $0x3  }
0x1f3: {  	[tilespmem:v19+s30+$0x0] =	vst.idx.msk $0xffff, v18  }
0x1f4: {  	v19 =	vor.u32 v3, v16;
	v18 =	vld.idx.msk [tilespmem:v20+s19+$0x0], $0xffff  }
0x1f5: {  	v20 =	vor.u32 v4, v17;
	_ =	sdelay $0x3  }
0x1f6: {  	[tilespmem:v19+s30+$0x0] =	vst.idx.msk $0xffff, v18  }
0x1f7: {  	v19 =	vor.u32 v5, v16;
	v18 =	vld.idx.msk [tilespmem:v20+s19+$0x0], $0xffff  }
0x1f8: {  	v20 =	vor.u32 v6, v17;
	_ =	sdelay $0x3  }
0x1f9: {  	[tilespmem:v19+s30+$0x0] =	vst.idx.msk $0xffff, v18  }
0x1fa: {  	v19 =	vor.u32 v7, v16;
	v18 =	vld.idx.msk [tilespmem:v20+s19+$0x0], $0xffff  }
0x1fb: {  	v20 =	vor.u32 v8, v17;
	_ =	sdelay $0x3  }
0x1fc: {  	[tilespmem:v19+s30+$0x0] =	vst.idx.msk $0xffff, v18  }
0x1fd: {  	v19 =	vor.u32 v9, v16;
	v18 =	vld.idx.msk [tilespmem:v20+s19+$0x0], $0xffff  }
0x1fe: {  	v20 =	vor.u32 v10, v17;
	_ =	sdelay $0x3  }
0x1ff: {  	[tilespmem:v19+s30+$0x0] =	vst.idx.msk $0xffff, v18  }
0x200: {  	v19 =	vor.u32 v11, v16;
	v18 =	vld.idx.msk [tilespmem:v20+s19+$0x0], $0xffff  }
0x201: {  	v20 =	vor.u32 v12, v17;
	_ =	sdelay $0x3  }
0x202: {  	[tilespmem:v19+s30+$0x0] =	vst.idx.msk $0xffff, v18  }
0x203: {  	v19 =	vld.idx.msk [tilespmem:v20+s19+$0x0], $0xffff;
	v20 =	vor.u32 v13, v16  }
0x204: {  	v18 =	vor.u32 v14, v17  }
0x205: {  	s14 =	simm.s32 $0x2  }
0x206: {  	s2 =	simm.s32 $0x4;
	v17 =	vadd.s32 s14, v0  }
.LBB2_15:
0x207: {  	p2 =	slt.u32 s2, $0x3E;
	s9 =	sand.u32 $0x30, s14;
	v21 =	vand.u32 $0xF, v17  }
0x208: {  	v21 =	vor.u32 s9, v21;
	[tilespmem:v20+s30+$0x0] =	vst.idx.msk $0xffff, v19  }
0x209: {  	v20 =	vand.u32 $0x7, v17;
	v19 =	vand.u32 $0x38, v21;
	v18 =	vld.idx.msk [tilespmem:v18+s19+$0x0], $0xffff  }
0x20a: {  	v16 =	vor.u32 v15, v16;
	v19 =	vor.u32 v20, v19  }
0x20b: {  	v20 =	vor.u32 v1, v19;
	_ =	sdelay $0x2  }
0x20c: {  	v17 =	vshll.u32 v17, $0x7;
	v21 =	vshll.u32 v21, $0x7  }
0x20d: {  	v17 =	vand.u32 $0x380, v17;
	v21 =	vand.u32 $0x1C00, v21;
	[tilespmem:v16+s30+$0x0] =	vst.idx.msk $0xffff, v18  }
0x20e: {  	v17 =	vor.u32 v17, v21;
	v16 =	vld.idx.msk [tilespmem:v20+s19+$0x0], $0xffff  }
0x20f: {  	v18 =	vor.u32 v0, v17  }
0x210: {  	v20 =	vor.u32 v2, v19;
	_ =	sdelay $0x3  }
0x211: {  	[tilespmem:v18+s30+$0x0] =	vst.idx.msk $0xffff, v16  }
0x212: {  	v16 =	vld.idx.msk [tilespmem:v20+s19+$0x0], $0xffff  }
0x213: {  	v18 =	vor.u32 v3, v17  }
0x214: {  	v20 =	vor.u32 v4, v19;
	_ =	sdelay $0x3  }
0x215: {  	[tilespmem:v18+s30+$0x0] =	vst.idx.msk $0xffff, v16  }
0x216: {  	v16 =	vld.idx.msk [tilespmem:v20+s19+$0x0], $0xffff  }
0x217: {  	v18 =	vor.u32 v5, v17  }
0x218: {  	v20 =	vor.u32 v6, v19;
	_ =	sdelay $0x3  }
0x219: {  	[tilespmem:v18+s30+$0x0] =	vst.idx.msk $0xffff, v16  }
0x21a: {  	v16 =	vld.idx.msk [tilespmem:v20+s19+$0x0], $0xffff  }
0x21b: {  	v18 =	vor.u32 v7, v17  }
0x21c: {  	v20 =	vor.u32 v8, v19;
	_ =	sdelay $0x3  }
0x21d: {  	[tilespmem:v18+s30+$0x0] =	vst.idx.msk $0xffff, v16  }
0x21e: {  	v16 =	vld.idx.msk [tilespmem:v20+s19+$0x0], $0xffff  }
0x21f: {  	v18 =	vor.u32 v9, v17  }
0x220: {  	v20 =	vor.u32 v10, v19;
	_ =	sdelay $0x3  }
0x221: {  	[tilespmem:v18+s30+$0x0] =	vst.idx.msk $0xffff, v16  }
0x222: {  	v16 =	vld.idx.msk [tilespmem:v20+s19+$0x0], $0xffff  }
0x223: {  	v18 =	vor.u32 v11, v17  }
0x224: {  	v20 =	vor.u32 v12, v19;
	_ =	sdelay $0x3  }
0x225: {  	[tilespmem:v18+s30+$0x0] =	vst.idx.msk $0xffff, v16  }
0x226: {  	v16 =	vld.idx.msk [tilespmem:v20+s19+$0x0], $0xffff  }
0x227: {  	v18 =	vor.u32 v13, v17  }
0x228: {  	v19 =	vor.u32 v14, v19  }
0x229: {  	s10 =	sadd.s32 $0x1, s14;
	s14 =	smov.u32 s2  }
0x22a: {  	v20 =	vadd.s32 s10, v0  }
0x22b: {  	v21 =	vand.u32 $0xF, v20  }
0x22c: {  	[tilespmem:v18+s30+$0x0] =	vst.idx.msk $0xffff, v16;
	v16 =	vor.u32 s9, v21  }
0x22d: {  	v21 =	vand.u32 $0x7, v20;
	v18 =	vld.idx.msk [tilespmem:v19+s19+$0x0], $0xffff;
	v19 =	vand.u32 $0x38, v16  }
0x22e: {  	v17 =	vor.u32 v15, v17;
	v21 =	vor.u32 v21, v19  }
0x22f: {  	v19 =	vor.u32 v1, v21;
	_ =	sdelay $0x2  }
0x230: {  	v20 =	vshll.u32 v20, $0x7;
	v16 =	vshll.u32 v16, $0x7  }
0x231: {  	v16 =	vand.u32 $0x1C00, v16;
	[tilespmem:v17+s30+$0x0] =	vst.idx.msk $0xffff, v18;
	v17 =	vand.u32 $0x380, v20  }
0x232: {  	v18 =	vld.idx.msk [tilespmem:v19+s19+$0x0], $0xffff;
	v16 =	vor.u32 v17, v16  }
0x233: {  	v17 =	vor.u32 v0, v16  }
0x234: {  	v19 =	vor.u32 v2, v21;
	_ =	sdelay $0x3  }
0x235: {  	[tilespmem:v17+s30+$0x0] =	vst.idx.msk $0xffff, v18  }
0x236: {  	v17 =	vld.idx.msk [tilespmem:v19+s19+$0x0], $0xffff  }
0x237: {  	v18 =	vor.u32 v3, v16  }
0x238: {  	v19 =	vor.u32 v4, v21;
	_ =	sdelay $0x3  }
0x239: {  	[tilespmem:v18+s30+$0x0] =	vst.idx.msk $0xffff, v17  }
0x23a: {  	v17 =	vld.idx.msk [tilespmem:v19+s19+$0x0], $0xffff  }
0x23b: {  	v18 =	vor.u32 v5, v16  }
0x23c: {  	v19 =	vor.u32 v6, v21;
	_ =	sdelay $0x3  }
0x23d: {  	[tilespmem:v18+s30+$0x0] =	vst.idx.msk $0xffff, v17  }
0x23e: {  	v17 =	vld.idx.msk [tilespmem:v19+s19+$0x0], $0xffff  }
0x23f: {  	v18 =	vor.u32 v7, v16  }
0x240: {  	v19 =	vor.u32 v8, v21;
	_ =	sdelay $0x3  }
0x241: {  	[tilespmem:v18+s30+$0x0] =	vst.idx.msk $0xffff, v17  }
0x242: {  	v17 =	vld.idx.msk [tilespmem:v19+s19+$0x0], $0xffff  }
0x243: {  	v18 =	vor.u32 v9, v16  }
0x244: {  	v19 =	vor.u32 v10, v21;
	_ =	sdelay $0x3  }
0x245: {  	[tilespmem:v18+s30+$0x0] =	vst.idx.msk $0xffff, v17  }
0x246: {  	v17 =	vld.idx.msk [tilespmem:v19+s19+$0x0], $0xffff  }
0x247: {  	v18 =	vor.u32 v11, v16  }
0x248: {  	v19 =	vor.u32 v12, v21;
	_ =	sdelay $0x3  }
0x249: {  	[tilespmem:v18+s30+$0x0] =	vst.idx.msk $0xffff, v17  }
.Ltmp6:
0x24a: {  	v19 =	vld.idx.msk [tilespmem:v19+s19+$0x0], $0xffff;
	(pc) =	sbr.rel @p2 .LBB2_15-.Ltmp6, $3  }
0x24b: {  	v20 =	vor.u32 v13, v16  }
0x24c: {  	v18 =	vor.u32 v14, v21;
	_ =	sdelay $0x1  }
0x24d: {  	s2 =	sadd.s32 $0x2, s2;
	v17 =	vadd.s32 s14, v0  }
0x24e: {  	_ =	sdelay $0x1  }
0x24f: {  	s2 =	sand.u32 $0x30, s14;
	v21 =	vand.u32 $0xF, v17  }
0x250: {  	v21 =	vor.u32 s2, v21  }
0x251: {  	[tilespmem:v20+s30+$0x0] =	vst.idx.msk $0xffff, v19;
	v20 =	vand.u32 $0x7, v17;
	v19 =	vand.u32 $0x38, v21  }
0x252: {  	v16 =	vor.u32 v15, v16;
	v18 =	vld.idx.msk [tilespmem:v18+s19+$0x0], $0xffff;
	v19 =	vor.u32 v20, v19  }
0x253: {  	v20 =	vor.u32 v1, v19;
	_ =	sdelay $0x1  }
0x254: {  	v17 =	vshll.u32 v17, $0x7;
	v21 =	vshll.u32 v21, $0x7  }
0x255: {  	v17 =	vand.u32 $0x380, v17;
	v21 =	vand.u32 $0x1C00, v21  }
0x256: {  	[tilespmem:v16+s30+$0x0] =	vst.idx.msk $0xffff, v18;
	v16 =	vor.u32 v17, v21  }
0x257: {  	v18 =	vor.u32 v0, v16;
	v17 =	vld.idx.msk [tilespmem:v20+s19+$0x0], $0xffff  }
0x258: {  	v20 =	vor.u32 v2, v19;
	_ =	sdelay $0x3  }
0x259: {  	[tilespmem:v18+s30+$0x0] =	vst.idx.msk $0xffff, v17  }
0x25a: {  	v18 =	vor.u32 v3, v16;
	v17 =	vld.idx.msk [tilespmem:v20+s19+$0x0], $0xffff  }
0x25b: {  	v20 =	vor.u32 v4, v19;
	_ =	sdelay $0x3  }
0x25c: {  	[tilespmem:v18+s30+$0x0] =	vst.idx.msk $0xffff, v17  }
0x25d: {  	v18 =	vor.u32 v5, v16;
	v17 =	vld.idx.msk [tilespmem:v20+s19+$0x0], $0xffff  }
0x25e: {  	v20 =	vor.u32 v6, v19;
	_ =	sdelay $0x3  }
0x25f: {  	[tilespmem:v18+s30+$0x0] =	vst.idx.msk $0xffff, v17  }
0x260: {  	v18 =	vor.u32 v7, v16;
	v17 =	vld.idx.msk [tilespmem:v20+s19+$0x0], $0xffff  }
0x261: {  	v20 =	vor.u32 v8, v19;
	_ =	sdelay $0x3  }
0x262: {  	[tilespmem:v18+s30+$0x0] =	vst.idx.msk $0xffff, v17  }
0x263: {  	v18 =	vor.u32 v9, v16;
	v17 =	vld.idx.msk [tilespmem:v20+s19+$0x0], $0xffff  }
0x264: {  	v20 =	vor.u32 v10, v19;
	_ =	sdelay $0x3  }
0x265: {  	[tilespmem:v18+s30+$0x0] =	vst.idx.msk $0xffff, v17  }
0x266: {  	v18 =	vor.u32 v11, v16;
	v17 =	vld.idx.msk [tilespmem:v20+s19+$0x0], $0xffff  }
0x267: {  	v20 =	vor.u32 v12, v19;
	_ =	sdelay $0x3  }
0x268: {  	[tilespmem:v18+s30+$0x0] =	vst.idx.msk $0xffff, v17  }
0x269: {  	v18 =	vor.u32 v13, v16;
	v17 =	vld.idx.msk [tilespmem:v20+s19+$0x0], $0xffff  }
0x26a: {  	s9 =	sadd.s32 $0x1, s14;
	v19 =	vor.u32 v14, v19  }
0x26b: {  	v20 =	vadd.s32 s9, v0  }
0x26c: {  	v21 =	vand.u32 $0xF, v20  }
0x26d: {  	v21 =	vor.u32 s2, v21  }
0x26e: {  	[tilespmem:v18+s30+$0x0] =	vst.idx.msk $0xffff, v17;
	v17 =	vand.u32 $0x38, v21;
	v18 =	vand.u32 $0x7, v20  }
0x26f: {  	v16 =	vor.u32 v15, v16;
	v19 =	vld.idx.msk [tilespmem:v19+s19+$0x0], $0xffff;
	v17 =	vor.u32 v18, v17  }
0x270: {  	v18 =	vor.u32 v1, v17;
	_ =	sdelay $0x1  }
0x271: {  	v21 =	vshll.u32 v21, $0x7;
	v20 =	vshll.u32 v20, $0x7  }
0x272: {  	v21 =	vand.u32 $0x1C00, v21;
	v20 =	vand.u32 $0x380, v20  }
0x273: {  	[tilespmem:v16+s30+$0x0] =	vst.idx.msk $0xffff, v19;
	v16 =	vor.u32 v20, v21  }
0x274: {  	v18 =	vld.idx.msk [tilespmem:v18+s19+$0x0], $0xffff;
	v19 =	vor.u32 v0, v16  }
0x275: {  	v20 =	vor.u32 v2, v17;
	_ =	sdelay $0x3  }
0x276: {  	[tilespmem:v19+s30+$0x0] =	vst.idx.msk $0xffff, v18  }
0x277: {  	v19 =	vor.u32 v3, v16;
	v18 =	vld.idx.msk [tilespmem:v20+s19+$0x0], $0xffff  }
0x278: {  	v20 =	vor.u32 v4, v17;
	_ =	sdelay $0x3  }
0x279: {  	[tilespmem:v19+s30+$0x0] =	vst.idx.msk $0xffff, v18  }
0x27a: {  	v19 =	vor.u32 v5, v16;
	v18 =	vld.idx.msk [tilespmem:v20+s19+$0x0], $0xffff  }
0x27b: {  	v20 =	vor.u32 v6, v17;
	_ =	sdelay $0x3  }
0x27c: {  	[tilespmem:v19+s30+$0x0] =	vst.idx.msk $0xffff, v18  }
0x27d: {  	v19 =	vor.u32 v7, v16;
	v18 =	vld.idx.msk [tilespmem:v20+s19+$0x0], $0xffff  }
0x27e: {  	v20 =	vor.u32 v8, v17;
	_ =	sdelay $0x3  }
0x27f: {  	[tilespmem:v19+s30+$0x0] =	vst.idx.msk $0xffff, v18  }
0x280: {  	v19 =	vor.u32 v9, v16;
	v18 =	vld.idx.msk [tilespmem:v20+s19+$0x0], $0xffff  }
0x281: {  	v20 =	vor.u32 v10, v17;
	_ =	sdelay $0x3  }
0x282: {  	[tilespmem:v19+s30+$0x0] =	vst.idx.msk $0xffff, v18  }
0x283: {  	v19 =	vor.u32 v11, v16;
	v18 =	vld.idx.msk [tilespmem:v20+s19+$0x0], $0xffff  }
0x284: {  	v20 =	vor.u32 v12, v17;
	_ =	sdelay $0x3  }
0x285: {  	[tilespmem:v19+s30+$0x0] =	vst.idx.msk $0xffff, v18  }
0x286: {  	v19 =	vor.u32 v13, v16;
	v18 =	vld.idx.msk [tilespmem:v20+s19+$0x0], $0xffff  }
0x287: {  	v17 =	vor.u32 v14, v17;
	_ =	sdelay $0x3  }
0x288: {  	[tilespmem:v19+s30+$0x0] =	vst.idx.msk $0xffff, v18  }
0x289: {  	v16 =	vor.u32 v15, v16;
	v17 =	vld.idx.msk [tilespmem:v17+s19+$0x0], $0xffff;
	_ =	sdelay $0x3  }
0x28a: {  	s10 =	simm.s32 @!p1 $0xE400  }
0x28b: {  	s14 =	simm.s32 $0x0;
	s9 =	simm.s32 @!p1 $0x80;
	s2 =	sor.u32 @!p1 $0x100, s15;
	[tilespmem:v16+s30+$0x0] =	vst.idx.msk $0xffff, v17  }
0x28c: {  	[tilespmem:s10], [sflag:$0x3] =	stream.indirect.gather @!p1 [hbm4b:s4+s9], $0x80, s2, s9, $0xb8;
	[tilespmem:$0x1E400] =	vst v63  }
0x28d: {  	v16 =	vadd.s32 s14, v0;
	s10 =	sor.u32 s11, s13  }
0x28e: {  	s2 =	sand.u32 $0x30, s14;
	v17 =	vand.u32 $0xF, v16;
	s9 =	sshrl.u32 s10, $0x3  }
0x28f: {  	v17 =	vor.u32 s2, v17;
	s9 =	sadd.s32 s1, s9  }
0x290: {  	v19 =	vand.u32 $0x7, v16;
	v18 =	vand.u32 $0x38, v17;
	[hbm4b:s9+s24] =	stream.strided.scatter [tilespmem:s30], [sflag:$0x7], $0x2000, s25, s24, $0x38;
	[tilespmem:$0x1E400] =	vst v63  }
0x291: {  	v18 =	vor.u32 v19, v18;
	_ =	swait.ge [sflag:s31], $0x4000  }
0x292: {  	v19 =	vor.u32 v1, v18;
	[sflag:s31] =	ssyncset.done $0x0  }
0x293: {  	s9 =	simm.s32 @!p0 $0x8;
	[sflag:s31] =	ssyncadd.s32 $0xFFFFC000  }
0x294: {  	v16 =	vshll.u32 v16, $0x7;
	v17 =	vshll.u32 v17, $0x7;
	_ =	swait.ge @!p0 [sflag:s9], $0x2000  }
0x295: {  	v16 =	vand.u32 $0x380, v16;
	v17 =	vand.u32 $0x1C00, v17;
	[sflag:s9] =	ssyncset.done @!p0 $0x0  }
0x296: {  	v16 =	vor.u32 v16, v17;
	[sflag:s9] =	ssyncadd.s32 @!p0 $0xFFFFE000  }
0x297: {  	v17 =	vld.idx.msk [tilespmem:v19+s21+$0x0], $0xffff;
	v19 =	vor.u32 v0, v16  }
0x298: {  	v20 =	vor.u32 v2, v18;
	_ =	sdelay $0x3  }
0x299: {  	[tilespmem:v19+s0+$0x0] =	vst.idx.msk $0xffff, v17  }
0x29a: {  	v19 =	vor.u32 v3, v16;
	v17 =	vld.idx.msk [tilespmem:v20+s21+$0x0], $0xffff  }
0x29b: {  	v20 =	vor.u32 v4, v18;
	_ =	sdelay $0x3  }
0x29c: {  	[tilespmem:v19+s0+$0x0] =	vst.idx.msk $0xffff, v17  }
0x29d: {  	v19 =	vor.u32 v5, v16;
	v17 =	vld.idx.msk [tilespmem:v20+s21+$0x0], $0xffff  }
0x29e: {  	v20 =	vor.u32 v6, v18;
	_ =	sdelay $0x3  }
0x29f: {  	[tilespmem:v19+s0+$0x0] =	vst.idx.msk $0xffff, v17  }
0x2a0: {  	v19 =	vor.u32 v7, v16;
	v17 =	vld.idx.msk [tilespmem:v20+s21+$0x0], $0xffff  }
0x2a1: {  	v20 =	vor.u32 v8, v18;
	_ =	sdelay $0x3  }
0x2a2: {  	[tilespmem:v19+s0+$0x0] =	vst.idx.msk $0xffff, v17  }
0x2a3: {  	v19 =	vor.u32 v9, v16;
	v17 =	vld.idx.msk [tilespmem:v20+s21+$0x0], $0xffff  }
0x2a4: {  	v20 =	vor.u32 v10, v18;
	_ =	sdelay $0x3  }
0x2a5: {  	[tilespmem:v19+s0+$0x0] =	vst.idx.msk $0xffff, v17  }
0x2a6: {  	v19 =	vor.u32 v11, v16;
	v17 =	vld.idx.msk [tilespmem:v20+s21+$0x0], $0xffff  }
0x2a7: {  	v20 =	vor.u32 v12, v18;
	_ =	sdelay $0x3  }
0x2a8: {  	[tilespmem:v19+s0+$0x0] =	vst.idx.msk $0xffff, v17  }
0x2a9: {  	v19 =	vor.u32 v13, v16;
	v17 =	vld.idx.msk [tilespmem:v20+s21+$0x0], $0xffff  }
0x2aa: {  	s14 =	simm.s32 $0x1;
	v18 =	vor.u32 v14, v18  }
0x2ab: {  	v20 =	vadd.s32 s14, v0  }
0x2ac: {  	v21 =	vand.u32 $0xF, v20  }
0x2ad: {  	v21 =	vor.u32 s2, v21  }
0x2ae: {  	[tilespmem:v19+s0+$0x0] =	vst.idx.msk $0xffff, v17;
	v17 =	vand.u32 $0x38, v21;
	v19 =	vand.u32 $0x7, v20  }
0x2af: {  	v16 =	vor.u32 v15, v16;
	v18 =	vld.idx.msk [tilespmem:v18+s21+$0x0], $0xffff;
	v17 =	vor.u32 v19, v17  }
0x2b0: {  	v19 =	vor.u32 v1, v17;
	_ =	sdelay $0x1  }
0x2b1: {  	v21 =	vshll.u32 v21, $0x7;
	v20 =	vshll.u32 v20, $0x7  }
0x2b2: {  	v21 =	vand.u32 $0x1C00, v21;
	v20 =	vand.u32 $0x380, v20  }
0x2b3: {  	[tilespmem:v16+s0+$0x0] =	vst.idx.msk $0xffff, v18;
	v16 =	vor.u32 v20, v21  }
0x2b4: {  	v18 =	vld.idx.msk [tilespmem:v19+s21+$0x0], $0xffff;
	v19 =	vor.u32 v0, v16  }
0x2b5: {  	v20 =	vor.u32 v2, v17;
	_ =	sdelay $0x3  }
0x2b6: {  	[tilespmem:v19+s0+$0x0] =	vst.idx.msk $0xffff, v18  }
0x2b7: {  	v19 =	vor.u32 v3, v16;
	v18 =	vld.idx.msk [tilespmem:v20+s21+$0x0], $0xffff  }
0x2b8: {  	v20 =	vor.u32 v4, v17;
	_ =	sdelay $0x3  }
0x2b9: {  	[tilespmem:v19+s0+$0x0] =	vst.idx.msk $0xffff, v18  }
0x2ba: {  	v19 =	vor.u32 v5, v16;
	v18 =	vld.idx.msk [tilespmem:v20+s21+$0x0], $0xffff  }
0x2bb: {  	v20 =	vor.u32 v6, v17;
	_ =	sdelay $0x3  }
0x2bc: {  	[tilespmem:v19+s0+$0x0] =	vst.idx.msk $0xffff, v18  }
0x2bd: {  	v19 =	vor.u32 v7, v16;
	v18 =	vld.idx.msk [tilespmem:v20+s21+$0x0], $0xffff  }
0x2be: {  	v20 =	vor.u32 v8, v17;
	_ =	sdelay $0x3  }
0x2bf: {  	[tilespmem:v19+s0+$0x0] =	vst.idx.msk $0xffff, v18  }
0x2c0: {  	v19 =	vor.u32 v9, v16;
	v18 =	vld.idx.msk [tilespmem:v20+s21+$0x0], $0xffff  }
0x2c1: {  	v20 =	vor.u32 v10, v17;
	_ =	sdelay $0x3  }
0x2c2: {  	[tilespmem:v19+s0+$0x0] =	vst.idx.msk $0xffff, v18  }
0x2c3: {  	v19 =	vor.u32 v11, v16;
	v18 =	vld.idx.msk [tilespmem:v20+s21+$0x0], $0xffff  }
0x2c4: {  	v20 =	vor.u32 v12, v17;
	_ =	sdelay $0x3  }
0x2c5: {  	[tilespmem:v19+s0+$0x0] =	vst.idx.msk $0xffff, v18  }
0x2c6: {  	v19 =	vld.idx.msk [tilespmem:v20+s21+$0x0], $0xffff;
	v20 =	vor.u32 v13, v16  }
0x2c7: {  	v18 =	vor.u32 v14, v17  }
0x2c8: {  	s14 =	simm.s32 $0x2  }
0x2c9: {  	s2 =	simm.s32 $0x4;
	v17 =	vadd.s32 s14, v0  }
.LBB2_17:
0x2ca: {  	p0 =	slt.u32 s2, $0x3E;
	s9 =	sand.u32 $0x30, s14;
	v21 =	vand.u32 $0xF, v17  }
0x2cb: {  	v21 =	vor.u32 s9, v21;
	[tilespmem:v20+s0+$0x0] =	vst.idx.msk $0xffff, v19  }
0x2cc: {  	v20 =	vand.u32 $0x7, v17;
	v19 =	vand.u32 $0x38, v21;
	v18 =	vld.idx.msk [tilespmem:v18+s21+$0x0], $0xffff  }
0x2cd: {  	v16 =	vor.u32 v15, v16;
	v19 =	vor.u32 v20, v19  }
0x2ce: {  	v20 =	vor.u32 v1, v19;
	_ =	sdelay $0x2  }
0x2cf: {  	v17 =	vshll.u32 v17, $0x7;
	v21 =	vshll.u32 v21, $0x7  }
0x2d0: {  	v17 =	vand.u32 $0x380, v17;
	v21 =	vand.u32 $0x1C00, v21;
	[tilespmem:v16+s0+$0x0] =	vst.idx.msk $0xffff, v18  }
0x2d1: {  	v17 =	vor.u32 v17, v21;
	v16 =	vld.idx.msk [tilespmem:v20+s21+$0x0], $0xffff  }
0x2d2: {  	v18 =	vor.u32 v0, v17  }
0x2d3: {  	v20 =	vor.u32 v2, v19;
	_ =	sdelay $0x3  }
0x2d4: {  	[tilespmem:v18+s0+$0x0] =	vst.idx.msk $0xffff, v16  }
0x2d5: {  	v16 =	vld.idx.msk [tilespmem:v20+s21+$0x0], $0xffff  }
0x2d6: {  	v18 =	vor.u32 v3, v17  }
0x2d7: {  	v20 =	vor.u32 v4, v19;
	_ =	sdelay $0x3  }
0x2d8: {  	[tilespmem:v18+s0+$0x0] =	vst.idx.msk $0xffff, v16  }
0x2d9: {  	v16 =	vld.idx.msk [tilespmem:v20+s21+$0x0], $0xffff  }
0x2da: {  	v18 =	vor.u32 v5, v17  }
0x2db: {  	v20 =	vor.u32 v6, v19;
	_ =	sdelay $0x3  }
0x2dc: {  	[tilespmem:v18+s0+$0x0] =	vst.idx.msk $0xffff, v16  }
0x2dd: {  	v16 =	vld.idx.msk [tilespmem:v20+s21+$0x0], $0xffff  }
0x2de: {  	v18 =	vor.u32 v7, v17  }
0x2df: {  	v20 =	vor.u32 v8, v19;
	_ =	sdelay $0x3  }
0x2e0: {  	[tilespmem:v18+s0+$0x0] =	vst.idx.msk $0xffff, v16  }
0x2e1: {  	v16 =	vld.idx.msk [tilespmem:v20+s21+$0x0], $0xffff  }
0x2e2: {  	v18 =	vor.u32 v9, v17  }
0x2e3: {  	v20 =	vor.u32 v10, v19;
	_ =	sdelay $0x3  }
0x2e4: {  	[tilespmem:v18+s0+$0x0] =	vst.idx.msk $0xffff, v16  }
0x2e5: {  	v16 =	vld.idx.msk [tilespmem:v20+s21+$0x0], $0xffff  }
0x2e6: {  	v18 =	vor.u32 v11, v17  }
0x2e7: {  	v20 =	vor.u32 v12, v19;
	_ =	sdelay $0x3  }
0x2e8: {  	[tilespmem:v18+s0+$0x0] =	vst.idx.msk $0xffff, v16  }
0x2e9: {  	v16 =	vld.idx.msk [tilespmem:v20+s21+$0x0], $0xffff  }
0x2ea: {  	v18 =	vor.u32 v13, v17  }
0x2eb: {  	v19 =	vor.u32 v14, v19  }
0x2ec: {  	s10 =	sadd.s32 $0x1, s14;
	s14 =	smov.u32 s2  }
0x2ed: {  	v20 =	vadd.s32 s10, v0  }
0x2ee: {  	v21 =	vand.u32 $0xF, v20  }
0x2ef: {  	[tilespmem:v18+s0+$0x0] =	vst.idx.msk $0xffff, v16;
	v16 =	vor.u32 s9, v21  }
0x2f0: {  	v21 =	vand.u32 $0x7, v20;
	v18 =	vld.idx.msk [tilespmem:v19+s21+$0x0], $0xffff;
	v19 =	vand.u32 $0x38, v16  }
0x2f1: {  	v17 =	vor.u32 v15, v17;
	v21 =	vor.u32 v21, v19  }
0x2f2: {  	v19 =	vor.u32 v1, v21;
	_ =	sdelay $0x2  }
0x2f3: {  	v20 =	vshll.u32 v20, $0x7;
	v16 =	vshll.u32 v16, $0x7  }
0x2f4: {  	v16 =	vand.u32 $0x1C00, v16;
	[tilespmem:v17+s0+$0x0] =	vst.idx.msk $0xffff, v18;
	v17 =	vand.u32 $0x380, v20  }
0x2f5: {  	v18 =	vld.idx.msk [tilespmem:v19+s21+$0x0], $0xffff;
	v16 =	vor.u32 v17, v16  }
0x2f6: {  	v17 =	vor.u32 v0, v16  }
0x2f7: {  	v19 =	vor.u32 v2, v21;
	_ =	sdelay $0x3  }
0x2f8: {  	[tilespmem:v17+s0+$0x0] =	vst.idx.msk $0xffff, v18  }
0x2f9: {  	v17 =	vld.idx.msk [tilespmem:v19+s21+$0x0], $0xffff  }
0x2fa: {  	v18 =	vor.u32 v3, v16  }
0x2fb: {  	v19 =	vor.u32 v4, v21;
	_ =	sdelay $0x3  }
0x2fc: {  	[tilespmem:v18+s0+$0x0] =	vst.idx.msk $0xffff, v17  }
0x2fd: {  	v17 =	vld.idx.msk [tilespmem:v19+s21+$0x0], $0xffff  }
0x2fe: {  	v18 =	vor.u32 v5, v16  }
0x2ff: {  	v19 =	vor.u32 v6, v21;
	_ =	sdelay $0x3  }
0x300: {  	[tilespmem:v18+s0+$0x0] =	vst.idx.msk $0xffff, v17  }
0x301: {  	v17 =	vld.idx.msk [tilespmem:v19+s21+$0x0], $0xffff  }
0x302: {  	v18 =	vor.u32 v7, v16  }
0x303: {  	v19 =	vor.u32 v8, v21;
	_ =	sdelay $0x3  }
0x304: {  	[tilespmem:v18+s0+$0x0] =	vst.idx.msk $0xffff, v17  }
0x305: {  	v17 =	vld.idx.msk [tilespmem:v19+s21+$0x0], $0xffff  }
0x306: {  	v18 =	vor.u32 v9, v16  }
0x307: {  	v19 =	vor.u32 v10, v21;
	_ =	sdelay $0x3  }
0x308: {  	[tilespmem:v18+s0+$0x0] =	vst.idx.msk $0xffff, v17  }
0x309: {  	v17 =	vld.idx.msk [tilespmem:v19+s21+$0x0], $0xffff  }
0x30a: {  	v18 =	vor.u32 v11, v16  }
0x30b: {  	v19 =	vor.u32 v12, v21;
	_ =	sdelay $0x3  }
0x30c: {  	[tilespmem:v18+s0+$0x0] =	vst.idx.msk $0xffff, v17  }
.Ltmp7:
0x30d: {  	v19 =	vld.idx.msk [tilespmem:v19+s21+$0x0], $0xffff;
	(pc) =	sbr.rel @p0 .LBB2_17-.Ltmp7, $3  }
0x30e: {  	v20 =	vor.u32 v13, v16  }
0x30f: {  	v18 =	vor.u32 v14, v21;
	_ =	sdelay $0x1  }
0x310: {  	s2 =	sadd.s32 $0x2, s2;
	v17 =	vadd.s32 s14, v0  }
0x311: {  	_ =	sdelay $0x1  }
0x312: {  	s2 =	sand.u32 $0x30, s14;
	v21 =	vand.u32 $0xF, v17  }
0x313: {  	v21 =	vor.u32 s2, v21  }
0x314: {  	[tilespmem:v20+s0+$0x0] =	vst.idx.msk $0xffff, v19;
	v34 =	vand.u32 $0x7, v17;
	v33 =	vand.u32 $0x38, v21  }
0x315: {  	v16 =	vor.u32 v15, v16;
	v18 =	vld.idx.msk [tilespmem:v18+s21+$0x0], $0xffff;
	v19 =	vor.u32 v34, v33  }
0x316: {  	v20 =	vor.u32 v1, v19;
	_ =	sdelay $0x1  }
0x317: {  	v17 =	vshll.u32 v17, $0x7;
	v21 =	vshll.u32 v21, $0x7  }
0x318: {  	v17 =	vand.u32 $0x380, v17;
	v21 =	vand.u32 $0x1C00, v21  }
0x319: {  	[tilespmem:v16+s0+$0x0] =	vst.idx.msk $0xffff, v18;
	v16 =	vor.u32 v17, v21  }
0x31a: {  	v35 =	vor.u32 v0, v16;
	v17 =	vld.idx.msk [tilespmem:v20+s21+$0x0], $0xffff  }
0x31b: {  	v36 =	vor.u32 v2, v19;
	_ =	sdelay $0x3  }
0x31c: {  	[tilespmem:v35+s0+$0x0] =	vst.idx.msk $0xffff, v17  }
0x31d: {  	v37 =	vor.u32 v3, v16;
	v17 =	vld.idx.msk [tilespmem:v36+s21+$0x0], $0xffff  }
0x31e: {  	v38 =	vor.u32 v4, v19;
	_ =	sdelay $0x3  }
0x31f: {  	[tilespmem:v37+s0+$0x0] =	vst.idx.msk $0xffff, v17  }
0x320: {  	v39 =	vor.u32 v5, v16;
	v17 =	vld.idx.msk [tilespmem:v38+s21+$0x0], $0xffff  }
0x321: {  	v40 =	vor.u32 v6, v19;
	_ =	sdelay $0x3  }
0x322: {  	[tilespmem:v39+s0+$0x0] =	vst.idx.msk $0xffff, v17  }
0x323: {  	v41 =	vor.u32 v7, v16;
	v17 =	vld.idx.msk [tilespmem:v40+s21+$0x0], $0xffff  }
0x324: {  	v42 =	vor.u32 v8, v19;
	_ =	sdelay $0x3  }
0x325: {  	[tilespmem:v41+s0+$0x0] =	vst.idx.msk $0xffff, v17  }
0x326: {  	v43 =	vor.u32 v9, v16;
	v17 =	vld.idx.msk [tilespmem:v42+s21+$0x0], $0xffff  }
0x327: {  	v44 =	vor.u32 v10, v19;
	_ =	sdelay $0x3  }
0x328: {  	[tilespmem:v43+s0+$0x0] =	vst.idx.msk $0xffff, v17  }
0x329: {  	v45 =	vor.u32 v11, v16;
	v17 =	vld.idx.msk [tilespmem:v44+s21+$0x0], $0xffff  }
0x32a: {  	v46 =	vor.u32 v12, v19;
	_ =	sdelay $0x3  }
0x32b: {  	[tilespmem:v45+s0+$0x0] =	vst.idx.msk $0xffff, v17  }
0x32c: {  	v47 =	vor.u32 v13, v16;
	v17 =	vld.idx.msk [tilespmem:v46+s21+$0x0], $0xffff  }
0x32d: {  	s9 =	sadd.s32 $0x1, s14;
	v19 =	vor.u32 v14, v19  }
0x32e: {  	v48 =	vadd.s32 s9, v0  }
0x32f: {  	v49 =	vand.u32 $0xF, v48  }
0x330: {  	v21 =	vor.u32 s2, v49  }
0x331: {  	v50 =	vand.u32 $0x7, v48;
	[tilespmem:v47+s0+$0x0] =	vst.idx.msk $0xffff, v17;
	v17 =	vand.u32 $0x38, v21  }
0x332: {  	v16 =	vor.u32 v15, v16;
	v19 =	vld.idx.msk [tilespmem:v19+s21+$0x0], $0xffff;
	v17 =	vor.u32 v50, v17  }
0x333: {  	v18 =	vor.u32 v1, v17;
	_ =	sdelay $0x1  }
0x334: {  	v20 =	vshll.u32 v48, $0x7;
	v21 =	vshll.u32 v21, $0x7  }
0x335: {  	v20 =	vand.u32 $0x380, v20;
	v21 =	vand.u32 $0x1C00, v21  }
0x336: {  	[tilespmem:v16+s0+$0x0] =	vst.idx.msk $0xffff, v19;
	v16 =	vor.u32 v20, v21  }
0x337: {  	v18 =	vld.idx.msk [tilespmem:v18+s21+$0x0], $0xffff;
	v51 =	vor.u32 v0, v16  }
0x338: {  	v52 =	vor.u32 v2, v17;
	_ =	sdelay $0x3  }
0x339: {  	[tilespmem:v51+s0+$0x0] =	vst.idx.msk $0xffff, v18  }
0x33a: {  	v53 =	vor.u32 v3, v16;
	v18 =	vld.idx.msk [tilespmem:v52+s21+$0x0], $0xffff  }
0x33b: {  	v54 =	vor.u32 v4, v17;
	_ =	sdelay $0x3  }
0x33c: {  	[tilespmem:v53+s0+$0x0] =	vst.idx.msk $0xffff, v18  }
0x33d: {  	v55 =	vor.u32 v5, v16;
	v18 =	vld.idx.msk [tilespmem:v54+s21+$0x0], $0xffff  }
0x33e: {  	v56 =	vor.u32 v6, v17;
	_ =	sdelay $0x3  }
0x33f: {  	[tilespmem:v55+s0+$0x0] =	vst.idx.msk $0xffff, v18  }
0x340: {  	v57 =	vor.u32 v7, v16;
	v18 =	vld.idx.msk [tilespmem:v56+s21+$0x0], $0xffff  }
0x341: {  	v58 =	vor.u32 v8, v17;
	_ =	sdelay $0x3  }
0x342: {  	[tilespmem:v57+s0+$0x0] =	vst.idx.msk $0xffff, v18  }
0x343: {  	v59 =	vor.u32 v9, v16;
	v18 =	vld.idx.msk [tilespmem:v58+s21+$0x0], $0xffff  }
0x344: {  	v60 =	vor.u32 v10, v17;
	_ =	sdelay $0x3  }
0x345: {  	[tilespmem:v59+s0+$0x0] =	vst.idx.msk $0xffff, v18  }
0x346: {  	v61 =	vor.u32 v11, v16;
	v18 =	vld.idx.msk [tilespmem:v60+s21+$0x0], $0xffff  }
0x347: {  	v62 =	vor.u32 v12, v17;
	_ =	sdelay $0x3  }
0x348: {  	[tilespmem:v61+s0+$0x0] =	vst.idx.msk $0xffff, v18  }
0x349: {  	v63 =	vor.u32 v13, v16;
	v18 =	vld.idx.msk [tilespmem:v62+s21+$0x0], $0xffff  }
0x34a: {  	v17 =	vor.u32 v14, v17;
	_ =	sdelay $0x3  }
0x34b: {  	[tilespmem:v63+s0+$0x0] =	vst.idx.msk $0xffff, v18  }
0x34c: {  	v16 =	vor.u32 v15, v16;
	v17 =	vld.idx.msk [tilespmem:v17+s21+$0x0], $0xffff;
	_ =	sdelay $0x3  }
0x34d: {  	s10 =	simm.s32 @!p1 $0x12400;
	p0 =	sne.s32 s20, $0x32;
	s9 =	simm.s32 @!p1 $0x80  }
.Ltmp8:
0x34e: {  	s2 =	sor.u32 @!p1 $0x180, s15;
	s15 =	sor.u32 s12, s13;
	[tilespmem:v16+s0+$0x0] =	vst.idx.msk $0xffff, v17;
	(pc) =	sbr.rel @p0 .LBB2_10-.Ltmp8, $4  }
0x34f: {  	[tilespmem:s10], [sflag:$0x4] =	stream.indirect.gather @!p1 [hbm4b:s4+s9], $0x80, s2, s9, $0xb8;
	[tilespmem:$0x1E400] =	vst v63  }
0x350: {  	s2 =	sshrl.u32 s15, $0x3  }
0x351: {  	s13 =	smov.u32 s20;
	s2 =	sadd.s32 s1, s2  }
0x352: {  	[hbm4b:s2+s24] =	stream.strided.scatter [tilespmem:s0], [sflag:$0x8], $0x2000, s25, s24, $0x38;
	[tilespmem:$0x1E400] =	vst v63  }
0x353: {  	s2 =	simm.s32 $0x5  }
0x354: {  	_ =	swait.ge [sflag:s2], $0x2000  }
0x355: {  	[sflag:s2] =	ssyncset.done $0x0  }
0x356: {  	s14 =	simm.s32 $0x6;
	[sflag:s2] =	ssyncadd.s32 $0xFFFFE000  }
0x357: {  	_ =	swait.ge [sflag:s14], $0x2000  }
0x358: {  	[sflag:s14] =	ssyncset.done $0x0  }
0x359: {  	s15 =	simm.s32 $0x7;
	[sflag:s14] =	ssyncadd.s32 $0xFFFFE000  }
0x35a: {  	_ =	swait.ge [sflag:s15], $0x2000  }
0x35b: {  	[sflag:s15] =	ssyncset.done $0x0  }
0x35c: {  	s9 =	simm.s32 $0x8;
	[sflag:s15] =	ssyncadd.s32 $0xFFFFE000  }
0x35d: {  	_ =	swait.ge [sflag:s9], $0x2000  }
0x35e: {  	s13 =	rddreg [dreg:$0x6]  }
0x35f: {  	s20 =	rddreg [dreg:$0x5];
	s13 =	sadd.s32 $0x1, s13  }
0x360: {  	p0 =	sne.s32 s13, s20  }
.Ltmp9:
0x361: {  	_ = 	snop;
	(pc) =	sbr.rel @p0 .LBB2_1-.Ltmp9, $3  }
0x362: {  	_ =	sdelay $0x1  }
0x363: {  	[sflag:s9] =	ssyncset.done $0x0  }
0x364: {  	s10 =	simm.s32 $0x9;
	[sflag:s9] =	ssyncadd.s32 $0xFFFFE000  }
0x365: {  	_ =	sfence.sel $0x180000  }
0x366: {  	[bflag:$0x0] =	sbarrier.arrive $0xFFFF  }
0x367: {  	_ =	strace $0x90000047  }
0x368: {  	s0 =	stileid.u32;
	[bflag:$0x2] =	sbarrier.arrive $0xFFFF  }
0x369: {  	p0 =	sne.s32 s0, $0x0;
	s0 =	rddreg [dreg:$0x2]  }
0x36a: {  	s0 =	sadd.s32 @!p0 $0x100000, s0  }
0x36b: {  	[sflag:s0] =	ssyncadd.tile.s32 @!p0 $0x1;
	_ =	shalt  }
.Lfunc_end2:
_tile_overlayer_lowered:
.L_overlay_start_2:
0x36c: {  	(tag) =	ssettag $0x2  }
0x36d: {  	s0 =	rddreg [dreg:$0x0];
	s2 =	stileid.u32  }
0x36e: {  	s1 =	rddreg [dreg:$0x1];
	p0 =	sne.s32 s2, $0x0  }
0x36f: {  	s3 =	rddreg [dreg:$0x2];
	[bflag:$0x3] =	sbarrier.arrive $0xFFFF;
	s2 =	simm.s32 @!p0 $0x1C09  }
0x370: {  	[timem:s3], [sflag:s2] =	dma.local @!p0 [hbm:s0], s1  }
0x371: {  	s0 =	simm.s32 @!p0 $0x9  }
0x372: {  	_ =	swait.ge @!p0 [sflag:s0], s1  }
0x373: {  	s1 =	ssub.s32 @!p0 $0x0, s1;
	[sflag:s0] =	ssyncset.done @!p0 $0x0  }
0x374: {  	[sflag:s0] =	ssyncadd.s32 @!p0 s1  }
0x375: {  	[bflag:$0x3] =	sbarrier.arrive $0xFFFF  }
0x376: {  	_ =	shalt  }

</sc_bundles>
